<compile_context>
chip_gen: v7x
topology: tpu7x:2x2x1
jax: 0.10.2.dev20260603
libtpu: 0.0.44.dev20260713+nightly
codegen_flags: <defaults>
</compile_context>

<pallas_src>
import functools

import jax
import jax.numpy as jnp
from jax import lax
from jax.experimental import pallas as pl
from jax.experimental.pallas import tpu as pltpu
from jax.experimental.pallas import tpu_sc as plsc

N = 10000
E = 320000
D = 128
NC = 2
NS = 16
NW = NC * NS
EPW = E // NW
CH = 128
NFULL = EPW // CH
TAIL = EPW - NFULL * CH
RPT = 624
SLC = 640

_mesh = plsc.VectorSubcoreMesh(core_axis_name="c", subcore_axis_name="s")


@functools.partial(
    pl.kernel,
    out_type=jax.ShapeDtypeStruct((NC * N, D), jnp.float32),
    scratch_types=[
        pltpu.VMEM((2, CH), jnp.int32),
        pltpu.VMEM((2, CH), jnp.int32),
        pltpu.VMEM((2, CH, D), jnp.float32),
        pltpu.VMEM((TAIL,), jnp.int32),
        pltpu.VMEM((TAIL,), jnp.int32),
        pltpu.VMEM((TAIL, D), jnp.float32),
        pltpu.VMEM_SHARED((N, D), jnp.float32),
        pltpu.SemaphoreType.DMA((6,)),
    ],
    mesh=_mesh,
)
def _seg_sum(x_hbm, src_hbm, dst_hbm, zrow_hbm, part_hbm,
             src2, dst2, rows2, src_t, dst_t, rows_t, acc_sh, sem):
  cid = lax.axis_index("c")
  sid = lax.axis_index("s")
  wid = sid * NC + cid
  t0 = sid * RPT

  pltpu.sync_copy(zrow_hbm, acc_sh.at[pl.ds(t0, SLC)])
  plsc.subcore_barrier()

  base = wid * EPW

  def _load_idx(c, b):
    off = base + c * CH
    pltpu.async_copy(src_hbm.at[pl.ds(off, CH)], src2.at[b], sem.at[2 + b])
    pltpu.async_copy(dst_hbm.at[pl.ds(off, CH)], dst2.at[b], sem.at[4 + b])

  def _wait_idx(c, b):
    off = base + c * CH
    pltpu.make_async_copy(src_hbm.at[pl.ds(off, CH)], src2.at[b],
                          sem.at[2 + b]).wait()
    pltpu.make_async_copy(dst_hbm.at[pl.ds(off, CH)], dst2.at[b],
                          sem.at[4 + b]).wait()

  def _start_gather(b):
    pltpu.async_copy(x_hbm.at[src2.at[b]], rows2.at[b], sem.at[b])

  def _finish_chunk(b):
    pltpu.make_async_copy(x_hbm.at[src2.at[b]], rows2.at[b], sem.at[b]).wait()
    pltpu.sync_copy(rows2.at[b], acc_sh.at[dst2.at[b]], add=True)

  _load_idx(0, 0)
  _wait_idx(0, 0)
  _start_gather(0)
  _load_idx(1, 1)

  @pl.loop(0, (NFULL - 2) // 2)
  def _edge_loop(g2):
    for b in (0, 1):
      c = g2 * 2 + b
      _wait_idx(c + 1, b ^ 1)
      _start_gather(b ^ 1)
      _finish_chunk(b)
      _load_idx(c + 2, b)

  _wait_idx(NFULL - 1, 1)
  _start_gather(1)
  _finish_chunk(0)
  _finish_chunk(1)

  offt = base + NFULL * CH
  pltpu.sync_copy(src_hbm.at[pl.ds(offt, TAIL)], src_t)
  pltpu.sync_copy(dst_hbm.at[pl.ds(offt, TAIL)], dst_t)
  pltpu.async_copy(x_hbm.at[src_t], rows_t, sem.at[0]).wait()
  pltpu.sync_copy(rows_t, acc_sh.at[dst_t], add=True)

  plsc.subcore_barrier()
  pltpu.sync_copy(acc_sh.at[pl.ds(t0, SLC)],
                  part_hbm.at[pl.ds(cid * N + t0, SLC)])


NPAD = 10240


@functools.partial(
    pl.kernel,
    out_type=jax.ShapeDtypeStruct((NW * NPAD,), jnp.float32),
    scratch_types=[
        pltpu.VMEM((2, CH), jnp.int32),
        pltpu.VMEM((TAIL,), jnp.int32),
        pltpu.VMEM((NPAD,), jnp.float32),
        pltpu.SemaphoreType.DMA((2,)),
    ],
    mesh=_mesh,
    compiler_params=pltpu.CompilerParams(needs_layout_passes=False),
)
def _deg_hist(dst_hbm, degp_hbm, dst2, dst_t, degloc, sem):
  cid = lax.axis_index("c")
  sid = lax.axis_index("s")
  wid = sid * NC + cid
  base = wid * EPW

  def _load(c, b):
    pltpu.async_copy(dst_hbm.at[pl.ds(base + c * CH, CH)], dst2.at[b],
                     sem.at[b])

  def _wait(c, b):
    pltpu.make_async_copy(dst_hbm.at[pl.ds(base + c * CH, CH)], dst2.at[b],
                          sem.at[b]).wait()

  _load(0, 0)

  zero16 = jnp.zeros((16,), jnp.float32)

  @pl.loop(0, NPAD // 16)
  def _zero(i):
    degloc[pl.ds(i * 16, 16)] = zero16

  ones16 = jnp.ones((16,), jnp.float32)

  @pl.loop(0, NFULL // 2 - 1)
  def _chunk(g2):
    for b in (0, 1):
      c = g2 * 2 + b
      _load(c + 1, b ^ 1)
      _wait(c, b)
      for j in range(CH // 16):
        idx = dst2[b, pl.ds(j * 16, 16)]
        plsc.addupdate_scatter(degloc, [idx], ones16)

  _load(NFULL - 1, 1)
  for b in (0, 1):
    _wait(NFULL - 2 + b, b)
    for j in range(CH // 16):
      idx = dst2[b, pl.ds(j * 16, 16)]
      plsc.addupdate_scatter(degloc, [idx], ones16)

  offt = base + NFULL * CH
  pltpu.sync_copy(dst_hbm.at[pl.ds(offt, TAIL)], dst_t)
  plsc.addupdate_scatter(degloc, [dst_t[...]], ones16)

  pltpu.sync_copy(degloc, degp_hbm.at[pl.ds(wid * NPAD, NPAD)])


def _mm1_body(p_ref, degt_ref, x_ref, wl_ref, wr_ref, b_ref,
              z_ref, s_ref, ss_ref):
  s = p_ref[0] + p_ref[1]
  deg = jnp.sum(degt_ref[...], axis=1, keepdims=True)
  agg = s / jnp.maximum(deg, 1.0)
  z = (lax.dot_general(agg, wl_ref[...], (((1,), (1,)), ((), ())),
                       preferred_element_type=jnp.float32)
       + lax.dot_general(x_ref[...], wr_ref[...], (((1,), (1,)), ((), ())),
                         preferred_element_type=jnp.float32)
       + b_ref[...])
  z_ref[...] = z
  s_ref[...] = jnp.broadcast_to(jnp.sum(z, axis=0, keepdims=True), (8, D))
  ss_ref[...] = jnp.broadcast_to(jnp.sum(z * z, axis=0, keepdims=True), (8, D))


_mm1 = pl.pallas_call(
    _mm1_body,
    out_shape=[
        jax.ShapeDtypeStruct((N, D), jnp.float32),
        jax.ShapeDtypeStruct((8, D), jnp.float32),
        jax.ShapeDtypeStruct((8, D), jnp.float32),
    ],
)


def _bn_relu_body(z_ref, s_ref, ss_ref, g_ref, bt_ref, h_ref):
  mean = s_ref[0:1] * (1.0 / N)
  var = ss_ref[0:1] * (1.0 / N) - mean * mean
  inv = lax.rsqrt(var + 1e-5)
  h = (z_ref[...] - mean) * (inv * g_ref[...]) + bt_ref[...]
  h_ref[...] = jnp.maximum(h, 0.0)


_bn_relu = pl.pallas_call(
    _bn_relu_body,
    out_shape=jax.ShapeDtypeStruct((N, D), jnp.float32),
)


def _mm2_body(p_ref, degt_ref, h_ref, wl_ref, wr_ref, b_ref, o_ref):
  s = p_ref[0] + p_ref[1]
  deg = jnp.sum(degt_ref[...], axis=1, keepdims=True)
  agg = s / jnp.maximum(deg, 1.0)
  o_ref[...] = (lax.dot_general(agg, wl_ref[...], (((1,), (1,)), ((), ())),
                                preferred_element_type=jnp.float32)
                + lax.dot_general(h_ref[...], wr_ref[...], (((1,), (1,)), ((), ())),
                                  preferred_element_type=jnp.float32)
                + b_ref[...])


_mm2 = pl.pallas_call(
    _mm2_body,
    out_shape=jax.ShapeDtypeStruct((N, D), jnp.float32),
)


def kernel(x, edge_index, W1l, W1r, b1, gamma, beta, W2l, W2r, b2):
  src = edge_index[0].astype(jnp.int32)
  dst = edge_index[1].astype(jnp.int32)

  zrow = jnp.zeros((SLC, D), jnp.float32)

  degt = _deg_hist(dst).reshape(NW, NPAD)[:, :N].T
  part1 = _seg_sum(x, src, dst, zrow).reshape(NC, N, D)
  z, s, ss = _mm1(part1, degt, x, W1l, W1r, b1.reshape(1, D))
  h = _bn_relu(z, s, ss, gamma.reshape(1, D), beta.reshape(1, D))
  part2 = _seg_sum(h, src, dst, zrow).reshape(NC, N, D)
  out = _mm2(part2, degt, h, W2l, W2r, b2.reshape(1, D))
  return out

# --- scband reference (transcript-rebuilt; emitter-appended) ---
"""Pipeline reference for scband-graph-sage-28759101014107 (READ-ONLY COPY).

The authoritative reference and input builder live on the scoring server;
editing this copy changes nothing except your own understanding.
"""

import jax, jax.numpy as jnp
import numpy as np

N = 10000
E = 320000
D_IN = 128
D_HID = 128
D_OUT = 128

def setup_inputs(seed: int = 0) -> dict:
    key = jax.random.key(seed)
    ks = jax.random.split(key, 12)
    x = jax.random.normal(ks[0], (N, D_IN), dtype=jnp.float32)
    edge_index = jax.random.randint(ks[1], (2, E), 0, N, dtype=jnp.int64)
    s1 = 1.0 / np.sqrt(D_IN)
    s2 = 1.0 / np.sqrt(D_HID)
    W1l = jax.random.uniform(ks[2], (D_HID, D_IN), jnp.float32, -s1, s1)
    W1r = jax.random.uniform(ks[3], (D_HID, D_IN), jnp.float32, -s1, s1)
    b1 = jax.random.uniform(ks[4], (D_HID,), jnp.float32, -s1, s1)
    gamma = jnp.ones((D_HID,), jnp.float32)
    beta = jnp.zeros((D_HID,), jnp.float32)
    W2l = jax.random.uniform(ks[5], (D_OUT, D_HID), jnp.float32, -s2, s2)
    W2r = jax.random.uniform(ks[6], (D_OUT, D_HID), jnp.float32, -s2, s2)
    b2 = jax.random.uniform(ks[7], (D_OUT,), jnp.float32, -s2, s2)
    return {"x": x, "edge_index": edge_index, "W1l": W1l, "W1r": W1r, "b1": b1,
            "gamma": gamma, "beta": beta, "W2l": W2l, "W2r": W2r, "b2": b2}

def _sage_conv(x, edge_index, Wl, Wr, b, num_nodes):
    src = edge_index[0]
    dst = edge_index[1]
    msg = jnp.take(x, src, axis=0)
    agg_sum = jax.ops.segment_sum(msg, dst, num_segments=num_nodes)
    deg = jax.ops.segment_sum(jnp.ones((msg.shape[0],), x.dtype), dst, num_segments=num_nodes)
    agg = agg_sum / jnp.maximum(deg, 1.0)[:, None]
    return agg @ Wl.T + x @ Wr.T + b

def _batchnorm(x, gamma, beta, eps=1e-5):
    mean = jnp.mean(x, axis=0)
    var = jnp.var(x, axis=0)
    return (x - mean) / jnp.sqrt(var + eps) * gamma + beta

def reference(x, edge_index, W1l, W1r, b1, gamma, beta, W2l, W2r, b2):
    h = _sage_conv(x, edge_index, W1l, W1r, b1, N)
    h = _batchnorm(h, gamma, beta)
    h = jax.nn.relu(h)
    # dropout p=0.0 -> identity
    out = _sage_conv(h, edge_index, W2l, W2r, b2, N)
    return out

if __name__ == "__main__":
    import jax
    _d = setup_inputs()
    print(jax.jit(kernel)(*tuple(_d.values())))

</pallas_src>

<mosaic_0001>
#map = affine_map<(d0, d1) -> (0)>
module attributes {stable_mosaic.version = 14 : i64} {
  func.func @_deg_hist(%arg0: i32, %arg1: i32, %arg2: memref<320000xi32, #tpu.memory_space<hbm>>, %arg3: memref<327680xf32, #tpu.memory_space<hbm>>, %arg4: memref<2x128xi32, #tpu.memory_space<vmem>>, %arg5: memref<16xi32, #tpu.memory_space<vmem>>, %arg6: memref<10240xf32, #tpu.memory_space<vmem>>, %arg7: memref<2x!tpu.dma_semaphore, #tpu.memory_space<semaphore_mem>>) attributes {dimension_semantics = [#tpu.dimension_semantics<core_parallel>, #tpu.dimension_semantics<subcore_parallel>], iteration_bounds = array<i64: 2, 16>, scalar_prefetch = 0 : i64, scratch_operands = 4 : i64, tpu.core_type = #tpu.core_type<sc_vector_subcore>, window_params = [{transform_indices = #map}, {transform_indices = #map}]} {
    %mul3A = arith.constant 2 : i32
    %mul3A_0 = arith.muli %arg1, %mul3A : i32
    %add3A = arith.addi %mul3A_0, %arg0 : i32
    %mul3A_1 = arith.constant 10000 : i32
    %mul3A_2 = arith.muli %add3A, %mul3A_1 : i32
    %add3A_3 = arith.constant 0 : i32
    %add3A_4 = arith.addi %mul3A_2, %add3A_3 : i32
    %dma_start3A = arith.constant 0 : i32
    %dma_start3A_5 = arith.constant 0 : i32
    %dma_start3A_6 = arith.constant 0 : i32
    %dma_start3A_7 = tpu.memref_slice %arg4[%dma_start3A, %dma_start3A_6] : memref<2x128xi32, #tpu.memory_space<vmem>> -> memref<1x128xi32, #tpu.memory_space<vmem>>
    %dma_start3A_8 = tpu.memref_squeeze %dma_start3A_7 : memref<1x128xi32, #tpu.memory_space<vmem>> -> memref<128xi32, #tpu.memory_space<vmem>>
    %dma_start3A_9 = tpu.memref_slice %arg2[%add3A_4] : memref<320000xi32, #tpu.memory_space<hbm>> -> memref<128xi32, #tpu.memory_space<hbm>>
    %dma_start3A_10 = tpu.memref_slice %arg7[%dma_start3A_5] : memref<2x!tpu.dma_semaphore, #tpu.memory_space<semaphore_mem>> -> memref<1x!tpu.dma_semaphore, #tpu.memory_space<semaphore_mem>>
    %dma_start3A_11 = tpu.memref_squeeze %dma_start3A_10 : memref<1x!tpu.dma_semaphore, #tpu.memory_space<semaphore_mem>> -> memref<!tpu.dma_semaphore, #tpu.memory_space<semaphore_mem>>
    %dma_start3A_12 = arith.constant 0 : i32
    %dma_start3A_13 = tpu.memref_slice %arg4[%dma_start3A, %dma_start3A_12] : memref<2x128xi32, #tpu.memory_space<vmem>> -> memref<1x128xi32, #tpu.memory_space<vmem>>
    %dma_start3A_14 = tpu.memref_squeeze %dma_start3A_13 : memref<1x128xi32, #tpu.memory_space<vmem>> -> memref<128xi32, #tpu.memory_space<vmem>>
    %dma_start3A_15 = tpu.memref_slice %arg2[%add3A_4] : memref<320000xi32, #tpu.memory_space<hbm>> -> memref<128xi32, #tpu.memory_space<hbm>>
    tpu.enqueue_dma source(%dma_start3A_15 : memref<128xi32, #tpu.memory_space<hbm>>) target(%dma_start3A_14 : memref<128xi32, #tpu.memory_space<vmem>>) target_semaphore(%dma_start3A_11 : memref<!tpu.dma_semaphore, #tpu.memory_space<semaphore_mem>>)
    %broadcast_in_dim3A = arith.constant 0.000000e+00 : f32
    %broadcast_in_dim3A_16 = vector.broadcast %broadcast_in_dim3A : f32 to vector<16xf32>
    %scan3A = arith.constant 0 : i32
    %scan3A_17 = arith.constant 640 : i32
    %scan3A_18 = arith.addi %scan3A, %scan3A_17 : i32
    %scan3A_19 = arith.constant 1 : i32
    scf.for %scan3A_138 = %scan3A to %scan3A_18 step %scan3A_19  : i32 {
      %mul3A_139 = arith.constant 1 : i32
      %mul3A_140 = arith.muli %scan3A_138, %mul3A_139 : i32
      %add3A_141 = arith.constant 0 : i32
      %add3A_142 = arith.addi %add3A_141, %mul3A_140 : i32
      %mul3A_143 = arith.constant 16 : i32
      %mul3A_144 = arith.muli %add3A_142, %mul3A_143 : i32
      %swap3A = arith.index_cast %mul3A_144 : i32 to index
      %swap3A_145 = tpu.vector_load %arg6[%swap3A] {strides = array<i32>} : memref<10240xf32, #tpu.memory_space<vmem>>, vector<16xf32>,
      tpu.vector_store %arg6[%swap3A], %broadcast_in_dim3A_16 {strides = array<i32>} : memref<10240xf32, #tpu.memory_space<vmem>>, vector<16xf32>,
    }
    %scan3A_20 = arith.constant 640 : i32
    %broadcast_in_dim3A_21 = arith.constant 1.000000e+00 : f32
    %broadcast_in_dim3A_22 = vector.broadcast %broadcast_in_dim3A_21 : f32 to vector<16xf32>
    %scan3A_23 = arith.constant 0 : i32
    %scan3A_24 = arith.constant 38 : i32
    %scan3A_25 = arith.addi %scan3A_23, %scan3A_24 : i32
    %scan3A_26 = arith.constant 1 : i32
    scf.for %scan3A_138 = %scan3A_23 to %scan3A_25 step %scan3A_26  : i32 {
      %mul3A_139 = arith.constant 1 : i32
      %mul3A_140 = arith.muli %scan3A_138, %mul3A_139 : i32
      %add3A_141 = arith.constant 0 : i32
      %add3A_142 = arith.addi %add3A_141, %mul3A_140 : i32
      %mul3A_143 = arith.constant 2 : i32
      %mul3A_144 = arith.muli %add3A_142, %mul3A_143 : i32
      %add3A_145 = arith.constant 0 : i32
      %add3A_146 = arith.addi %mul3A_144, %add3A_145 : i32
      %add3A_147 = arith.constant 1 : i32
      %add3A_148 = arith.addi %add3A_146, %add3A_147 : i32
      %mul3A_149 = arith.constant 128 : i32
      %mul3A_150 = arith.muli %add3A_148, %mul3A_149 : i32
      %add3A_151 = arith.addi %mul3A_2, %mul3A_150 : i32
      %dma_start3A_152 = arith.constant 1 : i32
      %dma_start3A_153 = arith.constant 1 : i32
      %dma_start3A_154 = arith.constant 0 : i32
      %dma_start3A_155 = tpu.memref_slice %arg4[%dma_start3A_152, %dma_start3A_154] : memref<2x128xi32, #tpu.memory_space<vmem>> -> memref<1x128xi32, #tpu.memory_space<vmem>>
      %dma_start3A_156 = tpu.memref_squeeze %dma_start3A_155 : memref<1x128xi32, #tpu.memory_space<vmem>> -> memref<128xi32, #tpu.memory_space<vmem>>
      %dma_start3A_157 = tpu.memref_slice %arg2[%add3A_151] : memref<320000xi32, #tpu.memory_space<hbm>> -> memref<128xi32, #tpu.memory_space<hbm>>
      %dma_start3A_158 = tpu.memref_slice %arg7[%dma_start3A_153] : memref<2x!tpu.dma_semaphore, #tpu.memory_space<semaphore_mem>> -> memref<1x!tpu.dma_semaphore, #tpu.memory_space<semaphore_mem>>
      %dma_start3A_159 = tpu.memref_squeeze %dma_start3A_158 : memref<1x!tpu.dma_semaphore, #tpu.memory_space<semaphore_mem>> -> memref<!tpu.dma_semaphore, #tpu.memory_space<semaphore_mem>>
      %dma_start3A_160 = arith.constant 0 : i32
      %dma_start3A_161 = tpu.memref_slice %arg4[%dma_start3A_152, %dma_start3A_160] : memref<2x128xi32, #tpu.memory_space<vmem>> -> memref<1x128xi32, #tpu.memory_space<vmem>>
      %dma_start3A_162 = tpu.memref_squeeze %dma_start3A_161 : memref<1x128xi32, #tpu.memory_space<vmem>> -> memref<128xi32, #tpu.memory_space<vmem>>
      %dma_start3A_163 = tpu.memref_slice %arg2[%add3A_151] : memref<320000xi32, #tpu.memory_space<hbm>> -> memref<128xi32, #tpu.memory_space<hbm>>
      tpu.enqueue_dma source(%dma_start3A_163 : memref<128xi32, #tpu.memory_space<hbm>>) target(%dma_start3A_162 : memref<128xi32, #tpu.memory_space<vmem>>) target_semaphore(%dma_start3A_159 : memref<!tpu.dma_semaphore, #tpu.memory_space<semaphore_mem>>)
      %mul3A_164 = arith.constant 128 : i32
      %mul3A_165 = arith.muli %add3A_146, %mul3A_164 : i32
      %add3A_166 = arith.addi %mul3A_2, %mul3A_165 : i32
      %dma_wait3A_167 = arith.constant 0 : i32
      %dma_wait3A_168 = arith.constant 0 : i32
      %dma_wait3A_169 = arith.constant 0 : i32
      %dma_wait3A_170 = tpu.memref_slice %arg4[%dma_wait3A_167, %dma_wait3A_169] : memref<2x128xi32, #tpu.memory_space<vmem>> -> memref<1x128xi32, #tpu.memory_space<vmem>>
      %dma_wait3A_171 = tpu.memref_squeeze %dma_wait3A_170 : memref<1x128xi32, #tpu.memory_space<vmem>> -> memref<128xi32, #tpu.memory_space<vmem>>
      %dma_wait3A_172 = tpu.memref_slice %arg2[%add3A_166] : memref<320000xi32, #tpu.memory_space<hbm>> -> memref<128xi32, #tpu.memory_space<hbm>>
      %dma_wait3A_173 = tpu.memref_slice %arg7[%dma_wait3A_168] : memref<2x!tpu.dma_semaphore, #tpu.memory_space<semaphore_mem>> -> memref<1x!tpu.dma_semaphore, #tpu.memory_space<semaphore_mem>>
      %dma_wait3A_174 = tpu.memref_squeeze %dma_wait3A_173 : memref<1x!tpu.dma_semaphore, #tpu.memory_space<semaphore_mem>> -> memref<!tpu.dma_semaphore, #tpu.memory_space<semaphore_mem>>
      %dma_wait3A_175 = arith.constant 0 : i32
      %dma_wait3A_176 = tpu.memref_slice %arg4[%dma_wait3A_167, %dma_wait3A_175] : memref<2x128xi32, #tpu.memory_space<vmem>> -> memref<1x128xi32, #tpu.memory_space<vmem>>
      %dma_wait3A_177 = tpu.memref_squeeze %dma_wait3A_176 : memref<1x128xi32, #tpu.memory_space<vmem>> -> memref<128xi32, #tpu.memory_space<vmem>>
      %dma_wait3A_178 = tpu.memref_slice %arg2[%add3A_166] : memref<320000xi32, #tpu.memory_space<hbm>> -> memref<128xi32, #tpu.memory_space<hbm>>
      tpu.wait_dma2 semaphore(%dma_wait3A_174 : memref<!tpu.dma_semaphore, #tpu.memory_space<semaphore_mem>>) src(%dma_wait3A_178 : memref<128xi32, #tpu.memory_space<hbm>>) dst(%dma_wait3A_177 : memref<128xi32, #tpu.memory_space<vmem>>)
      %get3A_179 = arith.constant 0 : i32
      %get3A_180 = arith.index_cast %get3A_179 : i32 to index
      %get3A_181 = arith.constant 0 : index
      %get3A_182 = tpu.vector_load %arg4[%get3A_180, %get3A_181] {strides = array<i32>} : memref<2x128xi32, #tpu.memory_space<vmem>>, vector<16xi32>,
      tpu.vector_store_idx %arg6[%get3A_182], %broadcast_in_dim3A_22 {add = true} : memref<10240xf32, #tpu.memory_space<vmem>>[vector<16xi32>], vector<16xf32>,
      %get3A_183 = arith.constant 0 : i32
      %get3A_184 = arith.index_cast %get3A_183 : i32 to index
      %get3A_185 = arith.constant 16 : index
      %get3A_186 = tpu.vector_load %arg4[%get3A_184, %get3A_185] {strides = array<i32>} : memref<2x128xi32, #tpu.memory_space<vmem>>, vector<16xi32>,
      tpu.vector_store_idx %arg6[%get3A_186], %broadcast_in_dim3A_22 {add = true} : memref<10240xf32, #tpu.memory_space<vmem>>[vector<16xi32>], vector<16xf32>,
      %get3A_187 = arith.constant 0 : i32
      %get3A_188 = arith.index_cast %get3A_187 : i32 to index
      %get3A_189 = arith.constant 32 : index
      %get3A_190 = tpu.vector_load %arg4[%get3A_188, %get3A_189] {strides = array<i32>} : memref<2x128xi32, #tpu.memory_space<vmem>>, vector<16xi32>,
      tpu.vector_store_idx %arg6[%get3A_190], %broadcast_in_dim3A_22 {add = true} : memref<10240xf32, #tpu.memory_space<vmem>>[vector<16xi32>], vector<16xf32>,
      %get3A_191 = arith.constant 0 : i32
      %get3A_192 = arith.index_cast %get3A_191 : i32 to index
      %get3A_193 = arith.constant 48 : index
      %get3A_194 = tpu.vector_load %arg4[%get3A_192, %get3A_193] {strides = array<i32>} : memref<2x128xi32, #tpu.memory_space<vmem>>, vector<16xi32>,
      tpu.vector_store_idx %arg6[%get3A_194], %broadcast_in_dim3A_22 {add = true} : memref<10240xf32, #tpu.memory_space<vmem>>[vector<16xi32>], vector<16xf32>,
      %get3A_195 = arith.constant 0 : i32
      %get3A_196 = arith.index_cast %get3A_195 : i32 to index
      %get3A_197 = arith.constant 64 : index
      %get3A_198 = tpu.vector_load %arg4[%get3A_196, %get3A_197] {strides = array<i32>} : memref<2x128xi32, #tpu.memory_space<vmem>>, vector<16xi32>,
      tpu.vector_store_idx %arg6[%get3A_198], %broadcast_in_dim3A_22 {add = true} : memref<10240xf32, #tpu.memory_space<vmem>>[vector<16xi32>], vector<16xf32>,
      %get3A_199 = arith.constant 0 : i32
      %get3A_200 = arith.index_cast %get3A_199 : i32 to index
      %get3A_201 = arith.constant 80 : index
      %get3A_202 = tpu.vector_load %arg4[%get3A_200, %get3A_201] {strides = array<i32>} : memref<2x128xi32, #tpu.memory_space<vmem>>, vector<16xi32>,
      tpu.vector_store_idx %arg6[%get3A_202], %broadcast_in_dim3A_22 {add = true} : memref<10240xf32, #tpu.memory_space<vmem>>[vector<16xi32>], vector<16xf32>,
      %get3A_203 = arith.constant 0 : i32
      %get3A_204 = arith.index_cast %get3A_203 : i32 to index
      %get3A_205 = arith.constant 96 : index
      %get3A_206 = tpu.vector_load %arg4[%get3A_204, %get3A_205] {strides = array<i32>} : memref<2x128xi32, #tpu.memory_space<vmem>>, vector<16xi32>,
      tpu.vector_store_idx %arg6[%get3A_206], %broadcast_in_dim3A_22 {add = true} : memref<10240xf32, #tpu.memory_space<vmem>>[vector<16xi32>], vector<16xf32>,
      %get3A_207 = arith.constant 0 : i32
      %get3A_208 = arith.index_cast %get3A_207 : i32 to index
      %get3A_209 = arith.constant 112 : index
      %get3A_210 = tpu.vector_load %arg4[%get3A_208, %get3A_209] {strides = array<i32>} : memref<2x128xi32, #tpu.memory_space<vmem>>, vector<16xi32>,
      tpu.vector_store_idx %arg6[%get3A_210], %broadcast_in_dim3A_22 {add = true} : memref<10240xf32, #tpu.memory_space<vmem>>[vector<16xi32>], vector<16xf32>,
      %mul3A_211 = arith.constant 2 : i32
      %mul3A_212 = arith.muli %add3A_142, %mul3A_211 : i32
      %add3A_213 = arith.constant 1 : i32
      %add3A_214 = arith.addi %mul3A_212, %add3A_213 : i32
      %add3A_215 = arith.constant 1 : i32
      %add3A_216 = arith.addi %add3A_214, %add3A_215 : i32
      %mul3A_217 = arith.constant 128 : i32
      %mul3A_218 = arith.muli %add3A_216, %mul3A_217 : i32
      %add3A_219 = arith.addi %mul3A_2, %mul3A_218 : i32
      %dma_start3A_220 = arith.constant 0 : i32
      %dma_start3A_221 = arith.constant 0 : i32
      %dma_start3A_222 = arith.constant 0 : i32
      %dma_start3A_223 = tpu.memref_slice %arg4[%dma_start3A_220, %dma_start3A_222] : memref<2x128xi32, #tpu.memory_space<vmem>> -> memref<1x128xi32, #tpu.memory_space<vmem>>
      %dma_start3A_224 = tpu.memref_squeeze %dma_start3A_223 : memref<1x128xi32, #tpu.memory_space<vmem>> -> memref<128xi32, #tpu.memory_space<vmem>>
      %dma_start3A_225 = tpu.memref_slice %arg2[%add3A_219] : memref<320000xi32, #tpu.memory_space<hbm>> -> memref<128xi32, #tpu.memory_space<hbm>>
      %dma_start3A_226 = tpu.memref_slice %arg7[%dma_start3A_221] : memref<2x!tpu.dma_semaphore, #tpu.memory_space<semaphore_mem>> -> memref<1x!tpu.dma_semaphore, #tpu.memory_space<semaphore_mem>>
      %dma_start3A_227 = tpu.memref_squeeze %dma_start3A_226 : memref<1x!tpu.dma_semaphore, #tpu.memory_space<semaphore_mem>> -> memref<!tpu.dma_semaphore, #tpu.memory_space<semaphore_mem>>
      %dma_start3A_228 = arith.constant 0 : i32
      %dma_start3A_229 = tpu.memref_slice %arg4[%dma_start3A_220, %dma_start3A_228] : memref<2x128xi32, #tpu.memory_space<vmem>> -> memref<1x128xi32, #tpu.memory_space<vmem>>
      %dma_start3A_230 = tpu.memref_squeeze %dma_start3A_229 : memref<1x128xi32, #tpu.memory_space<vmem>> -> memref<128xi32, #tpu.memory_space<vmem>>
      %dma_start3A_231 = tpu.memref_slice %arg2[%add3A_219] : memref<320000xi32, #tpu.memory_space<hbm>> -> memref<128xi32, #tpu.memory_space<hbm>>
      tpu.enqueue_dma source(%dma_start3A_231 : memref<128xi32, #tpu.memory_space<hbm>>) target(%dma_start3A_230 : memref<128xi32, #tpu.memory_space<vmem>>) target_semaphore(%dma_start3A_227 : memref<!tpu.dma_semaphore, #tpu.memory_space<semaphore_mem>>)
      %mul3A_232 = arith.constant 128 : i32
      %mul3A_233 = arith.muli %add3A_214, %mul3A_232 : i32
      %add3A_234 = arith.addi %mul3A_2, %mul3A_233 : i32
      %dma_wait3A_235 = arith.constant 1 : i32
      %dma_wait3A_236 = arith.constant 1 : i32
      %dma_wait3A_237 = arith.constant 0 : i32
      %dma_wait3A_238 = tpu.memref_slice %arg4[%dma_wait3A_235, %dma_wait3A_237] : memref<2x128xi32, #tpu.memory_space<vmem>> -> memref<1x128xi32, #tpu.memory_space<vmem>>
      %dma_wait3A_239 = tpu.memref_squeeze %dma_wait3A_238 : memref<1x128xi32, #tpu.memory_space<vmem>> -> memref<128xi32, #tpu.memory_space<vmem>>
      %dma_wait3A_240 = tpu.memref_slice %arg2[%add3A_234] : memref<320000xi32, #tpu.memory_space<hbm>> -> memref<128xi32, #tpu.memory_space<hbm>>
      %dma_wait3A_241 = tpu.memref_slice %arg7[%dma_wait3A_236] : memref<2x!tpu.dma_semaphore, #tpu.memory_space<semaphore_mem>> -> memref<1x!tpu.dma_semaphore, #tpu.memory_space<semaphore_mem>>
      %dma_wait3A_242 = tpu.memref_squeeze %dma_wait3A_241 : memref<1x!tpu.dma_semaphore, #tpu.memory_space<semaphore_mem>> -> memref<!tpu.dma_semaphore, #tpu.memory_space<semaphore_mem>>
      %dma_wait3A_243 = arith.constant 0 : i32
      %dma_wait3A_244 = tpu.memref_slice %arg4[%dma_wait3A_235, %dma_wait3A_243] : memref<2x128xi32, #tpu.memory_space<vmem>> -> memref<1x128xi32, #tpu.memory_space<vmem>>
      %dma_wait3A_245 = tpu.memref_squeeze %dma_wait3A_244 : memref<1x128xi32, #tpu.memory_space<vmem>> -> memref<128xi32, #tpu.memory_space<vmem>>
      %dma_wait3A_246 = tpu.memref_slice %arg2[%add3A_234] : memref<320000xi32, #tpu.memory_space<hbm>> -> memref<128xi32, #tpu.memory_space<hbm>>
      tpu.wait_dma2 semaphore(%dma_wait3A_242 : memref<!tpu.dma_semaphore, #tpu.memory_space<semaphore_mem>>) src(%dma_wait3A_246 : memref<128xi32, #tpu.memory_space<hbm>>) dst(%dma_wait3A_245 : memref<128xi32, #tpu.memory_space<vmem>>)
      %get3A_247 = arith.constant 1 : i32
      %get3A_248 = arith.index_cast %get3A_247 : i32 to index
      %get3A_249 = arith.constant 0 : index
      %get3A_250 = tpu.vector_load %arg4[%get3A_248, %get3A_249] {strides = array<i32>} : memref<2x128xi32, #tpu.memory_space<vmem>>, vector<16xi32>,
      tpu.vector_store_idx %arg6[%get3A_250], %broadcast_in_dim3A_22 {add = true} : memref<10240xf32, #tpu.memory_space<vmem>>[vector<16xi32>], vector<16xf32>,
      %get3A_251 = arith.constant 1 : i32
      %get3A_252 = arith.index_cast %get3A_251 : i32 to index
      %get3A_253 = arith.constant 16 : index
      %get3A_254 = tpu.vector_load %arg4[%get3A_252, %get3A_253] {strides = array<i32>} : memref<2x128xi32, #tpu.memory_space<vmem>>, vector<16xi32>,
      tpu.vector_store_idx %arg6[%get3A_254], %broadcast_in_dim3A_22 {add = true} : memref<10240xf32, #tpu.memory_space<vmem>>[vector<16xi32>], vector<16xf32>,
      %get3A_255 = arith.constant 1 : i32
      %get3A_256 = arith.index_cast %get3A_255 : i32 to index
      %get3A_257 = arith.constant 32 : index
      %get3A_258 = tpu.vector_load %arg4[%get3A_256, %get3A_257] {strides = array<i32>} : memref<2x128xi32, #tpu.memory_space<vmem>>, vector<16xi32>,
      tpu.vector_store_idx %arg6[%get3A_258], %broadcast_in_dim3A_22 {add = true} : memref<10240xf32, #tpu.memory_space<vmem>>[vector<16xi32>], vector<16xf32>,
      %get3A_259 = arith.constant 1 : i32
      %get3A_260 = arith.index_cast %get3A_259 : i32 to index
      %get3A_261 = arith.constant 48 : index
      %get3A_262 = tpu.vector_load %arg4[%get3A_260, %get3A_261] {strides = array<i32>} : memref<2x128xi32, #tpu.memory_space<vmem>>, vector<16xi32>,
      tpu.vector_store_idx %arg6[%get3A_262], %broadcast_in_dim3A_22 {add = true} : memref<10240xf32, #tpu.memory_space<vmem>>[vector<16xi32>], vector<16xf32>,
      %get3A_263 = arith.constant 1 : i32
      %get3A_264 = arith.index_cast %get3A_263 : i32 to index
      %get3A_265 = arith.constant 64 : index
      %get3A_266 = tpu.vector_load %arg4[%get3A_264, %get3A_265] {strides = array<i32>} : memref<2x128xi32, #tpu.memory_space<vmem>>, vector<16xi32>,
      tpu.vector_store_idx %arg6[%get3A_266], %broadcast_in_dim3A_22 {add = true} : memref<10240xf32, #tpu.memory_space<vmem>>[vector<16xi32>], vector<16xf32>,
      %get3A_267 = arith.constant 1 : i32
      %get3A_268 = arith.index_cast %get3A_267 : i32 to index
      %get3A_269 = arith.constant 80 : index
      %get3A_270 = tpu.vector_load %arg4[%get3A_268, %get3A_269] {strides = array<i32>} : memref<2x128xi32, #tpu.memory_space<vmem>>, vector<16xi32>,
      tpu.vector_store_idx %arg6[%get3A_270], %broadcast_in_dim3A_22 {add = true} : memref<10240xf32, #tpu.memory_space<vmem>>[vector<16xi32>], vector<16xf32>,
      %get3A_271 = arith.constant 1 : i32
      %get3A_272 = arith.index_cast %get3A_271 : i32 to index
      %get3A_273 = arith.constant 96 : index
      %get3A_274 = tpu.vector_load %arg4[%get3A_272, %get3A_273] {strides = array<i32>} : memref<2x128xi32, #tpu.memory_space<vmem>>, vector<16xi32>,
      tpu.vector_store_idx %arg6[%get3A_274], %broadcast_in_dim3A_22 {add = true} : memref<10240xf32, #tpu.memory_space<vmem>>[vector<16xi32>], vector<16xf32>,
      %get3A_275 = arith.constant 1 : i32
      %get3A_276 = arith.index_cast %get3A_275 : i32 to index
      %get3A_277 = arith.constant 112 : index
      %get3A_278 = tpu.vector_load %arg4[%get3A_276, %get3A_277] {strides = array<i32>} : memref<2x128xi32, #tpu.memory_space<vmem>>, vector<16xi32>,
      tpu.vector_store_idx %arg6[%get3A_278], %broadcast_in_dim3A_22 {add = true} : memref<10240xf32, #tpu.memory_space<vmem>>[vector<16xi32>], vector<16xf32>,
    }
    %scan3A_27 = arith.constant 38 : i32
    %add3A_28 = arith.constant 9856 : i32
    %add3A_29 = arith.addi %mul3A_2, %add3A_28 : i32
    %dma_start3A_30 = arith.constant 1 : i32
    %dma_start3A_31 = arith.constant 1 : i32
    %dma_start3A_32 = arith.constant 0 : i32
    %dma_start3A_33 = tpu.memref_slice %arg4[%dma_start3A_30, %dma_start3A_32] : memref<2x128xi32, #tpu.memory_space<vmem>> -> memref<1x128xi32, #tpu.memory_space<vmem>>
    %dma_start3A_34 = tpu.memref_squeeze %dma_start3A_33 : memref<1x128xi32, #tpu.memory_space<vmem>> -> memref<128xi32, #tpu.memory_space<vmem>>
    %dma_start3A_35 = tpu.memref_slice %arg2[%add3A_29] : memref<320000xi32, #tpu.memory_space<hbm>> -> memref<128xi32, #tpu.memory_space<hbm>>
    %dma_start3A_36 = tpu.memref_slice %arg7[%dma_start3A_31] : memref<2x!tpu.dma_semaphore, #tpu.memory_space<semaphore_mem>> -> memref<1x!tpu.dma_semaphore, #tpu.memory_space<semaphore_mem>>
    %dma_start3A_37 = tpu.memref_squeeze %dma_start3A_36 : memref<1x!tpu.dma_semaphore, #tpu.memory_space<semaphore_mem>> -> memref<!tpu.dma_semaphore, #tpu.memory_space<semaphore_mem>>
    %dma_start3A_38 = arith.constant 0 : i32
    %dma_start3A_39 = tpu.memref_slice %arg4[%dma_start3A_30, %dma_start3A_38] : memref<2x128xi32, #tpu.memory_space<vmem>> -> memref<1x128xi32, #tpu.memory_space<vmem>>
    %dma_start3A_40 = tpu.memref_squeeze %dma_start3A_39 : memref<1x128xi32, #tpu.memory_space<vmem>> -> memref<128xi32, #tpu.memory_space<vmem>>
    %dma_start3A_41 = tpu.memref_slice %arg2[%add3A_29] : memref<320000xi32, #tpu.memory_space<hbm>> -> memref<128xi32, #tpu.memory_space<hbm>>
    tpu.enqueue_dma source(%dma_start3A_41 : memref<128xi32, #tpu.memory_space<hbm>>) target(%dma_start3A_40 : memref<128xi32, #tpu.memory_space<vmem>>) target_semaphore(%dma_start3A_37 : memref<!tpu.dma_semaphore, #tpu.memory_space<semaphore_mem>>)
    %add3A_42 = arith.constant 9728 : i32
    %add3A_43 = arith.addi %mul3A_2, %add3A_42 : i32
    %dma_wait3A = arith.constant 0 : i32
    %dma_wait3A_44 = arith.constant 0 : i32
    %dma_wait3A_45 = arith.constant 0 : i32
    %dma_wait3A_46 = tpu.memref_slice %arg4[%dma_wait3A, %dma_wait3A_45] : memref<2x128xi32, #tpu.memory_space<vmem>> -> memref<1x128xi32, #tpu.memory_space<vmem>>
    %dma_wait3A_47 = tpu.memref_squeeze %dma_wait3A_46 : memref<1x128xi32, #tpu.memory_space<vmem>> -> memref<128xi32, #tpu.memory_space<vmem>>
    %dma_wait3A_48 = tpu.memref_slice %arg2[%add3A_43] : memref<320000xi32, #tpu.memory_space<hbm>> -> memref<128xi32, #tpu.memory_space<hbm>>
    %dma_wait3A_49 = tpu.memref_slice %arg7[%dma_wait3A_44] : memref<2x!tpu.dma_semaphore, #tpu.memory_space<semaphore_mem>> -> memref<1x!tpu.dma_semaphore, #tpu.memory_space<semaphore_mem>>
    %dma_wait3A_50 = tpu.memref_squeeze %dma_wait3A_49 : memref<1x!tpu.dma_semaphore, #tpu.memory_space<semaphore_mem>> -> memref<!tpu.dma_semaphore, #tpu.memory_space<semaphore_mem>>
    %dma_wait3A_51 = arith.constant 0 : i32
    %dma_wait3A_52 = tpu.memref_slice %arg4[%dma_wait3A, %dma_wait3A_51] : memref<2x128xi32, #tpu.memory_space<vmem>> -> memref<1x128xi32, #tpu.memory_space<vmem>>
    %dma_wait3A_53 = tpu.memref_squeeze %dma_wait3A_52 : memref<1x128xi32, #tpu.memory_space<vmem>> -> memref<128xi32, #tpu.memory_space<vmem>>
    %dma_wait3A_54 = tpu.memref_slice %arg2[%add3A_43] : memref<320000xi32, #tpu.memory_space<hbm>> -> memref<128xi32, #tpu.memory_space<hbm>>
    tpu.wait_dma2 semaphore(%dma_wait3A_50 : memref<!tpu.dma_semaphore, #tpu.memory_space<semaphore_mem>>) src(%dma_wait3A_54 : memref<128xi32, #tpu.memory_space<hbm>>) dst(%dma_wait3A_53 : memref<128xi32, #tpu.memory_space<vmem>>)
    %get3A = arith.constant 0 : i32
    %get3A_55 = arith.index_cast %get3A : i32 to index
    %get3A_56 = arith.constant 0 : index
    %get3A_57 = tpu.vector_load %arg4[%get3A_55, %get3A_56] {strides = array<i32>} : memref<2x128xi32, #tpu.memory_space<vmem>>, vector<16xi32>,
    tpu.vector_store_idx %arg6[%get3A_57], %broadcast_in_dim3A_22 {add = true} : memref<10240xf32, #tpu.memory_space<vmem>>[vector<16xi32>], vector<16xf32>,
    %get3A_58 = arith.constant 0 : i32
    %get3A_59 = arith.index_cast %get3A_58 : i32 to index
    %get3A_60 = arith.constant 16 : index
    %get3A_61 = tpu.vector_load %arg4[%get3A_59, %get3A_60] {strides = array<i32>} : memref<2x128xi32, #tpu.memory_space<vmem>>, vector<16xi32>,
    tpu.vector_store_idx %arg6[%get3A_61], %broadcast_in_dim3A_22 {add = true} : memref<10240xf32, #tpu.memory_space<vmem>>[vector<16xi32>], vector<16xf32>,
    %get3A_62 = arith.constant 0 : i32
    %get3A_63 = arith.index_cast %get3A_62 : i32 to index
    %get3A_64 = arith.constant 32 : index
    %get3A_65 = tpu.vector_load %arg4[%get3A_63, %get3A_64] {strides = array<i32>} : memref<2x128xi32, #tpu.memory_space<vmem>>, vector<16xi32>,
    tpu.vector_store_idx %arg6[%get3A_65], %broadcast_in_dim3A_22 {add = true} : memref<10240xf32, #tpu.memory_space<vmem>>[vector<16xi32>], vector<16xf32>,
    %get3A_66 = arith.constant 0 : i32
    %get3A_67 = arith.index_cast %get3A_66 : i32 to index
    %get3A_68 = arith.constant 48 : index
    %get3A_69 = tpu.vector_load %arg4[%get3A_67, %get3A_68] {strides = array<i32>} : memref<2x128xi32, #tpu.memory_space<vmem>>, vector<16xi32>,
    tpu.vector_store_idx %arg6[%get3A_69], %broadcast_in_dim3A_22 {add = true} : memref<10240xf32, #tpu.memory_space<vmem>>[vector<16xi32>], vector<16xf32>,
    %get3A_70 = arith.constant 0 : i32
    %get3A_71 = arith.index_cast %get3A_70 : i32 to index
    %get3A_72 = arith.constant 64 : index
    %get3A_73 = tpu.vector_load %arg4[%get3A_71, %get3A_72] {strides = array<i32>} : memref<2x128xi32, #tpu.memory_space<vmem>>, vector<16xi32>,
    tpu.vector_store_idx %arg6[%get3A_73], %broadcast_in_dim3A_22 {add = true} : memref<10240xf32, #tpu.memory_space<vmem>>[vector<16xi32>], vector<16xf32>,
    %get3A_74 = arith.constant 0 : i32
    %get3A_75 = arith.index_cast %get3A_74 : i32 to index
    %get3A_76 = arith.constant 80 : index
    %get3A_77 = tpu.vector_load %arg4[%get3A_75, %get3A_76] {strides = array<i32>} : memref<2x128xi32, #tpu.memory_space<vmem>>, vector<16xi32>,
    tpu.vector_store_idx %arg6[%get3A_77], %broadcast_in_dim3A_22 {add = true} : memref<10240xf32, #tpu.memory_space<vmem>>[vector<16xi32>], vector<16xf32>,
    %get3A_78 = arith.constant 0 : i32
    %get3A_79 = arith.index_cast %get3A_78 : i32 to index
    %get3A_80 = arith.constant 96 : index
    %get3A_81 = tpu.vector_load %arg4[%get3A_79, %get3A_80] {strides = array<i32>} : memref<2x128xi32, #tpu.memory_space<vmem>>, vector<16xi32>,
    tpu.vector_store_idx %arg6[%get3A_81], %broadcast_in_dim3A_22 {add = true} : memref<10240xf32, #tpu.memory_space<vmem>>[vector<16xi32>], vector<16xf32>,
    %get3A_82 = arith.constant 0 : i32
    %get3A_83 = arith.index_cast %get3A_82 : i32 to index
    %get3A_84 = arith.constant 112 : index
    %get3A_85 = tpu.vector_load %arg4[%get3A_83, %get3A_84] {strides = array<i32>} : memref<2x128xi32, #tpu.memory_space<vmem>>, vector<16xi32>,
    tpu.vector_store_idx %arg6[%get3A_85], %broadcast_in_dim3A_22 {add = true} : memref<10240xf32, #tpu.memory_space<vmem>>[vector<16xi32>], vector<16xf32>,
    %add3A_86 = arith.constant 9856 : i32
    %add3A_87 = arith.addi %mul3A_2, %add3A_86 : i32
    %dma_wait3A_88 = arith.constant 1 : i32
    %dma_wait3A_89 = arith.constant 1 : i32
    %dma_wait3A_90 = arith.constant 0 : i32
    %dma_wait3A_91 = tpu.memref_slice %arg4[%dma_wait3A_88, %dma_wait3A_90] : memref<2x128xi32, #tpu.memory_space<vmem>> -> memref<1x128xi32, #tpu.memory_space<vmem>>
    %dma_wait3A_92 = tpu.memref_squeeze %dma_wait3A_91 : memref<1x128xi32, #tpu.memory_space<vmem>> -> memref<128xi32, #tpu.memory_space<vmem>>
    %dma_wait3A_93 = tpu.memref_slice %arg2[%add3A_87] : memref<320000xi32, #tpu.memory_space<hbm>> -> memref<128xi32, #tpu.memory_space<hbm>>
    %dma_wait3A_94 = tpu.memref_slice %arg7[%dma_wait3A_89] : memref<2x!tpu.dma_semaphore, #tpu.memory_space<semaphore_mem>> -> memref<1x!tpu.dma_semaphore, #tpu.memory_space<semaphore_mem>>
    %dma_wait3A_95 = tpu.memref_squeeze %dma_wait3A_94 : memref<1x!tpu.dma_semaphore, #tpu.memory_space<semaphore_mem>> -> memref<!tpu.dma_semaphore, #tpu.memory_space<semaphore_mem>>
    %dma_wait3A_96 = arith.constant 0 : i32
    %dma_wait3A_97 = tpu.memref_slice %arg4[%dma_wait3A_88, %dma_wait3A_96] : memref<2x128xi32, #tpu.memory_space<vmem>> -> memref<1x128xi32, #tpu.memory_space<vmem>>
    %dma_wait3A_98 = tpu.memref_squeeze %dma_wait3A_97 : memref<1x128xi32, #tpu.memory_space<vmem>> -> memref<128xi32, #tpu.memory_space<vmem>>
    %dma_wait3A_99 = tpu.memref_slice %arg2[%add3A_87] : memref<320000xi32, #tpu.memory_space<hbm>> -> memref<128xi32, #tpu.memory_space<hbm>>
    tpu.wait_dma2 semaphore(%dma_wait3A_95 : memref<!tpu.dma_semaphore, #tpu.memory_space<semaphore_mem>>) src(%dma_wait3A_99 : memref<128xi32, #tpu.memory_space<hbm>>) dst(%dma_wait3A_98 : memref<128xi32, #tpu.memory_space<vmem>>)
    %get3A_100 = arith.constant 1 : i32
    %get3A_101 = arith.index_cast %get3A_100 : i32 to index
    %get3A_102 = arith.constant 0 : index
    %get3A_103 = tpu.vector_load %arg4[%get3A_101, %get3A_102] {strides = array<i32>} : memref<2x128xi32, #tpu.memory_space<vmem>>, vector<16xi32>,
    tpu.vector_store_idx %arg6[%get3A_103], %broadcast_in_dim3A_22 {add = true} : memref<10240xf32, #tpu.memory_space<vmem>>[vector<16xi32>], vector<16xf32>,
    %get3A_104 = arith.constant 1 : i32
    %get3A_105 = arith.index_cast %get3A_104 : i32 to index
    %get3A_106 = arith.constant 16 : index
    %get3A_107 = tpu.vector_load %arg4[%get3A_105, %get3A_106] {strides = array<i32>} : memref<2x128xi32, #tpu.memory_space<vmem>>, vector<16xi32>,
    tpu.vector_store_idx %arg6[%get3A_107], %broadcast_in_dim3A_22 {add = true} : memref<10240xf32, #tpu.memory_space<vmem>>[vector<16xi32>], vector<16xf32>,
    %get3A_108 = arith.constant 1 : i32
    %get3A_109 = arith.index_cast %get3A_108 : i32 to index
    %get3A_110 = arith.constant 32 : index
    %get3A_111 = tpu.vector_load %arg4[%get3A_109, %get3A_110] {strides = array<i32>} : memref<2x128xi32, #tpu.memory_space<vmem>>, vector<16xi32>,
    tpu.vector_store_idx %arg6[%get3A_111], %broadcast_in_dim3A_22 {add = true} : memref<10240xf32, #tpu.memory_space<vmem>>[vector<16xi32>], vector<16xf32>,
    %get3A_112 = arith.constant 1 : i32
    %get3A_113 = arith.index_cast %get3A_112 : i32 to index
    %get3A_114 = arith.constant 48 : index
    %get3A_115 = tpu.vector_load %arg4[%get3A_113, %get3A_114] {strides = array<i32>} : memref<2x128xi32, #tpu.memory_space<vmem>>, vector<16xi32>,
    tpu.vector_store_idx %arg6[%get3A_115], %broadcast_in_dim3A_22 {add = true} : memref<10240xf32, #tpu.memory_space<vmem>>[vector<16xi32>], vector<16xf32>,
    %get3A_116 = arith.constant 1 : i32
    %get3A_117 = arith.index_cast %get3A_116 : i32 to index
    %get3A_118 = arith.constant 64 : index
    %get3A_119 = tpu.vector_load %arg4[%get3A_117, %get3A_118] {strides = array<i32>} : memref<2x128xi32, #tpu.memory_space<vmem>>, vector<16xi32>,
    tpu.vector_store_idx %arg6[%get3A_119], %broadcast_in_dim3A_22 {add = true} : memref<10240xf32, #tpu.memory_space<vmem>>[vector<16xi32>], vector<16xf32>,
    %get3A_120 = arith.constant 1 : i32
    %get3A_121 = arith.index_cast %get3A_120 : i32 to index
    %get3A_122 = arith.constant 80 : index
    %get3A_123 = tpu.vector_load %arg4[%get3A_121, %get3A_122] {strides = array<i32>} : memref<2x128xi32, #tpu.memory_space<vmem>>, vector<16xi32>,
    tpu.vector_store_idx %arg6[%get3A_123], %broadcast_in_dim3A_22 {add = true} : memref<10240xf32, #tpu.memory_space<vmem>>[vector<16xi32>], vector<16xf32>,
    %get3A_124 = arith.constant 1 : i32
    %get3A_125 = arith.index_cast %get3A_124 : i32 to index
    %get3A_126 = arith.constant 96 : index
    %get3A_127 = tpu.vector_load %arg4[%get3A_125, %get3A_126] {strides = array<i32>} : memref<2x128xi32, #tpu.memory_space<vmem>>, vector<16xi32>,
    tpu.vector_store_idx %arg6[%get3A_127], %broadcast_in_dim3A_22 {add = true} : memref<10240xf32, #tpu.memory_space<vmem>>[vector<16xi32>], vector<16xf32>,
    %get3A_128 = arith.constant 1 : i32
    %get3A_129 = arith.index_cast %get3A_128 : i32 to index
    %get3A_130 = arith.constant 112 : index
    %get3A_131 = tpu.vector_load %arg4[%get3A_129, %get3A_130] {strides = array<i32>} : memref<2x128xi32, #tpu.memory_space<vmem>>, vector<16xi32>,
    tpu.vector_store_idx %arg6[%get3A_131], %broadcast_in_dim3A_22 {add = true} : memref<10240xf32, #tpu.memory_space<vmem>>[vector<16xi32>], vector<16xf32>,
    %add3A_132 = arith.constant 9984 : i32
    %add3A_133 = arith.addi %mul3A_2, %add3A_132 : i32
    "tpu.region"() ({
      %run_scoped3A = tpu.sem_alloc : memref<!tpu.dma_semaphore, #tpu.memory_space<semaphore_mem>>
      %dma_start3A_138 = tpu.memref_slice %arg2[%add3A_133] : memref<320000xi32, #tpu.memory_space<hbm>> -> memref<16xi32, #tpu.memory_space<hbm>>
      %dma_start3A_139 = tpu.memref_slice %arg2[%add3A_133] : memref<320000xi32, #tpu.memory_space<hbm>> -> memref<16xi32, #tpu.memory_space<hbm>>
      tpu.enqueue_dma source(%dma_start3A_139 : memref<16xi32, #tpu.memory_space<hbm>>) target(%arg5 : memref<16xi32, #tpu.memory_space<vmem>>) target_semaphore(%run_scoped3A : memref<!tpu.dma_semaphore, #tpu.memory_space<semaphore_mem>>)
      %dma_wait3A_140 = tpu.memref_slice %arg2[%add3A_133] : memref<320000xi32, #tpu.memory_space<hbm>> -> memref<16xi32, #tpu.memory_space<hbm>>
      %dma_wait3A_141 = tpu.memref_slice %arg2[%add3A_133] : memref<320000xi32, #tpu.memory_space<hbm>> -> memref<16xi32, #tpu.memory_space<hbm>>
      tpu.wait_dma2 semaphore(%run_scoped3A : memref<!tpu.dma_semaphore, #tpu.memory_space<semaphore_mem>>) src(%dma_wait3A_141 : memref<16xi32, #tpu.memory_space<hbm>>) dst(%arg5 : memref<16xi32, #tpu.memory_space<vmem>>)
      tpu.yield
    }) : () -> ()
    %get3A_134 = arith.constant 0 : index
    %get3A_135 = tpu.vector_load %arg5[%get3A_134] {strides = array<i32>} : memref<16xi32, #tpu.memory_space<vmem>>, vector<16xi32>,
    tpu.vector_store_idx %arg6[%get3A_135], %broadcast_in_dim3A_22 {add = true} : memref<10240xf32, #tpu.memory_space<vmem>>[vector<16xi32>], vector<16xf32>,
    %mul3A_136 = arith.constant 10240 : i32
    %mul3A_137 = arith.muli %add3A, %mul3A_136 : i32
    "tpu.region"() ({
      %run_scoped3A = tpu.sem_alloc : memref<!tpu.dma_semaphore, #tpu.memory_space<semaphore_mem>>
      %dma_start3A_138 = tpu.memref_slice %arg3[%mul3A_137] : memref<327680xf32, #tpu.memory_space<hbm>> -> memref<10240xf32, #tpu.memory_space<hbm>>
      %dma_start3A_139 = tpu.memref_slice %arg3[%mul3A_137] : memref<327680xf32, #tpu.memory_space<hbm>> -> memref<10240xf32, #tpu.memory_space<hbm>>
      tpu.enqueue_dma source(%arg6 : memref<10240xf32, #tpu.memory_space<vmem>>) target(%dma_start3A_139 : memref<10240xf32, #tpu.memory_space<hbm>>) target_semaphore(%run_scoped3A : memref<!tpu.dma_semaphore, #tpu.memory_space<semaphore_mem>>)
      %dma_wait3A_140 = tpu.memref_slice %arg3[%mul3A_137] : memref<327680xf32, #tpu.memory_space<hbm>> -> memref<10240xf32, #tpu.memory_space<hbm>>
      %dma_wait3A_141 = tpu.memref_slice %arg3[%mul3A_137] : memref<327680xf32, #tpu.memory_space<hbm>> -> memref<10240xf32, #tpu.memory_space<hbm>>
      tpu.wait_dma2 semaphore(%run_scoped3A : memref<!tpu.dma_semaphore, #tpu.memory_space<semaphore_mem>>) src(%arg6 : memref<10240xf32, #tpu.memory_space<vmem>>) dst(%dma_wait3A_141 : memref<10240xf32, #tpu.memory_space<hbm>>)
      tpu.yield
    }) : () -> ()
    return
  }
}

#map = affine_map<(d0, d1) -> (0, 0)>
#map1 = affine_map<(d0, d1) -> (0)>
module attributes {stable_mosaic.version = 14 : i64} {
  func.func @_seg_sum(%arg0: i32, %arg1: i32, %arg2: memref<10000x128xf32, #tpu.memory_space<hbm>>, %arg3: memref<320000xi32, #tpu.memory_space<hbm>>, %arg4: memref<320000xi32, #tpu.memory_space<hbm>>, %arg5: memref<640x128xf32, #tpu.memory_space<hbm>>, %arg6: memref<20000x128xf32, #tpu.memory_space<hbm>>, %arg7: memref<2x128xi32, #tpu.memory_space<vmem>>, %arg8: memref<2x128xi32, #tpu.memory_space<vmem>>, %arg9: memref<2x128x128xf32, #tpu.memory_space<vmem>>, %arg10: memref<16xi32, #tpu.memory_space<vmem>>, %arg11: memref<16xi32, #tpu.memory_space<vmem>>, %arg12: memref<16x128xf32, #tpu.memory_space<vmem>>, %arg13: memref<10000x128xf32, #tpu.memory_space<vmem_shared>>, %arg14: memref<6x!tpu.dma_semaphore, #tpu.memory_space<semaphore_mem>>) attributes {dimension_semantics = [#tpu.dimension_semantics<core_parallel>, #tpu.dimension_semantics<subcore_parallel>], iteration_bounds = array<i64: 2, 16>, scalar_prefetch = 0 : i64, scratch_operands = 8 : i64, tpu.core_type = #tpu.core_type<sc_vector_subcore>, window_params = [{transform_indices = #map}, {transform_indices = #map1}, {transform_indices = #map1}, {transform_indices = #map}, {transform_indices = #map}]} {
    %mul3A = arith.constant 2 : i32
    %mul3A_0 = arith.muli %arg1, %mul3A : i32
    %add3A = arith.addi %mul3A_0, %arg0 : i32
    %mul3A_1 = arith.constant 624 : i32
    %mul3A_2 = arith.muli %arg1, %mul3A_1 : i32
    "tpu.region"() ({
      %run_scoped3A_192 = tpu.sem_alloc : memref<!tpu.dma_semaphore, #tpu.memory_space<semaphore_mem>>
      %dma_start3A_193 = arith.constant 0 : i32
      %dma_start3A_194 = tpu.memref_slice %arg13[%mul3A_2, %dma_start3A_193] : memref<10000x128xf32, #tpu.memory_space<vmem_shared>> -> memref<640x128xf32, #tpu.memory_space<vmem_shared>>
      tpu.enqueue_dma source(%arg5 : memref<640x128xf32, #tpu.memory_space<hbm>>) target(%dma_start3A_194 : memref<640x128xf32, #tpu.memory_space<vmem_shared>>) target_semaphore(%run_scoped3A_192 : memref<!tpu.dma_semaphore, #tpu.memory_space<semaphore_mem>>)
      %dma_wait3A_195 = arith.constant 0 : i32
      %dma_wait3A_196 = tpu.memref_slice %arg13[%mul3A_2, %dma_wait3A_195] : memref<10000x128xf32, #tpu.memory_space<vmem_shared>> -> memref<640x128xf32, #tpu.memory_space<vmem_shared>>
      tpu.wait_dma2 semaphore(%run_scoped3A_192 : memref<!tpu.dma_semaphore, #tpu.memory_space<semaphore_mem>>) src(%arg5 : memref<640x128xf32, #tpu.memory_space<hbm>>) dst(%dma_wait3A_196 : memref<640x128xf32, #tpu.memory_space<vmem_shared>>)
      tpu.yield
    }) : () -> ()
    %barrier3A = arith.constant 0 : index
    tpu.barrier barrier_id(%barrier3A)
    %mul3A_3 = arith.constant 10000 : i32
    %mul3A_4 = arith.muli %add3A, %mul3A_3 : i32
    %add3A_5 = arith.constant 0 : i32
    %add3A_6 = arith.addi %mul3A_4, %add3A_5 : i32
    %dma_start3A = arith.constant 0 : i32
    %dma_start3A_7 = arith.constant 2 : i32
    %dma_start3A_8 = arith.constant 0 : i32
    %dma_start3A_9 = tpu.memref_slice %arg7[%dma_start3A, %dma_start3A_8] : memref<2x128xi32, #tpu.memory_space<vmem>> -> memref<1x128xi32, #tpu.memory_space<vmem>>
    %dma_start3A_10 = tpu.memref_squeeze %dma_start3A_9 : memref<1x128xi32, #tpu.memory_space<vmem>> -> memref<128xi32, #tpu.memory_space<vmem>>
    %dma_start3A_11 = tpu.memref_slice %arg3[%add3A_6] : memref<320000xi32, #tpu.memory_space<hbm>> -> memref<128xi32, #tpu.memory_space<hbm>>
    %dma_start3A_12 = tpu.memref_slice %arg14[%dma_start3A_7] : memref<6x!tpu.dma_semaphore, #tpu.memory_space<semaphore_mem>> -> memref<1x!tpu.dma_semaphore, #tpu.memory_space<semaphore_mem>>
    %dma_start3A_13 = tpu.memref_squeeze %dma_start3A_12 : memref<1x!tpu.dma_semaphore, #tpu.memory_space<semaphore_mem>> -> memref<!tpu.dma_semaphore, #tpu.memory_space<semaphore_mem>>
    %dma_start3A_14 = arith.constant 0 : i32
    %dma_start3A_15 = tpu.memref_slice %arg7[%dma_start3A, %dma_start3A_14] : memref<2x128xi32, #tpu.memory_space<vmem>> -> memref<1x128xi32, #tpu.memory_space<vmem>>
    %dma_start3A_16 = tpu.memref_squeeze %dma_start3A_15 : memref<1x128xi32, #tpu.memory_space<vmem>> -> memref<128xi32, #tpu.memory_space<vmem>>
    %dma_start3A_17 = tpu.memref_slice %arg3[%add3A_6] : memref<320000xi32, #tpu.memory_space<hbm>> -> memref<128xi32, #tpu.memory_space<hbm>>
    tpu.enqueue_dma source(%dma_start3A_17 : memref<128xi32, #tpu.memory_space<hbm>>) target(%dma_start3A_16 : memref<128xi32, #tpu.memory_space<vmem>>) target_semaphore(%dma_start3A_13 : memref<!tpu.dma_semaphore, #tpu.memory_space<semaphore_mem>>)
    %dma_start3A_18 = arith.constant 0 : i32
    %dma_start3A_19 = arith.constant 4 : i32
    %dma_start3A_20 = arith.constant 0 : i32
    %dma_start3A_21 = tpu.memref_slice %arg8[%dma_start3A_18, %dma_start3A_20] : memref<2x128xi32, #tpu.memory_space<vmem>> -> memref<1x128xi32, #tpu.memory_space<vmem>>
    %dma_start3A_22 = tpu.memref_squeeze %dma_start3A_21 : memref<1x128xi32, #tpu.memory_space<vmem>> -> memref<128xi32, #tpu.memory_space<vmem>>
    %dma_start3A_23 = tpu.memref_slice %arg4[%add3A_6] : memref<320000xi32, #tpu.memory_space<hbm>> -> memref<128xi32, #tpu.memory_space<hbm>>
    %dma_start3A_24 = tpu.memref_slice %arg14[%dma_start3A_19] : memref<6x!tpu.dma_semaphore, #tpu.memory_space<semaphore_mem>> -> memref<1x!tpu.dma_semaphore, #tpu.memory_space<semaphore_mem>>
    %dma_start3A_25 = tpu.memref_squeeze %dma_start3A_24 : memref<1x!tpu.dma_semaphore, #tpu.memory_space<semaphore_mem>> -> memref<!tpu.dma_semaphore, #tpu.memory_space<semaphore_mem>>
    %dma_start3A_26 = arith.constant 0 : i32
    %dma_start3A_27 = tpu.memref_slice %arg8[%dma_start3A_18, %dma_start3A_26] : memref<2x128xi32, #tpu.memory_space<vmem>> -> memref<1x128xi32, #tpu.memory_space<vmem>>
    %dma_start3A_28 = tpu.memref_squeeze %dma_start3A_27 : memref<1x128xi32, #tpu.memory_space<vmem>> -> memref<128xi32, #tpu.memory_space<vmem>>
    %dma_start3A_29 = tpu.memref_slice %arg4[%add3A_6] : memref<320000xi32, #tpu.memory_space<hbm>> -> memref<128xi32, #tpu.memory_space<hbm>>
    tpu.enqueue_dma source(%dma_start3A_29 : memref<128xi32, #tpu.memory_space<hbm>>) target(%dma_start3A_28 : memref<128xi32, #tpu.memory_space<vmem>>) target_semaphore(%dma_start3A_25 : memref<!tpu.dma_semaphore, #tpu.memory_space<semaphore_mem>>)
    %add3A_30 = arith.constant 0 : i32
    %add3A_31 = arith.addi %mul3A_4, %add3A_30 : i32
    %dma_wait3A = arith.constant 0 : i32
    %dma_wait3A_32 = arith.constant 2 : i32
    %dma_wait3A_33 = arith.constant 0 : i32
    %dma_wait3A_34 = tpu.memref_slice %arg7[%dma_wait3A, %dma_wait3A_33] : memref<2x128xi32, #tpu.memory_space<vmem>> -> memref<1x128xi32, #tpu.memory_space<vmem>>
    %dma_wait3A_35 = tpu.memref_squeeze %dma_wait3A_34 : memref<1x128xi32, #tpu.memory_space<vmem>> -> memref<128xi32, #tpu.memory_space<vmem>>
    %dma_wait3A_36 = tpu.memref_slice %arg3[%add3A_31] : memref<320000xi32, #tpu.memory_space<hbm>> -> memref<128xi32, #tpu.memory_space<hbm>>
    %dma_wait3A_37 = tpu.memref_slice %arg14[%dma_wait3A_32] : memref<6x!tpu.dma_semaphore, #tpu.memory_space<semaphore_mem>> -> memref<1x!tpu.dma_semaphore, #tpu.memory_space<semaphore_mem>>
    %dma_wait3A_38 = tpu.memref_squeeze %dma_wait3A_37 : memref<1x!tpu.dma_semaphore, #tpu.memory_space<semaphore_mem>> -> memref<!tpu.dma_semaphore, #tpu.memory_space<semaphore_mem>>
    %dma_wait3A_39 = arith.constant 0 : i32
    %dma_wait3A_40 = tpu.memref_slice %arg7[%dma_wait3A, %dma_wait3A_39] : memref<2x128xi32, #tpu.memory_space<vmem>> -> memref<1x128xi32, #tpu.memory_space<vmem>>
    %dma_wait3A_41 = tpu.memref_squeeze %dma_wait3A_40 : memref<1x128xi32, #tpu.memory_space<vmem>> -> memref<128xi32, #tpu.memory_space<vmem>>
    %dma_wait3A_42 = tpu.memref_slice %arg3[%add3A_31] : memref<320000xi32, #tpu.memory_space<hbm>> -> memref<128xi32, #tpu.memory_space<hbm>>
    tpu.wait_dma2 semaphore(%dma_wait3A_38 : memref<!tpu.dma_semaphore, #tpu.memory_space<semaphore_mem>>) src(%dma_wait3A_42 : memref<128xi32, #tpu.memory_space<hbm>>) dst(%dma_wait3A_41 : memref<128xi32, #tpu.memory_space<vmem>>)
    %dma_wait3A_43 = arith.constant 0 : i32
    %dma_wait3A_44 = arith.constant 4 : i32
    %dma_wait3A_45 = arith.constant 0 : i32
    %dma_wait3A_46 = tpu.memref_slice %arg8[%dma_wait3A_43, %dma_wait3A_45] : memref<2x128xi32, #tpu.memory_space<vmem>> -> memref<1x128xi32, #tpu.memory_space<vmem>>
    %dma_wait3A_47 = tpu.memref_squeeze %dma_wait3A_46 : memref<1x128xi32, #tpu.memory_space<vmem>> -> memref<128xi32, #tpu.memory_space<vmem>>
    %dma_wait3A_48 = tpu.memref_slice %arg4[%add3A_31] : memref<320000xi32, #tpu.memory_space<hbm>> -> memref<128xi32, #tpu.memory_space<hbm>>
    %dma_wait3A_49 = tpu.memref_slice %arg14[%dma_wait3A_44] : memref<6x!tpu.dma_semaphore, #tpu.memory_space<semaphore_mem>> -> memref<1x!tpu.dma_semaphore, #tpu.memory_space<semaphore_mem>>
    %dma_wait3A_50 = tpu.memref_squeeze %dma_wait3A_49 : memref<1x!tpu.dma_semaphore, #tpu.memory_space<semaphore_mem>> -> memref<!tpu.dma_semaphore, #tpu.memory_space<semaphore_mem>>
    %dma_wait3A_51 = arith.constant 0 : i32
    %dma_wait3A_52 = tpu.memref_slice %arg8[%dma_wait3A_43, %dma_wait3A_51] : memref<2x128xi32, #tpu.memory_space<vmem>> -> memref<1x128xi32, #tpu.memory_space<vmem>>
    %dma_wait3A_53 = tpu.memref_squeeze %dma_wait3A_52 : memref<1x128xi32, #tpu.memory_space<vmem>> -> memref<128xi32, #tpu.memory_space<vmem>>
    %dma_wait3A_54 = tpu.memref_slice %arg4[%add3A_31] : memref<320000xi32, #tpu.memory_space<hbm>> -> memref<128xi32, #tpu.memory_space<hbm>>
    tpu.wait_dma2 semaphore(%dma_wait3A_50 : memref<!tpu.dma_semaphore, #tpu.memory_space<semaphore_mem>>) src(%dma_wait3A_54 : memref<128xi32, #tpu.memory_space<hbm>>) dst(%dma_wait3A_53 : memref<128xi32, #tpu.memory_space<vmem>>)
    %dma_start3A_55 = arith.constant 0 : i32
    %dma_start3A_56 = arith.constant 0 : i32
    %dma_start3A_57 = arith.constant 0 : i32
    %dma_start3A_58 = arith.constant 0 : i32
    %dma_start3A_59 = arith.constant 0 : i32
    %dma_start3A_60 = tpu.memref_slice %arg9[%dma_start3A_56, %dma_start3A_58, %dma_start3A_59] : memref<2x128x128xf32, #tpu.memory_space<vmem>> -> memref<1x128x128xf32, #tpu.memory_space<vmem>>
    %dma_start3A_61 = tpu.memref_squeeze %dma_start3A_60 : memref<1x128x128xf32, #tpu.memory_space<vmem>> -> memref<128x128xf32, #tpu.memory_space<vmem>>
    %dma_start3A_62 = arith.constant 0 : i32
    %dma_start3A_63 = tpu.memref_slice %arg7[%dma_start3A_55, %dma_start3A_62] : memref<2x128xi32, #tpu.memory_space<vmem>> -> memref<1x128xi32, #tpu.memory_space<vmem>>
    %dma_start3A_64 = tpu.memref_squeeze %dma_start3A_63 : memref<1x128xi32, #tpu.memory_space<vmem>> -> memref<128xi32, #tpu.memory_space<vmem>>
    %dma_start3A_65 = arith.constant 0 : i32
    %dma_start3A_66 = arith.constant 0 : i32
    %dma_start3A_67 = tpu.memref_slice %arg2[%dma_start3A_65, %dma_start3A_66] : memref<10000x128xf32, #tpu.memory_space<hbm>> -> memref<10000x128xf32, #tpu.memory_space<hbm>>
    %dma_start3A_68 = tpu.memref_slice %arg14[%dma_start3A_57] : memref<6x!tpu.dma_semaphore, #tpu.memory_space<semaphore_mem>> -> memref<1x!tpu.dma_semaphore, #tpu.memory_space<semaphore_mem>>
    %dma_start3A_69 = tpu.memref_squeeze %dma_start3A_68 : memref<1x!tpu.dma_semaphore, #tpu.memory_space<semaphore_mem>> -> memref<!tpu.dma_semaphore, #tpu.memory_space<semaphore_mem>>
    tpu.enqueue_indirect_dma source(%dma_start3A_67 : memref<10000x128xf32, #tpu.memory_space<hbm>>) target(%dma_start3A_61 : memref<128x128xf32, #tpu.memory_space<vmem>>) offsets(%dma_start3A_64 : memref<128xi32, #tpu.memory_space<vmem>>) semaphore(%dma_start3A_69 : memref<!tpu.dma_semaphore, #tpu.memory_space<semaphore_mem>>)
    %add3A_70 = arith.constant 128 : i32
    %add3A_71 = arith.addi %mul3A_4, %add3A_70 : i32
    %dma_start3A_72 = arith.constant 1 : i32
    %dma_start3A_73 = arith.constant 3 : i32
    %dma_start3A_74 = arith.constant 0 : i32
    %dma_start3A_75 = tpu.memref_slice %arg7[%dma_start3A_72, %dma_start3A_74] : memref<2x128xi32, #tpu.memory_space<vmem>> -> memref<1x128xi32, #tpu.memory_space<vmem>>
    %dma_start3A_76 = tpu.memref_squeeze %dma_start3A_75 : memref<1x128xi32, #tpu.memory_space<vmem>> -> memref<128xi32, #tpu.memory_space<vmem>>
    %dma_start3A_77 = tpu.memref_slice %arg3[%add3A_71] : memref<320000xi32, #tpu.memory_space<hbm>> -> memref<128xi32, #tpu.memory_space<hbm>>
    %dma_start3A_78 = tpu.memref_slice %arg14[%dma_start3A_73] : memref<6x!tpu.dma_semaphore, #tpu.memory_space<semaphore_mem>> -> memref<1x!tpu.dma_semaphore, #tpu.memory_space<semaphore_mem>>
    %dma_start3A_79 = tpu.memref_squeeze %dma_start3A_78 : memref<1x!tpu.dma_semaphore, #tpu.memory_space<semaphore_mem>> -> memref<!tpu.dma_semaphore, #tpu.memory_space<semaphore_mem>>
    %dma_start3A_80 = arith.constant 0 : i32
    %dma_start3A_81 = tpu.memref_slice %arg7[%dma_start3A_72, %dma_start3A_80] : memref<2x128xi32, #tpu.memory_space<vmem>> -> memref<1x128xi32, #tpu.memory_space<vmem>>
    %dma_start3A_82 = tpu.memref_squeeze %dma_start3A_81 : memref<1x128xi32, #tpu.memory_space<vmem>> -> memref<128xi32, #tpu.memory_space<vmem>>
    %dma_start3A_83 = tpu.memref_slice %arg3[%add3A_71] : memref<320000xi32, #tpu.memory_space<hbm>> -> memref<128xi32, #tpu.memory_space<hbm>>
    tpu.enqueue_dma source(%dma_start3A_83 : memref<128xi32, #tpu.memory_space<hbm>>) target(%dma_start3A_82 : memref<128xi32, #tpu.memory_space<vmem>>) target_semaphore(%dma_start3A_79 : memref<!tpu.dma_semaphore, #tpu.memory_space<semaphore_mem>>)
    %dma_start3A_84 = arith.constant 1 : i32
    %dma_start3A_85 = arith.constant 5 : i32
    %dma_start3A_86 = arith.constant 0 : i32
    %dma_start3A_87 = tpu.memref_slice %arg8[%dma_start3A_84, %dma_start3A_86] : memref<2x128xi32, #tpu.memory_space<vmem>> -> memref<1x128xi32, #tpu.memory_space<vmem>>
    %dma_start3A_88 = tpu.memref_squeeze %dma_start3A_87 : memref<1x128xi32, #tpu.memory_space<vmem>> -> memref<128xi32, #tpu.memory_space<vmem>>
    %dma_start3A_89 = tpu.memref_slice %arg4[%add3A_71] : memref<320000xi32, #tpu.memory_space<hbm>> -> memref<128xi32, #tpu.memory_space<hbm>>
    %dma_start3A_90 = tpu.memref_slice %arg14[%dma_start3A_85] : memref<6x!tpu.dma_semaphore, #tpu.memory_space<semaphore_mem>> -> memref<1x!tpu.dma_semaphore, #tpu.memory_space<semaphore_mem>>
    %dma_start3A_91 = tpu.memref_squeeze %dma_start3A_90 : memref<1x!tpu.dma_semaphore, #tpu.memory_space<semaphore_mem>> -> memref<!tpu.dma_semaphore, #tpu.memory_space<semaphore_mem>>
    %dma_start3A_92 = arith.constant 0 : i32
    %dma_start3A_93 = tpu.memref_slice %arg8[%dma_start3A_84, %dma_start3A_92] : memref<2x128xi32, #tpu.memory_space<vmem>> -> memref<1x128xi32, #tpu.memory_space<vmem>>
    %dma_start3A_94 = tpu.memref_squeeze %dma_start3A_93 : memref<1x128xi32, #tpu.memory_space<vmem>> -> memref<128xi32, #tpu.memory_space<vmem>>
    %dma_start3A_95 = tpu.memref_slice %arg4[%add3A_71] : memref<320000xi32, #tpu.memory_space<hbm>> -> memref<128xi32, #tpu.memory_space<hbm>>
    tpu.enqueue_dma source(%dma_start3A_95 : memref<128xi32, #tpu.memory_space<hbm>>) target(%dma_start3A_94 : memref<128xi32, #tpu.memory_space<vmem>>) target_semaphore(%dma_start3A_91 : memref<!tpu.dma_semaphore, #tpu.memory_space<semaphore_mem>>)
    %scan3A = arith.constant 0 : i32
    %scan3A_96 = arith.constant 38 : i32
    %scan3A_97 = arith.addi %scan3A, %scan3A_96 : i32
    %scan3A_98 = arith.constant 1 : i32
    scf.for %scan3A_192 = %scan3A to %scan3A_97 step %scan3A_98  : i32 {
      %mul3A_193 = arith.constant 1 : i32
      %mul3A_194 = arith.muli %scan3A_192, %mul3A_193 : i32
      %add3A_195 = arith.constant 0 : i32
      %add3A_196 = arith.addi %add3A_195, %mul3A_194 : i32
      %mul3A_197 = arith.constant 2 : i32
      %mul3A_198 = arith.muli %add3A_196, %mul3A_197 : i32
      %add3A_199 = arith.constant 0 : i32
      %add3A_200 = arith.addi %mul3A_198, %add3A_199 : i32
      %add3A_201 = arith.constant 1 : i32
      %add3A_202 = arith.addi %add3A_200, %add3A_201 : i32
      %mul3A_203 = arith.constant 128 : i32
      %mul3A_204 = arith.muli %add3A_202, %mul3A_203 : i32
      %add3A_205 = arith.addi %mul3A_4, %mul3A_204 : i32
      %dma_wait3A_206 = arith.constant 1 : i32
      %dma_wait3A_207 = arith.constant 3 : i32
      %dma_wait3A_208 = arith.constant 0 : i32
      %dma_wait3A_209 = tpu.memref_slice %arg7[%dma_wait3A_206, %dma_wait3A_208] : memref<2x128xi32, #tpu.memory_space<vmem>> -> memref<1x128xi32, #tpu.memory_space<vmem>>
      %dma_wait3A_210 = tpu.memref_squeeze %dma_wait3A_209 : memref<1x128xi32, #tpu.memory_space<vmem>> -> memref<128xi32, #tpu.memory_space<vmem>>
      %dma_wait3A_211 = tpu.memref_slice %arg3[%add3A_205] : memref<320000xi32, #tpu.memory_space<hbm>> -> memref<128xi32, #tpu.memory_space<hbm>>
      %dma_wait3A_212 = tpu.memref_slice %arg14[%dma_wait3A_207] : memref<6x!tpu.dma_semaphore, #tpu.memory_space<semaphore_mem>> -> memref<1x!tpu.dma_semaphore, #tpu.memory_space<semaphore_mem>>
      %dma_wait3A_213 = tpu.memref_squeeze %dma_wait3A_212 : memref<1x!tpu.dma_semaphore, #tpu.memory_space<semaphore_mem>> -> memref<!tpu.dma_semaphore, #tpu.memory_space<semaphore_mem>>
      %dma_wait3A_214 = arith.constant 0 : i32
      %dma_wait3A_215 = tpu.memref_slice %arg7[%dma_wait3A_206, %dma_wait3A_214] : memref<2x128xi32, #tpu.memory_space<vmem>> -> memref<1x128xi32, #tpu.memory_space<vmem>>
      %dma_wait3A_216 = tpu.memref_squeeze %dma_wait3A_215 : memref<1x128xi32, #tpu.memory_space<vmem>> -> memref<128xi32, #tpu.memory_space<vmem>>
      %dma_wait3A_217 = tpu.memref_slice %arg3[%add3A_205] : memref<320000xi32, #tpu.memory_space<hbm>> -> memref<128xi32, #tpu.memory_space<hbm>>
      tpu.wait_dma2 semaphore(%dma_wait3A_213 : memref<!tpu.dma_semaphore, #tpu.memory_space<semaphore_mem>>) src(%dma_wait3A_217 : memref<128xi32, #tpu.memory_space<hbm>>) dst(%dma_wait3A_216 : memref<128xi32, #tpu.memory_space<vmem>>)
      %dma_wait3A_218 = arith.constant 1 : i32
      %dma_wait3A_219 = arith.constant 5 : i32
      %dma_wait3A_220 = arith.constant 0 : i32
      %dma_wait3A_221 = tpu.memref_slice %arg8[%dma_wait3A_218, %dma_wait3A_220] : memref<2x128xi32, #tpu.memory_space<vmem>> -> memref<1x128xi32, #tpu.memory_space<vmem>>
      %dma_wait3A_222 = tpu.memref_squeeze %dma_wait3A_221 : memref<1x128xi32, #tpu.memory_space<vmem>> -> memref<128xi32, #tpu.memory_space<vmem>>
      %dma_wait3A_223 = tpu.memref_slice %arg4[%add3A_205] : memref<320000xi32, #tpu.memory_space<hbm>> -> memref<128xi32, #tpu.memory_space<hbm>>
      %dma_wait3A_224 = tpu.memref_slice %arg14[%dma_wait3A_219] : memref<6x!tpu.dma_semaphore, #tpu.memory_space<semaphore_mem>> -> memref<1x!tpu.dma_semaphore, #tpu.memory_space<semaphore_mem>>
      %dma_wait3A_225 = tpu.memref_squeeze %dma_wait3A_224 : memref<1x!tpu.dma_semaphore, #tpu.memory_space<semaphore_mem>> -> memref<!tpu.dma_semaphore, #tpu.memory_space<semaphore_mem>>
      %dma_wait3A_226 = arith.constant 0 : i32
      %dma_wait3A_227 = tpu.memref_slice %arg8[%dma_wait3A_218, %dma_wait3A_226] : memref<2x128xi32, #tpu.memory_space<vmem>> -> memref<1x128xi32, #tpu.memory_space<vmem>>
      %dma_wait3A_228 = tpu.memref_squeeze %dma_wait3A_227 : memref<1x128xi32, #tpu.memory_space<vmem>> -> memref<128xi32, #tpu.memory_space<vmem>>
      %dma_wait3A_229 = tpu.memref_slice %arg4[%add3A_205] : memref<320000xi32, #tpu.memory_space<hbm>> -> memref<128xi32, #tpu.memory_space<hbm>>
      tpu.wait_dma2 semaphore(%dma_wait3A_225 : memref<!tpu.dma_semaphore, #tpu.memory_space<semaphore_mem>>) src(%dma_wait3A_229 : memref<128xi32, #tpu.memory_space<hbm>>) dst(%dma_wait3A_228 : memref<128xi32, #tpu.memory_space<vmem>>)
      %dma_start3A_230 = arith.constant 1 : i32
      %dma_start3A_231 = arith.constant 1 : i32
      %dma_start3A_232 = arith.constant 1 : i32
      %dma_start3A_233 = arith.constant 0 : i32
      %dma_start3A_234 = arith.constant 0 : i32
      %dma_start3A_235 = tpu.memref_slice %arg9[%dma_start3A_231, %dma_start3A_233, %dma_start3A_234] : memref<2x128x128xf32, #tpu.memory_space<vmem>> -> memref<1x128x128xf32, #tpu.memory_space<vmem>>
      %dma_start3A_236 = tpu.memref_squeeze %dma_start3A_235 : memref<1x128x128xf32, #tpu.memory_space<vmem>> -> memref<128x128xf32, #tpu.memory_space<vmem>>
      %dma_start3A_237 = arith.constant 0 : i32
      %dma_start3A_238 = tpu.memref_slice %arg7[%dma_start3A_230, %dma_start3A_237] : memref<2x128xi32, #tpu.memory_space<vmem>> -> memref<1x128xi32, #tpu.memory_space<vmem>>
      %dma_start3A_239 = tpu.memref_squeeze %dma_start3A_238 : memref<1x128xi32, #tpu.memory_space<vmem>> -> memref<128xi32, #tpu.memory_space<vmem>>
      %dma_start3A_240 = arith.constant 0 : i32
      %dma_start3A_241 = arith.constant 0 : i32
      %dma_start3A_242 = tpu.memref_slice %arg2[%dma_start3A_240, %dma_start3A_241] : memref<10000x128xf32, #tpu.memory_space<hbm>> -> memref<10000x128xf32, #tpu.memory_space<hbm>>
      %dma_start3A_243 = tpu.memref_slice %arg14[%dma_start3A_232] : memref<6x!tpu.dma_semaphore, #tpu.memory_space<semaphore_mem>> -> memref<1x!tpu.dma_semaphore, #tpu.memory_space<semaphore_mem>>
      %dma_start3A_244 = tpu.memref_squeeze %dma_start3A_243 : memref<1x!tpu.dma_semaphore, #tpu.memory_space<semaphore_mem>> -> memref<!tpu.dma_semaphore, #tpu.memory_space<semaphore_mem>>
      tpu.enqueue_indirect_dma source(%dma_start3A_242 : memref<10000x128xf32, #tpu.memory_space<hbm>>) target(%dma_start3A_236 : memref<128x128xf32, #tpu.memory_space<vmem>>) offsets(%dma_start3A_239 : memref<128xi32, #tpu.memory_space<vmem>>) semaphore(%dma_start3A_244 : memref<!tpu.dma_semaphore, #tpu.memory_space<semaphore_mem>>)
      %dma_wait3A_245 = arith.constant 0 : i32
      %dma_wait3A_246 = arith.constant 0 : i32
      %dma_wait3A_247 = arith.constant 0 : i32
      %dma_wait3A_248 = arith.constant 0 : i32
      %dma_wait3A_249 = arith.constant 0 : i32
      %dma_wait3A_250 = tpu.memref_slice %arg9[%dma_wait3A_246, %dma_wait3A_248, %dma_wait3A_249] : memref<2x128x128xf32, #tpu.memory_space<vmem>> -> memref<1x128x128xf32, #tpu.memory_space<vmem>>
      %dma_wait3A_251 = tpu.memref_squeeze %dma_wait3A_250 : memref<1x128x128xf32, #tpu.memory_space<vmem>> -> memref<128x128xf32, #tpu.memory_space<vmem>>
      %dma_wait3A_252 = arith.constant 0 : i32
      %dma_wait3A_253 = tpu.memref_slice %arg7[%dma_wait3A_245, %dma_wait3A_252] : memref<2x128xi32, #tpu.memory_space<vmem>> -> memref<1x128xi32, #tpu.memory_space<vmem>>
      %dma_wait3A_254 = tpu.memref_squeeze %dma_wait3A_253 : memref<1x128xi32, #tpu.memory_space<vmem>> -> memref<128xi32, #tpu.memory_space<vmem>>
      %dma_wait3A_255 = arith.constant 0 : i32
      %dma_wait3A_256 = arith.constant 0 : i32
      %dma_wait3A_257 = tpu.memref_slice %arg2[%dma_wait3A_255, %dma_wait3A_256] : memref<10000x128xf32, #tpu.memory_space<hbm>> -> memref<10000x128xf32, #tpu.memory_space<hbm>>
      %dma_wait3A_258 = tpu.memref_slice %arg14[%dma_wait3A_247] : memref<6x!tpu.dma_semaphore, #tpu.memory_space<semaphore_mem>> -> memref<1x!tpu.dma_semaphore, #tpu.memory_space<semaphore_mem>>
      %dma_wait3A_259 = tpu.memref_squeeze %dma_wait3A_258 : memref<1x!tpu.dma_semaphore, #tpu.memory_space<semaphore_mem>> -> memref<!tpu.dma_semaphore, #tpu.memory_space<semaphore_mem>>
      tpu.wait_indirect_dma semaphore(%dma_wait3A_259 : memref<!tpu.dma_semaphore, #tpu.memory_space<semaphore_mem>>) src(%dma_wait3A_257 : memref<10000x128xf32, #tpu.memory_space<hbm>>) dst(%dma_wait3A_251 : memref<128x128xf32, #tpu.memory_space<vmem>>)
      %run_scoped3A_260 = arith.constant 0 : i32
      %run_scoped3A_261 = arith.constant 0 : i32
      "tpu.region"() ({
        %run_scoped3A_385 = tpu.sem_alloc : memref<!tpu.dma_semaphore, #tpu.memory_space<semaphore_mem>>
        %dma_start3A_386 = arith.constant 0 : i32
        %dma_start3A_387 = arith.constant 0 : i32
        %dma_start3A_388 = tpu.memref_slice %arg9[%run_scoped3A_260, %dma_start3A_386, %dma_start3A_387] : memref<2x128x128xf32, #tpu.memory_space<vmem>> -> memref<1x128x128xf32, #tpu.memory_space<vmem>>
        %dma_start3A_389 = tpu.memref_squeeze %dma_start3A_388 : memref<1x128x128xf32, #tpu.memory_space<vmem>> -> memref<128x128xf32, #tpu.memory_space<vmem>>
        %dma_start3A_390 = arith.constant 0 : i32
        %dma_start3A_391 = tpu.memref_slice %arg8[%run_scoped3A_261, %dma_start3A_390] : memref<2x128xi32, #tpu.memory_space<vmem>> -> memref<1x128xi32, #tpu.memory_space<vmem>>
        %dma_start3A_392 = tpu.memref_squeeze %dma_start3A_391 : memref<1x128xi32, #tpu.memory_space<vmem>> -> memref<128xi32, #tpu.memory_space<vmem>>
        %dma_start3A_393 = arith.constant 0 : i32
        %dma_start3A_394 = arith.constant 0 : i32
        %dma_start3A_395 = tpu.memref_slice %arg13[%dma_start3A_393, %dma_start3A_394] : memref<10000x128xf32, #tpu.memory_space<vmem_shared>> -> memref<10000x128xf32, #tpu.memory_space<vmem_shared>>
        tpu.enqueue_indirect_dma source(%dma_start3A_389 : memref<128x128xf32, #tpu.memory_space<vmem>>) target(%dma_start3A_395 : memref<10000x128xf32, #tpu.memory_space<vmem_shared>>) offsets(%dma_start3A_392 : memref<128xi32, #tpu.memory_space<vmem>>) semaphore(%run_scoped3A_385 : memref<!tpu.dma_semaphore, #tpu.memory_space<semaphore_mem>>) {add = true}
        %dma_wait3A_396 = arith.constant 0 : i32
        %dma_wait3A_397 = arith.constant 0 : i32
        %dma_wait3A_398 = tpu.memref_slice %arg9[%run_scoped3A_260, %dma_wait3A_396, %dma_wait3A_397] : memref<2x128x128xf32, #tpu.memory_space<vmem>> -> memref<1x128x128xf32, #tpu.memory_space<vmem>>
        %dma_wait3A_399 = tpu.memref_squeeze %dma_wait3A_398 : memref<1x128x128xf32, #tpu.memory_space<vmem>> -> memref<128x128xf32, #tpu.memory_space<vmem>>
        %dma_wait3A_400 = arith.constant 0 : i32
        %dma_wait3A_401 = tpu.memref_slice %arg8[%run_scoped3A_261, %dma_wait3A_400] : memref<2x128xi32, #tpu.memory_space<vmem>> -> memref<1x128xi32, #tpu.memory_space<vmem>>
        %dma_wait3A_402 = tpu.memref_squeeze %dma_wait3A_401 : memref<1x128xi32, #tpu.memory_space<vmem>> -> memref<128xi32, #tpu.memory_space<vmem>>
        %dma_wait3A_403 = arith.constant 0 : i32
        %dma_wait3A_404 = arith.constant 0 : i32
        %dma_wait3A_405 = tpu.memref_slice %arg13[%dma_wait3A_403, %dma_wait3A_404] : memref<10000x128xf32, #tpu.memory_space<vmem_shared>> -> memref<10000x128xf32, #tpu.memory_space<vmem_shared>>
        tpu.wait_indirect_dma semaphore(%run_scoped3A_385 : memref<!tpu.dma_semaphore, #tpu.memory_space<semaphore_mem>>) src(%dma_wait3A_399 : memref<128x128xf32, #tpu.memory_space<vmem>>) dst(%dma_wait3A_405 : memref<10000x128xf32, #tpu.memory_space<vmem_shared>>)
        tpu.yield
      }) : () -> ()
      %add3A_262 = arith.constant 2 : i32
      %add3A_263 = arith.addi %add3A_200, %add3A_262 : i32
      %mul3A_264 = arith.constant 128 : i32
      %mul3A_265 = arith.muli %add3A_263, %mul3A_264 : i32
      %add3A_266 = arith.addi %mul3A_4, %mul3A_265 : i32
      %dma_start3A_267 = arith.constant 0 : i32
      %dma_start3A_268 = arith.constant 2 : i32
      %dma_start3A_269 = arith.constant 0 : i32
      %dma_start3A_270 = tpu.memref_slice %arg7[%dma_start3A_267, %dma_start3A_269] : memref<2x128xi32, #tpu.memory_space<vmem>> -> memref<1x128xi32, #tpu.memory_space<vmem>>
      %dma_start3A_271 = tpu.memref_squeeze %dma_start3A_270 : memref<1x128xi32, #tpu.memory_space<vmem>> -> memref<128xi32, #tpu.memory_space<vmem>>
      %dma_start3A_272 = tpu.memref_slice %arg3[%add3A_266] : memref<320000xi32, #tpu.memory_space<hbm>> -> memref<128xi32, #tpu.memory_space<hbm>>
      %dma_start3A_273 = tpu.memref_slice %arg14[%dma_start3A_268] : memref<6x!tpu.dma_semaphore, #tpu.memory_space<semaphore_mem>> -> memref<1x!tpu.dma_semaphore, #tpu.memory_space<semaphore_mem>>
      %dma_start3A_274 = tpu.memref_squeeze %dma_start3A_273 : memref<1x!tpu.dma_semaphore, #tpu.memory_space<semaphore_mem>> -> memref<!tpu.dma_semaphore, #tpu.memory_space<semaphore_mem>>
      %dma_start3A_275 = arith.constant 0 : i32
      %dma_start3A_276 = tpu.memref_slice %arg7[%dma_start3A_267, %dma_start3A_275] : memref<2x128xi32, #tpu.memory_space<vmem>> -> memref<1x128xi32, #tpu.memory_space<vmem>>
      %dma_start3A_277 = tpu.memref_squeeze %dma_start3A_276 : memref<1x128xi32, #tpu.memory_space<vmem>> -> memref<128xi32, #tpu.memory_space<vmem>>
      %dma_start3A_278 = tpu.memref_slice %arg3[%add3A_266] : memref<320000xi32, #tpu.memory_space<hbm>> -> memref<128xi32, #tpu.memory_space<hbm>>
      tpu.enqueue_dma source(%dma_start3A_278 : memref<128xi32, #tpu.memory_space<hbm>>) target(%dma_start3A_277 : memref<128xi32, #tpu.memory_space<vmem>>) target_semaphore(%dma_start3A_274 : memref<!tpu.dma_semaphore, #tpu.memory_space<semaphore_mem>>)
      %dma_start3A_279 = arith.constant 0 : i32
      %dma_start3A_280 = arith.constant 4 : i32
      %dma_start3A_281 = arith.constant 0 : i32
      %dma_start3A_282 = tpu.memref_slice %arg8[%dma_start3A_279, %dma_start3A_281] : memref<2x128xi32, #tpu.memory_space<vmem>> -> memref<1x128xi32, #tpu.memory_space<vmem>>
      %dma_start3A_283 = tpu.memref_squeeze %dma_start3A_282 : memref<1x128xi32, #tpu.memory_space<vmem>> -> memref<128xi32, #tpu.memory_space<vmem>>
      %dma_start3A_284 = tpu.memref_slice %arg4[%add3A_266] : memref<320000xi32, #tpu.memory_space<hbm>> -> memref<128xi32, #tpu.memory_space<hbm>>
      %dma_start3A_285 = tpu.memref_slice %arg14[%dma_start3A_280] : memref<6x!tpu.dma_semaphore, #tpu.memory_space<semaphore_mem>> -> memref<1x!tpu.dma_semaphore, #tpu.memory_space<semaphore_mem>>
      %dma_start3A_286 = tpu.memref_squeeze %dma_start3A_285 : memref<1x!tpu.dma_semaphore, #tpu.memory_space<semaphore_mem>> -> memref<!tpu.dma_semaphore, #tpu.memory_space<semaphore_mem>>
      %dma_start3A_287 = arith.constant 0 : i32
      %dma_start3A_288 = tpu.memref_slice %arg8[%dma_start3A_279, %dma_start3A_287] : memref<2x128xi32, #tpu.memory_space<vmem>> -> memref<1x128xi32, #tpu.memory_space<vmem>>
      %dma_start3A_289 = tpu.memref_squeeze %dma_start3A_288 : memref<1x128xi32, #tpu.memory_space<vmem>> -> memref<128xi32, #tpu.memory_space<vmem>>
      %dma_start3A_290 = tpu.memref_slice %arg4[%add3A_266] : memref<320000xi32, #tpu.memory_space<hbm>> -> memref<128xi32, #tpu.memory_space<hbm>>
      tpu.enqueue_dma source(%dma_start3A_290 : memref<128xi32, #tpu.memory_space<hbm>>) target(%dma_start3A_289 : memref<128xi32, #tpu.memory_space<vmem>>) target_semaphore(%dma_start3A_286 : memref<!tpu.dma_semaphore, #tpu.memory_space<semaphore_mem>>)
      %mul3A_291 = arith.constant 2 : i32
      %mul3A_292 = arith.muli %add3A_196, %mul3A_291 : i32
      %add3A_293 = arith.constant 1 : i32
      %add3A_294 = arith.addi %mul3A_292, %add3A_293 : i32
      %add3A_295 = arith.constant 1 : i32
      %add3A_296 = arith.addi %add3A_294, %add3A_295 : i32
      %mul3A_297 = arith.constant 128 : i32
      %mul3A_298 = arith.muli %add3A_296, %mul3A_297 : i32
      %add3A_299 = arith.addi %mul3A_4, %mul3A_298 : i32
      %dma_wait3A_300 = arith.constant 0 : i32
      %dma_wait3A_301 = arith.constant 2 : i32
      %dma_wait3A_302 = arith.constant 0 : i32
      %dma_wait3A_303 = tpu.memref_slice %arg7[%dma_wait3A_300, %dma_wait3A_302] : memref<2x128xi32, #tpu.memory_space<vmem>> -> memref<1x128xi32, #tpu.memory_space<vmem>>
      %dma_wait3A_304 = tpu.memref_squeeze %dma_wait3A_303 : memref<1x128xi32, #tpu.memory_space<vmem>> -> memref<128xi32, #tpu.memory_space<vmem>>
      %dma_wait3A_305 = tpu.memref_slice %arg3[%add3A_299] : memref<320000xi32, #tpu.memory_space<hbm>> -> memref<128xi32, #tpu.memory_space<hbm>>
      %dma_wait3A_306 = tpu.memref_slice %arg14[%dma_wait3A_301] : memref<6x!tpu.dma_semaphore, #tpu.memory_space<semaphore_mem>> -> memref<1x!tpu.dma_semaphore, #tpu.memory_space<semaphore_mem>>
      %dma_wait3A_307 = tpu.memref_squeeze %dma_wait3A_306 : memref<1x!tpu.dma_semaphore, #tpu.memory_space<semaphore_mem>> -> memref<!tpu.dma_semaphore, #tpu.memory_space<semaphore_mem>>
      %dma_wait3A_308 = arith.constant 0 : i32
      %dma_wait3A_309 = tpu.memref_slice %arg7[%dma_wait3A_300, %dma_wait3A_308] : memref<2x128xi32, #tpu.memory_space<vmem>> -> memref<1x128xi32, #tpu.memory_space<vmem>>
      %dma_wait3A_310 = tpu.memref_squeeze %dma_wait3A_309 : memref<1x128xi32, #tpu.memory_space<vmem>> -> memref<128xi32, #tpu.memory_space<vmem>>
      %dma_wait3A_311 = tpu.memref_slice %arg3[%add3A_299] : memref<320000xi32, #tpu.memory_space<hbm>> -> memref<128xi32, #tpu.memory_space<hbm>>
      tpu.wait_dma2 semaphore(%dma_wait3A_307 : memref<!tpu.dma_semaphore, #tpu.memory_space<semaphore_mem>>) src(%dma_wait3A_311 : memref<128xi32, #tpu.memory_space<hbm>>) dst(%dma_wait3A_310 : memref<128xi32, #tpu.memory_space<vmem>>)
      %dma_wait3A_312 = arith.constant 0 : i32
      %dma_wait3A_313 = arith.constant 4 : i32
      %dma_wait3A_314 = arith.constant 0 : i32
      %dma_wait3A_315 = tpu.memref_slice %arg8[%dma_wait3A_312, %dma_wait3A_314] : memref<2x128xi32, #tpu.memory_space<vmem>> -> memref<1x128xi32, #tpu.memory_space<vmem>>
      %dma_wait3A_316 = tpu.memref_squeeze %dma_wait3A_315 : memref<1x128xi32, #tpu.memory_space<vmem>> -> memref<128xi32, #tpu.memory_space<vmem>>
      %dma_wait3A_317 = tpu.memref_slice %arg4[%add3A_299] : memref<320000xi32, #tpu.memory_space<hbm>> -> memref<128xi32, #tpu.memory_space<hbm>>
      %dma_wait3A_318 = tpu.memref_slice %arg14[%dma_wait3A_313] : memref<6x!tpu.dma_semaphore, #tpu.memory_space<semaphore_mem>> -> memref<1x!tpu.dma_semaphore, #tpu.memory_space<semaphore_mem>>
      %dma_wait3A_319 = tpu.memref_squeeze %dma_wait3A_318 : memref<1x!tpu.dma_semaphore, #tpu.memory_space<semaphore_mem>> -> memref<!tpu.dma_semaphore, #tpu.memory_space<semaphore_mem>>
      %dma_wait3A_320 = arith.constant 0 : i32
      %dma_wait3A_321 = tpu.memref_slice %arg8[%dma_wait3A_312, %dma_wait3A_320] : memref<2x128xi32, #tpu.memory_space<vmem>> -> memref<1x128xi32, #tpu.memory_space<vmem>>
      %dma_wait3A_322 = tpu.memref_squeeze %dma_wait3A_321 : memref<1x128xi32, #tpu.memory_space<vmem>> -> memref<128xi32, #tpu.memory_space<vmem>>
      %dma_wait3A_323 = tpu.memref_slice %arg4[%add3A_299] : memref<320000xi32, #tpu.memory_space<hbm>> -> memref<128xi32, #tpu.memory_space<hbm>>
      tpu.wait_dma2 semaphore(%dma_wait3A_319 : memref<!tpu.dma_semaphore, #tpu.memory_space<semaphore_mem>>) src(%dma_wait3A_323 : memref<128xi32, #tpu.memory_space<hbm>>) dst(%dma_wait3A_322 : memref<128xi32, #tpu.memory_space<vmem>>)
      %dma_start3A_324 = arith.constant 0 : i32
      %dma_start3A_325 = arith.constant 0 : i32
      %dma_start3A_326 = arith.constant 0 : i32
      %dma_start3A_327 = arith.constant 0 : i32
      %dma_start3A_328 = arith.constant 0 : i32
      %dma_start3A_329 = tpu.memref_slice %arg9[%dma_start3A_325, %dma_start3A_327, %dma_start3A_328] : memref<2x128x128xf32, #tpu.memory_space<vmem>> -> memref<1x128x128xf32, #tpu.memory_space<vmem>>
      %dma_start3A_330 = tpu.memref_squeeze %dma_start3A_329 : memref<1x128x128xf32, #tpu.memory_space<vmem>> -> memref<128x128xf32, #tpu.memory_space<vmem>>
      %dma_start3A_331 = arith.constant 0 : i32
      %dma_start3A_332 = tpu.memref_slice %arg7[%dma_start3A_324, %dma_start3A_331] : memref<2x128xi32, #tpu.memory_space<vmem>> -> memref<1x128xi32, #tpu.memory_space<vmem>>
      %dma_start3A_333 = tpu.memref_squeeze %dma_start3A_332 : memref<1x128xi32, #tpu.memory_space<vmem>> -> memref<128xi32, #tpu.memory_space<vmem>>
      %dma_start3A_334 = arith.constant 0 : i32
      %dma_start3A_335 = arith.constant 0 : i32
      %dma_start3A_336 = tpu.memref_slice %arg2[%dma_start3A_334, %dma_start3A_335] : memref<10000x128xf32, #tpu.memory_space<hbm>> -> memref<10000x128xf32, #tpu.memory_space<hbm>>
      %dma_start3A_337 = tpu.memref_slice %arg14[%dma_start3A_326] : memref<6x!tpu.dma_semaphore, #tpu.memory_space<semaphore_mem>> -> memref<1x!tpu.dma_semaphore, #tpu.memory_space<semaphore_mem>>
      %dma_start3A_338 = tpu.memref_squeeze %dma_start3A_337 : memref<1x!tpu.dma_semaphore, #tpu.memory_space<semaphore_mem>> -> memref<!tpu.dma_semaphore, #tpu.memory_space<semaphore_mem>>
      tpu.enqueue_indirect_dma source(%dma_start3A_336 : memref<10000x128xf32, #tpu.memory_space<hbm>>) target(%dma_start3A_330 : memref<128x128xf32, #tpu.memory_space<vmem>>) offsets(%dma_start3A_333 : memref<128xi32, #tpu.memory_space<vmem>>) semaphore(%dma_start3A_338 : memref<!tpu.dma_semaphore, #tpu.memory_space<semaphore_mem>>)
      %dma_wait3A_339 = arith.constant 1 : i32
      %dma_wait3A_340 = arith.constant 1 : i32
      %dma_wait3A_341 = arith.constant 1 : i32
      %dma_wait3A_342 = arith.constant 0 : i32
      %dma_wait3A_343 = arith.constant 0 : i32
      %dma_wait3A_344 = tpu.memref_slice %arg9[%dma_wait3A_340, %dma_wait3A_342, %dma_wait3A_343] : memref<2x128x128xf32, #tpu.memory_space<vmem>> -> memref<1x128x128xf32, #tpu.memory_space<vmem>>
      %dma_wait3A_345 = tpu.memref_squeeze %dma_wait3A_344 : memref<1x128x128xf32, #tpu.memory_space<vmem>> -> memref<128x128xf32, #tpu.memory_space<vmem>>
      %dma_wait3A_346 = arith.constant 0 : i32
      %dma_wait3A_347 = tpu.memref_slice %arg7[%dma_wait3A_339, %dma_wait3A_346] : memref<2x128xi32, #tpu.memory_space<vmem>> -> memref<1x128xi32, #tpu.memory_space<vmem>>
      %dma_wait3A_348 = tpu.memref_squeeze %dma_wait3A_347 : memref<1x128xi32, #tpu.memory_space<vmem>> -> memref<128xi32, #tpu.memory_space<vmem>>
      %dma_wait3A_349 = arith.constant 0 : i32
      %dma_wait3A_350 = arith.constant 0 : i32
      %dma_wait3A_351 = tpu.memref_slice %arg2[%dma_wait3A_349, %dma_wait3A_350] : memref<10000x128xf32, #tpu.memory_space<hbm>> -> memref<10000x128xf32, #tpu.memory_space<hbm>>
      %dma_wait3A_352 = tpu.memref_slice %arg14[%dma_wait3A_341] : memref<6x!tpu.dma_semaphore, #tpu.memory_space<semaphore_mem>> -> memref<1x!tpu.dma_semaphore, #tpu.memory_space<semaphore_mem>>
      %dma_wait3A_353 = tpu.memref_squeeze %dma_wait3A_352 : memref<1x!tpu.dma_semaphore, #tpu.memory_space<semaphore_mem>> -> memref<!tpu.dma_semaphore, #tpu.memory_space<semaphore_mem>>
      tpu.wait_indirect_dma semaphore(%dma_wait3A_353 : memref<!tpu.dma_semaphore, #tpu.memory_space<semaphore_mem>>) src(%dma_wait3A_351 : memref<10000x128xf32, #tpu.memory_space<hbm>>) dst(%dma_wait3A_345 : memref<128x128xf32, #tpu.memory_space<vmem>>)
      %run_scoped3A_354 = arith.constant 1 : i32
      %run_scoped3A_355 = arith.constant 1 : i32
      "tpu.region"() ({
        %run_scoped3A_385 = tpu.sem_alloc : memref<!tpu.dma_semaphore, #tpu.memory_space<semaphore_mem>>
        %dma_start3A_386 = arith.constant 0 : i32
        %dma_start3A_387 = arith.constant 0 : i32
        %dma_start3A_388 = tpu.memref_slice %arg9[%run_scoped3A_354, %dma_start3A_386, %dma_start3A_387] : memref<2x128x128xf32, #tpu.memory_space<vmem>> -> memref<1x128x128xf32, #tpu.memory_space<vmem>>
        %dma_start3A_389 = tpu.memref_squeeze %dma_start3A_388 : memref<1x128x128xf32, #tpu.memory_space<vmem>> -> memref<128x128xf32, #tpu.memory_space<vmem>>
        %dma_start3A_390 = arith.constant 0 : i32
        %dma_start3A_391 = tpu.memref_slice %arg8[%run_scoped3A_355, %dma_start3A_390] : memref<2x128xi32, #tpu.memory_space<vmem>> -> memref<1x128xi32, #tpu.memory_space<vmem>>
        %dma_start3A_392 = tpu.memref_squeeze %dma_start3A_391 : memref<1x128xi32, #tpu.memory_space<vmem>> -> memref<128xi32, #tpu.memory_space<vmem>>
        %dma_start3A_393 = arith.constant 0 : i32
        %dma_start3A_394 = arith.constant 0 : i32
        %dma_start3A_395 = tpu.memref_slice %arg13[%dma_start3A_393, %dma_start3A_394] : memref<10000x128xf32, #tpu.memory_space<vmem_shared>> -> memref<10000x128xf32, #tpu.memory_space<vmem_shared>>
        tpu.enqueue_indirect_dma source(%dma_start3A_389 : memref<128x128xf32, #tpu.memory_space<vmem>>) target(%dma_start3A_395 : memref<10000x128xf32, #tpu.memory_space<vmem_shared>>) offsets(%dma_start3A_392 : memref<128xi32, #tpu.memory_space<vmem>>) semaphore(%run_scoped3A_385 : memref<!tpu.dma_semaphore, #tpu.memory_space<semaphore_mem>>) {add = true}
        %dma_wait3A_396 = arith.constant 0 : i32
        %dma_wait3A_397 = arith.constant 0 : i32
        %dma_wait3A_398 = tpu.memref_slice %arg9[%run_scoped3A_354, %dma_wait3A_396, %dma_wait3A_397] : memref<2x128x128xf32, #tpu.memory_space<vmem>> -> memref<1x128x128xf32, #tpu.memory_space<vmem>>
        %dma_wait3A_399 = tpu.memref_squeeze %dma_wait3A_398 : memref<1x128x128xf32, #tpu.memory_space<vmem>> -> memref<128x128xf32, #tpu.memory_space<vmem>>
        %dma_wait3A_400 = arith.constant 0 : i32
        %dma_wait3A_401 = tpu.memref_slice %arg8[%run_scoped3A_355, %dma_wait3A_400] : memref<2x128xi32, #tpu.memory_space<vmem>> -> memref<1x128xi32, #tpu.memory_space<vmem>>
        %dma_wait3A_402 = tpu.memref_squeeze %dma_wait3A_401 : memref<1x128xi32, #tpu.memory_space<vmem>> -> memref<128xi32, #tpu.memory_space<vmem>>
        %dma_wait3A_403 = arith.constant 0 : i32
        %dma_wait3A_404 = arith.constant 0 : i32
        %dma_wait3A_405 = tpu.memref_slice %arg13[%dma_wait3A_403, %dma_wait3A_404] : memref<10000x128xf32, #tpu.memory_space<vmem_shared>> -> memref<10000x128xf32, #tpu.memory_space<vmem_shared>>
        tpu.wait_indirect_dma semaphore(%run_scoped3A_385 : memref<!tpu.dma_semaphore, #tpu.memory_space<semaphore_mem>>) src(%dma_wait3A_399 : memref<128x128xf32, #tpu.memory_space<vmem>>) dst(%dma_wait3A_405 : memref<10000x128xf32, #tpu.memory_space<vmem_shared>>)
        tpu.yield
      }) : () -> ()
      %add3A_356 = arith.constant 2 : i32
      %add3A_357 = arith.addi %add3A_294, %add3A_356 : i32
      %mul3A_358 = arith.constant 128 : i32
      %mul3A_359 = arith.muli %add3A_357, %mul3A_358 : i32
      %add3A_360 = arith.addi %mul3A_4, %mul3A_359 : i32
      %dma_start3A_361 = arith.constant 1 : i32
      %dma_start3A_362 = arith.constant 3 : i32
      %dma_start3A_363 = arith.constant 0 : i32
      %dma_start3A_364 = tpu.memref_slice %arg7[%dma_start3A_361, %dma_start3A_363] : memref<2x128xi32, #tpu.memory_space<vmem>> -> memref<1x128xi32, #tpu.memory_space<vmem>>
      %dma_start3A_365 = tpu.memref_squeeze %dma_start3A_364 : memref<1x128xi32, #tpu.memory_space<vmem>> -> memref<128xi32, #tpu.memory_space<vmem>>
      %dma_start3A_366 = tpu.memref_slice %arg3[%add3A_360] : memref<320000xi32, #tpu.memory_space<hbm>> -> memref<128xi32, #tpu.memory_space<hbm>>
      %dma_start3A_367 = tpu.memref_slice %arg14[%dma_start3A_362] : memref<6x!tpu.dma_semaphore, #tpu.memory_space<semaphore_mem>> -> memref<1x!tpu.dma_semaphore, #tpu.memory_space<semaphore_mem>>
      %dma_start3A_368 = tpu.memref_squeeze %dma_start3A_367 : memref<1x!tpu.dma_semaphore, #tpu.memory_space<semaphore_mem>> -> memref<!tpu.dma_semaphore, #tpu.memory_space<semaphore_mem>>
      %dma_start3A_369 = arith.constant 0 : i32
      %dma_start3A_370 = tpu.memref_slice %arg7[%dma_start3A_361, %dma_start3A_369] : memref<2x128xi32, #tpu.memory_space<vmem>> -> memref<1x128xi32, #tpu.memory_space<vmem>>
      %dma_start3A_371 = tpu.memref_squeeze %dma_start3A_370 : memref<1x128xi32, #tpu.memory_space<vmem>> -> memref<128xi32, #tpu.memory_space<vmem>>
      %dma_start3A_372 = tpu.memref_slice %arg3[%add3A_360] : memref<320000xi32, #tpu.memory_space<hbm>> -> memref<128xi32, #tpu.memory_space<hbm>>
      tpu.enqueue_dma source(%dma_start3A_372 : memref<128xi32, #tpu.memory_space<hbm>>) target(%dma_start3A_371 : memref<128xi32, #tpu.memory_space<vmem>>) target_semaphore(%dma_start3A_368 : memref<!tpu.dma_semaphore, #tpu.memory_space<semaphore_mem>>)
      %dma_start3A_373 = arith.constant 1 : i32
      %dma_start3A_374 = arith.constant 5 : i32
      %dma_start3A_375 = arith.constant 0 : i32
      %dma_start3A_376 = tpu.memref_slice %arg8[%dma_start3A_373, %dma_start3A_375] : memref<2x128xi32, #tpu.memory_space<vmem>> -> memref<1x128xi32, #tpu.memory_space<vmem>>
      %dma_start3A_377 = tpu.memref_squeeze %dma_start3A_376 : memref<1x128xi32, #tpu.memory_space<vmem>> -> memref<128xi32, #tpu.memory_space<vmem>>
      %dma_start3A_378 = tpu.memref_slice %arg4[%add3A_360] : memref<320000xi32, #tpu.memory_space<hbm>> -> memref<128xi32, #tpu.memory_space<hbm>>
      %dma_start3A_379 = tpu.memref_slice %arg14[%dma_start3A_374] : memref<6x!tpu.dma_semaphore, #tpu.memory_space<semaphore_mem>> -> memref<1x!tpu.dma_semaphore, #tpu.memory_space<semaphore_mem>>
      %dma_start3A_380 = tpu.memref_squeeze %dma_start3A_379 : memref<1x!tpu.dma_semaphore, #tpu.memory_space<semaphore_mem>> -> memref<!tpu.dma_semaphore, #tpu.memory_space<semaphore_mem>>
      %dma_start3A_381 = arith.constant 0 : i32
      %dma_start3A_382 = tpu.memref_slice %arg8[%dma_start3A_373, %dma_start3A_381] : memref<2x128xi32, #tpu.memory_space<vmem>> -> memref<1x128xi32, #tpu.memory_space<vmem>>
      %dma_start3A_383 = tpu.memref_squeeze %dma_start3A_382 : memref<1x128xi32, #tpu.memory_space<vmem>> -> memref<128xi32, #tpu.memory_space<vmem>>
      %dma_start3A_384 = tpu.memref_slice %arg4[%add3A_360] : memref<320000xi32, #tpu.memory_space<hbm>> -> memref<128xi32, #tpu.memory_space<hbm>>
      tpu.enqueue_dma source(%dma_start3A_384 : memref<128xi32, #tpu.memory_space<hbm>>) target(%dma_start3A_383 : memref<128xi32, #tpu.memory_space<vmem>>) target_semaphore(%dma_start3A_380 : memref<!tpu.dma_semaphore, #tpu.memory_space<semaphore_mem>>)
    }
    %scan3A_99 = arith.constant 38 : i32
    %add3A_100 = arith.constant 9856 : i32
    %add3A_101 = arith.addi %mul3A_4, %add3A_100 : i32
    %dma_wait3A_102 = arith.constant 1 : i32
    %dma_wait3A_103 = arith.constant 3 : i32
    %dma_wait3A_104 = arith.constant 0 : i32
    %dma_wait3A_105 = tpu.memref_slice %arg7[%dma_wait3A_102, %dma_wait3A_104] : memref<2x128xi32, #tpu.memory_space<vmem>> -> memref<1x128xi32, #tpu.memory_space<vmem>>
    %dma_wait3A_106 = tpu.memref_squeeze %dma_wait3A_105 : memref<1x128xi32, #tpu.memory_space<vmem>> -> memref<128xi32, #tpu.memory_space<vmem>>
    %dma_wait3A_107 = tpu.memref_slice %arg3[%add3A_101] : memref<320000xi32, #tpu.memory_space<hbm>> -> memref<128xi32, #tpu.memory_space<hbm>>
    %dma_wait3A_108 = tpu.memref_slice %arg14[%dma_wait3A_103] : memref<6x!tpu.dma_semaphore, #tpu.memory_space<semaphore_mem>> -> memref<1x!tpu.dma_semaphore, #tpu.memory_space<semaphore_mem>>
    %dma_wait3A_109 = tpu.memref_squeeze %dma_wait3A_108 : memref<1x!tpu.dma_semaphore, #tpu.memory_space<semaphore_mem>> -> memref<!tpu.dma_semaphore, #tpu.memory_space<semaphore_mem>>
    %dma_wait3A_110 = arith.constant 0 : i32
    %dma_wait3A_111 = tpu.memref_slice %arg7[%dma_wait3A_102, %dma_wait3A_110] : memref<2x128xi32, #tpu.memory_space<vmem>> -> memref<1x128xi32, #tpu.memory_space<vmem>>
    %dma_wait3A_112 = tpu.memref_squeeze %dma_wait3A_111 : memref<1x128xi32, #tpu.memory_space<vmem>> -> memref<128xi32, #tpu.memory_space<vmem>>
    %dma_wait3A_113 = tpu.memref_slice %arg3[%add3A_101] : memref<320000xi32, #tpu.memory_space<hbm>> -> memref<128xi32, #tpu.memory_space<hbm>>
    tpu.wait_dma2 semaphore(%dma_wait3A_109 : memref<!tpu.dma_semaphore, #tpu.memory_space<semaphore_mem>>) src(%dma_wait3A_113 : memref<128xi32, #tpu.memory_space<hbm>>) dst(%dma_wait3A_112 : memref<128xi32, #tpu.memory_space<vmem>>)
    %dma_wait3A_114 = arith.constant 1 : i32
    %dma_wait3A_115 = arith.constant 5 : i32
    %dma_wait3A_116 = arith.constant 0 : i32
    %dma_wait3A_117 = tpu.memref_slice %arg8[%dma_wait3A_114, %dma_wait3A_116] : memref<2x128xi32, #tpu.memory_space<vmem>> -> memref<1x128xi32, #tpu.memory_space<vmem>>
    %dma_wait3A_118 = tpu.memref_squeeze %dma_wait3A_117 : memref<1x128xi32, #tpu.memory_space<vmem>> -> memref<128xi32, #tpu.memory_space<vmem>>
    %dma_wait3A_119 = tpu.memref_slice %arg4[%add3A_101] : memref<320000xi32, #tpu.memory_space<hbm>> -> memref<128xi32, #tpu.memory_space<hbm>>
    %dma_wait3A_120 = tpu.memref_slice %arg14[%dma_wait3A_115] : memref<6x!tpu.dma_semaphore, #tpu.memory_space<semaphore_mem>> -> memref<1x!tpu.dma_semaphore, #tpu.memory_space<semaphore_mem>>
    %dma_wait3A_121 = tpu.memref_squeeze %dma_wait3A_120 : memref<1x!tpu.dma_semaphore, #tpu.memory_space<semaphore_mem>> -> memref<!tpu.dma_semaphore, #tpu.memory_space<semaphore_mem>>
    %dma_wait3A_122 = arith.constant 0 : i32
    %dma_wait3A_123 = tpu.memref_slice %arg8[%dma_wait3A_114, %dma_wait3A_122] : memref<2x128xi32, #tpu.memory_space<vmem>> -> memref<1x128xi32, #tpu.memory_space<vmem>>
    %dma_wait3A_124 = tpu.memref_squeeze %dma_wait3A_123 : memref<1x128xi32, #tpu.memory_space<vmem>> -> memref<128xi32, #tpu.memory_space<vmem>>
    %dma_wait3A_125 = tpu.memref_slice %arg4[%add3A_101] : memref<320000xi32, #tpu.memory_space<hbm>> -> memref<128xi32, #tpu.memory_space<hbm>>
    tpu.wait_dma2 semaphore(%dma_wait3A_121 : memref<!tpu.dma_semaphore, #tpu.memory_space<semaphore_mem>>) src(%dma_wait3A_125 : memref<128xi32, #tpu.memory_space<hbm>>) dst(%dma_wait3A_124 : memref<128xi32, #tpu.memory_space<vmem>>)
    %dma_start3A_126 = arith.constant 1 : i32
    %dma_start3A_127 = arith.constant 1 : i32
    %dma_start3A_128 = arith.constant 1 : i32
    %dma_start3A_129 = arith.constant 0 : i32
    %dma_start3A_130 = arith.constant 0 : i32
    %dma_start3A_131 = tpu.memref_slice %arg9[%dma_start3A_127, %dma_start3A_129, %dma_start3A_130] : memref<2x128x128xf32, #tpu.memory_space<vmem>> -> memref<1x128x128xf32, #tpu.memory_space<vmem>>
    %dma_start3A_132 = tpu.memref_squeeze %dma_start3A_131 : memref<1x128x128xf32, #tpu.memory_space<vmem>> -> memref<128x128xf32, #tpu.memory_space<vmem>>
    %dma_start3A_133 = arith.constant 0 : i32
    %dma_start3A_134 = tpu.memref_slice %arg7[%dma_start3A_126, %dma_start3A_133] : memref<2x128xi32, #tpu.memory_space<vmem>> -> memref<1x128xi32, #tpu.memory_space<vmem>>
    %dma_start3A_135 = tpu.memref_squeeze %dma_start3A_134 : memref<1x128xi32, #tpu.memory_space<vmem>> -> memref<128xi32, #tpu.memory_space<vmem>>
    %dma_start3A_136 = arith.constant 0 : i32
    %dma_start3A_137 = arith.constant 0 : i32
    %dma_start3A_138 = tpu.memref_slice %arg2[%dma_start3A_136, %dma_start3A_137] : memref<10000x128xf32, #tpu.memory_space<hbm>> -> memref<10000x128xf32, #tpu.memory_space<hbm>>
    %dma_start3A_139 = tpu.memref_slice %arg14[%dma_start3A_128] : memref<6x!tpu.dma_semaphore, #tpu.memory_space<semaphore_mem>> -> memref<1x!tpu.dma_semaphore, #tpu.memory_space<semaphore_mem>>
    %dma_start3A_140 = tpu.memref_squeeze %dma_start3A_139 : memref<1x!tpu.dma_semaphore, #tpu.memory_space<semaphore_mem>> -> memref<!tpu.dma_semaphore, #tpu.memory_space<semaphore_mem>>
    tpu.enqueue_indirect_dma source(%dma_start3A_138 : memref<10000x128xf32, #tpu.memory_space<hbm>>) target(%dma_start3A_132 : memref<128x128xf32, #tpu.memory_space<vmem>>) offsets(%dma_start3A_135 : memref<128xi32, #tpu.memory_space<vmem>>) semaphore(%dma_start3A_140 : memref<!tpu.dma_semaphore, #tpu.memory_space<semaphore_mem>>)
    %dma_wait3A_141 = arith.constant 0 : i32
    %dma_wait3A_142 = arith.constant 0 : i32
    %dma_wait3A_143 = arith.constant 0 : i32
    %dma_wait3A_144 = arith.constant 0 : i32
    %dma_wait3A_145 = arith.constant 0 : i32
    %dma_wait3A_146 = tpu.memref_slice %arg9[%dma_wait3A_142, %dma_wait3A_144, %dma_wait3A_145] : memref<2x128x128xf32, #tpu.memory_space<vmem>> -> memref<1x128x128xf32, #tpu.memory_space<vmem>>
    %dma_wait3A_147 = tpu.memref_squeeze %dma_wait3A_146 : memref<1x128x128xf32, #tpu.memory_space<vmem>> -> memref<128x128xf32, #tpu.memory_space<vmem>>
    %dma_wait3A_148 = arith.constant 0 : i32
    %dma_wait3A_149 = tpu.memref_slice %arg7[%dma_wait3A_141, %dma_wait3A_148] : memref<2x128xi32, #tpu.memory_space<vmem>> -> memref<1x128xi32, #tpu.memory_space<vmem>>
    %dma_wait3A_150 = tpu.memref_squeeze %dma_wait3A_149 : memref<1x128xi32, #tpu.memory_space<vmem>> -> memref<128xi32, #tpu.memory_space<vmem>>
    %dma_wait3A_151 = arith.constant 0 : i32
    %dma_wait3A_152 = arith.constant 0 : i32
    %dma_wait3A_153 = tpu.memref_slice %arg2[%dma_wait3A_151, %dma_wait3A_152] : memref<10000x128xf32, #tpu.memory_space<hbm>> -> memref<10000x128xf32, #tpu.memory_space<hbm>>
    %dma_wait3A_154 = tpu.memref_slice %arg14[%dma_wait3A_143] : memref<6x!tpu.dma_semaphore, #tpu.memory_space<semaphore_mem>> -> memref<1x!tpu.dma_semaphore, #tpu.memory_space<semaphore_mem>>
    %dma_wait3A_155 = tpu.memref_squeeze %dma_wait3A_154 : memref<1x!tpu.dma_semaphore, #tpu.memory_space<semaphore_mem>> -> memref<!tpu.dma_semaphore, #tpu.memory_space<semaphore_mem>>
    tpu.wait_indirect_dma semaphore(%dma_wait3A_155 : memref<!tpu.dma_semaphore, #tpu.memory_space<semaphore_mem>>) src(%dma_wait3A_153 : memref<10000x128xf32, #tpu.memory_space<hbm>>) dst(%dma_wait3A_147 : memref<128x128xf32, #tpu.memory_space<vmem>>)
    %run_scoped3A = arith.constant 0 : i32
    %run_scoped3A_156 = arith.constant 0 : i32
    "tpu.region"() ({
      %run_scoped3A_192 = tpu.sem_alloc : memref<!tpu.dma_semaphore, #tpu.memory_space<semaphore_mem>>
      %dma_start3A_193 = arith.constant 0 : i32
      %dma_start3A_194 = arith.constant 0 : i32
      %dma_start3A_195 = tpu.memref_slice %arg9[%run_scoped3A, %dma_start3A_193, %dma_start3A_194] : memref<2x128x128xf32, #tpu.memory_space<vmem>> -> memref<1x128x128xf32, #tpu.memory_space<vmem>>
      %dma_start3A_196 = tpu.memref_squeeze %dma_start3A_195 : memref<1x128x128xf32, #tpu.memory_space<vmem>> -> memref<128x128xf32, #tpu.memory_space<vmem>>
      %dma_start3A_197 = arith.constant 0 : i32
      %dma_start3A_198 = tpu.memref_slice %arg8[%run_scoped3A_156, %dma_start3A_197] : memref<2x128xi32, #tpu.memory_space<vmem>> -> memref<1x128xi32, #tpu.memory_space<vmem>>
      %dma_start3A_199 = tpu.memref_squeeze %dma_start3A_198 : memref<1x128xi32, #tpu.memory_space<vmem>> -> memref<128xi32, #tpu.memory_space<vmem>>
      %dma_start3A_200 = arith.constant 0 : i32
      %dma_start3A_201 = arith.constant 0 : i32
      %dma_start3A_202 = tpu.memref_slice %arg13[%dma_start3A_200, %dma_start3A_201] : memref<10000x128xf32, #tpu.memory_space<vmem_shared>> -> memref<10000x128xf32, #tpu.memory_space<vmem_shared>>
      tpu.enqueue_indirect_dma source(%dma_start3A_196 : memref<128x128xf32, #tpu.memory_space<vmem>>) target(%dma_start3A_202 : memref<10000x128xf32, #tpu.memory_space<vmem_shared>>) offsets(%dma_start3A_199 : memref<128xi32, #tpu.memory_space<vmem>>) semaphore(%run_scoped3A_192 : memref<!tpu.dma_semaphore, #tpu.memory_space<semaphore_mem>>) {add = true}
      %dma_wait3A_203 = arith.constant 0 : i32
      %dma_wait3A_204 = arith.constant 0 : i32
      %dma_wait3A_205 = tpu.memref_slice %arg9[%run_scoped3A, %dma_wait3A_203, %dma_wait3A_204] : memref<2x128x128xf32, #tpu.memory_space<vmem>> -> memref<1x128x128xf32, #tpu.memory_space<vmem>>
      %dma_wait3A_206 = tpu.memref_squeeze %dma_wait3A_205 : memref<1x128x128xf32, #tpu.memory_space<vmem>> -> memref<128x128xf32, #tpu.memory_space<vmem>>
      %dma_wait3A_207 = arith.constant 0 : i32
      %dma_wait3A_208 = tpu.memref_slice %arg8[%run_scoped3A_156, %dma_wait3A_207] : memref<2x128xi32, #tpu.memory_space<vmem>> -> memref<1x128xi32, #tpu.memory_space<vmem>>
      %dma_wait3A_209 = tpu.memref_squeeze %dma_wait3A_208 : memref<1x128xi32, #tpu.memory_space<vmem>> -> memref<128xi32, #tpu.memory_space<vmem>>
      %dma_wait3A_210 = arith.constant 0 : i32
      %dma_wait3A_211 = arith.constant 0 : i32
      %dma_wait3A_212 = tpu.memref_slice %arg13[%dma_wait3A_210, %dma_wait3A_211] : memref<10000x128xf32, #tpu.memory_space<vmem_shared>> -> memref<10000x128xf32, #tpu.memory_space<vmem_shared>>
      tpu.wait_indirect_dma semaphore(%run_scoped3A_192 : memref<!tpu.dma_semaphore, #tpu.memory_space<semaphore_mem>>) src(%dma_wait3A_206 : memref<128x128xf32, #tpu.memory_space<vmem>>) dst(%dma_wait3A_212 : memref<10000x128xf32, #tpu.memory_space<vmem_shared>>)
      tpu.yield
    }) : () -> ()
    %dma_wait3A_157 = arith.constant 1 : i32
    %dma_wait3A_158 = arith.constant 1 : i32
    %dma_wait3A_159 = arith.constant 1 : i32
    %dma_wait3A_160 = arith.constant 0 : i32
    %dma_wait3A_161 = arith.constant 0 : i32
    %dma_wait3A_162 = tpu.memref_slice %arg9[%dma_wait3A_158, %dma_wait3A_160, %dma_wait3A_161] : memref<2x128x128xf32, #tpu.memory_space<vmem>> -> memref<1x128x128xf32, #tpu.memory_space<vmem>>
    %dma_wait3A_163 = tpu.memref_squeeze %dma_wait3A_162 : memref<1x128x128xf32, #tpu.memory_space<vmem>> -> memref<128x128xf32, #tpu.memory_space<vmem>>
    %dma_wait3A_164 = arith.constant 0 : i32
    %dma_wait3A_165 = tpu.memref_slice %arg7[%dma_wait3A_157, %dma_wait3A_164] : memref<2x128xi32, #tpu.memory_space<vmem>> -> memref<1x128xi32, #tpu.memory_space<vmem>>
    %dma_wait3A_166 = tpu.memref_squeeze %dma_wait3A_165 : memref<1x128xi32, #tpu.memory_space<vmem>> -> memref<128xi32, #tpu.memory_space<vmem>>
    %dma_wait3A_167 = arith.constant 0 : i32
    %dma_wait3A_168 = arith.constant 0 : i32
    %dma_wait3A_169 = tpu.memref_slice %arg2[%dma_wait3A_167, %dma_wait3A_168] : memref<10000x128xf32, #tpu.memory_space<hbm>> -> memref<10000x128xf32, #tpu.memory_space<hbm>>
    %dma_wait3A_170 = tpu.memref_slice %arg14[%dma_wait3A_159] : memref<6x!tpu.dma_semaphore, #tpu.memory_space<semaphore_mem>> -> memref<1x!tpu.dma_semaphore, #tpu.memory_space<semaphore_mem>>
    %dma_wait3A_171 = tpu.memref_squeeze %dma_wait3A_170 : memref<1x!tpu.dma_semaphore, #tpu.memory_space<semaphore_mem>> -> memref<!tpu.dma_semaphore, #tpu.memory_space<semaphore_mem>>
    tpu.wait_indirect_dma semaphore(%dma_wait3A_171 : memref<!tpu.dma_semaphore, #tpu.memory_space<semaphore_mem>>) src(%dma_wait3A_169 : memref<10000x128xf32, #tpu.memory_space<hbm>>) dst(%dma_wait3A_163 : memref<128x128xf32, #tpu.memory_space<vmem>>)
    %run_scoped3A_172 = arith.constant 1 : i32
    %run_scoped3A_173 = arith.constant 1 : i32
    "tpu.region"() ({
      %run_scoped3A_192 = tpu.sem_alloc : memref<!tpu.dma_semaphore, #tpu.memory_space<semaphore_mem>>
      %dma_start3A_193 = arith.constant 0 : i32
      %dma_start3A_194 = arith.constant 0 : i32
      %dma_start3A_195 = tpu.memref_slice %arg9[%run_scoped3A_172, %dma_start3A_193, %dma_start3A_194] : memref<2x128x128xf32, #tpu.memory_space<vmem>> -> memref<1x128x128xf32, #tpu.memory_space<vmem>>
      %dma_start3A_196 = tpu.memref_squeeze %dma_start3A_195 : memref<1x128x128xf32, #tpu.memory_space<vmem>> -> memref<128x128xf32, #tpu.memory_space<vmem>>
      %dma_start3A_197 = arith.constant 0 : i32
      %dma_start3A_198 = tpu.memref_slice %arg8[%run_scoped3A_173, %dma_start3A_197] : memref<2x128xi32, #tpu.memory_space<vmem>> -> memref<1x128xi32, #tpu.memory_space<vmem>>
      %dma_start3A_199 = tpu.memref_squeeze %dma_start3A_198 : memref<1x128xi32, #tpu.memory_space<vmem>> -> memref<128xi32, #tpu.memory_space<vmem>>
      %dma_start3A_200 = arith.constant 0 : i32
      %dma_start3A_201 = arith.constant 0 : i32
      %dma_start3A_202 = tpu.memref_slice %arg13[%dma_start3A_200, %dma_start3A_201] : memref<10000x128xf32, #tpu.memory_space<vmem_shared>> -> memref<10000x128xf32, #tpu.memory_space<vmem_shared>>
      tpu.enqueue_indirect_dma source(%dma_start3A_196 : memref<128x128xf32, #tpu.memory_space<vmem>>) target(%dma_start3A_202 : memref<10000x128xf32, #tpu.memory_space<vmem_shared>>) offsets(%dma_start3A_199 : memref<128xi32, #tpu.memory_space<vmem>>) semaphore(%run_scoped3A_192 : memref<!tpu.dma_semaphore, #tpu.memory_space<semaphore_mem>>) {add = true}
      %dma_wait3A_203 = arith.constant 0 : i32
      %dma_wait3A_204 = arith.constant 0 : i32
      %dma_wait3A_205 = tpu.memref_slice %arg9[%run_scoped3A_172, %dma_wait3A_203, %dma_wait3A_204] : memref<2x128x128xf32, #tpu.memory_space<vmem>> -> memref<1x128x128xf32, #tpu.memory_space<vmem>>
      %dma_wait3A_206 = tpu.memref_squeeze %dma_wait3A_205 : memref<1x128x128xf32, #tpu.memory_space<vmem>> -> memref<128x128xf32, #tpu.memory_space<vmem>>
      %dma_wait3A_207 = arith.constant 0 : i32
      %dma_wait3A_208 = tpu.memref_slice %arg8[%run_scoped3A_173, %dma_wait3A_207] : memref<2x128xi32, #tpu.memory_space<vmem>> -> memref<1x128xi32, #tpu.memory_space<vmem>>
      %dma_wait3A_209 = tpu.memref_squeeze %dma_wait3A_208 : memref<1x128xi32, #tpu.memory_space<vmem>> -> memref<128xi32, #tpu.memory_space<vmem>>
      %dma_wait3A_210 = arith.constant 0 : i32
      %dma_wait3A_211 = arith.constant 0 : i32
      %dma_wait3A_212 = tpu.memref_slice %arg13[%dma_wait3A_210, %dma_wait3A_211] : memref<10000x128xf32, #tpu.memory_space<vmem_shared>> -> memref<10000x128xf32, #tpu.memory_space<vmem_shared>>
      tpu.wait_indirect_dma semaphore(%run_scoped3A_192 : memref<!tpu.dma_semaphore, #tpu.memory_space<semaphore_mem>>) src(%dma_wait3A_206 : memref<128x128xf32, #tpu.memory_space<vmem>>) dst(%dma_wait3A_212 : memref<10000x128xf32, #tpu.memory_space<vmem_shared>>)
      tpu.yield
    }) : () -> ()
    %add3A_174 = arith.constant 9984 : i32
    %add3A_175 = arith.addi %mul3A_4, %add3A_174 : i32
    "tpu.region"() ({
      %run_scoped3A_192 = tpu.sem_alloc : memref<!tpu.dma_semaphore, #tpu.memory_space<semaphore_mem>>
      %dma_start3A_193 = tpu.memref_slice %arg3[%add3A_175] : memref<320000xi32, #tpu.memory_space<hbm>> -> memref<16xi32, #tpu.memory_space<hbm>>
      %dma_start3A_194 = tpu.memref_slice %arg3[%add3A_175] : memref<320000xi32, #tpu.memory_space<hbm>> -> memref<16xi32, #tpu.memory_space<hbm>>
      tpu.enqueue_dma source(%dma_start3A_194 : memref<16xi32, #tpu.memory_space<hbm>>) target(%arg10 : memref<16xi32, #tpu.memory_space<vmem>>) target_semaphore(%run_scoped3A_192 : memref<!tpu.dma_semaphore, #tpu.memory_space<semaphore_mem>>)
      %dma_wait3A_195 = tpu.memref_slice %arg3[%add3A_175] : memref<320000xi32, #tpu.memory_space<hbm>> -> memref<16xi32, #tpu.memory_space<hbm>>
      %dma_wait3A_196 = tpu.memref_slice %arg3[%add3A_175] : memref<320000xi32, #tpu.memory_space<hbm>> -> memref<16xi32, #tpu.memory_space<hbm>>
      tpu.wait_dma2 semaphore(%run_scoped3A_192 : memref<!tpu.dma_semaphore, #tpu.memory_space<semaphore_mem>>) src(%dma_wait3A_196 : memref<16xi32, #tpu.memory_space<hbm>>) dst(%arg10 : memref<16xi32, #tpu.memory_space<vmem>>)
      tpu.yield
    }) : () -> ()
    "tpu.region"() ({
      %run_scoped3A_192 = tpu.sem_alloc : memref<!tpu.dma_semaphore, #tpu.memory_space<semaphore_mem>>
      %dma_start3A_193 = tpu.memref_slice %arg4[%add3A_175] : memref<320000xi32, #tpu.memory_space<hbm>> -> memref<16xi32, #tpu.memory_space<hbm>>
      %dma_start3A_194 = tpu.memref_slice %arg4[%add3A_175] : memref<320000xi32, #tpu.memory_space<hbm>> -> memref<16xi32, #tpu.memory_space<hbm>>
      tpu.enqueue_dma source(%dma_start3A_194 : memref<16xi32, #tpu.memory_space<hbm>>) target(%arg11 : memref<16xi32, #tpu.memory_space<vmem>>) target_semaphore(%run_scoped3A_192 : memref<!tpu.dma_semaphore, #tpu.memory_space<semaphore_mem>>)
      %dma_wait3A_195 = tpu.memref_slice %arg4[%add3A_175] : memref<320000xi32, #tpu.memory_space<hbm>> -> memref<16xi32, #tpu.memory_space<hbm>>
      %dma_wait3A_196 = tpu.memref_slice %arg4[%add3A_175] : memref<320000xi32, #tpu.memory_space<hbm>> -> memref<16xi32, #tpu.memory_space<hbm>>
      tpu.wait_dma2 semaphore(%run_scoped3A_192 : memref<!tpu.dma_semaphore, #tpu.memory_space<semaphore_mem>>) src(%dma_wait3A_196 : memref<16xi32, #tpu.memory_space<hbm>>) dst(%arg11 : memref<16xi32, #tpu.memory_space<vmem>>)
      tpu.yield
    }) : () -> ()
    %dma_start3A_176 = arith.constant 0 : i32
    %dma_start3A_177 = arith.constant 0 : i32
    %dma_start3A_178 = arith.constant 0 : i32
    %dma_start3A_179 = tpu.memref_slice %arg2[%dma_start3A_177, %dma_start3A_178] : memref<10000x128xf32, #tpu.memory_space<hbm>> -> memref<10000x128xf32, #tpu.memory_space<hbm>>
    %dma_start3A_180 = tpu.memref_slice %arg14[%dma_start3A_176] : memref<6x!tpu.dma_semaphore, #tpu.memory_space<semaphore_mem>> -> memref<1x!tpu.dma_semaphore, #tpu.memory_space<semaphore_mem>>
    %dma_start3A_181 = tpu.memref_squeeze %dma_start3A_180 : memref<1x!tpu.dma_semaphore, #tpu.memory_space<semaphore_mem>> -> memref<!tpu.dma_semaphore, #tpu.memory_space<semaphore_mem>>
    tpu.enqueue_indirect_dma source(%dma_start3A_179 : memref<10000x128xf32, #tpu.memory_space<hbm>>) target(%arg12 : memref<16x128xf32, #tpu.memory_space<vmem>>) offsets(%arg10 : memref<16xi32, #tpu.memory_space<vmem>>) semaphore(%dma_start3A_181 : memref<!tpu.dma_semaphore, #tpu.memory_space<semaphore_mem>>)
    %dma_wait3A_182 = arith.constant 0 : i32
    %dma_wait3A_183 = arith.constant 0 : i32
    %dma_wait3A_184 = arith.constant 0 : i32
    %dma_wait3A_185 = tpu.memref_slice %arg2[%dma_wait3A_183, %dma_wait3A_184] : memref<10000x128xf32, #tpu.memory_space<hbm>> -> memref<10000x128xf32, #tpu.memory_space<hbm>>
    %dma_wait3A_186 = tpu.memref_slice %arg14[%dma_wait3A_182] : memref<6x!tpu.dma_semaphore, #tpu.memory_space<semaphore_mem>> -> memref<1x!tpu.dma_semaphore, #tpu.memory_space<semaphore_mem>>
    %dma_wait3A_187 = tpu.memref_squeeze %dma_wait3A_186 : memref<1x!tpu.dma_semaphore, #tpu.memory_space<semaphore_mem>> -> memref<!tpu.dma_semaphore, #tpu.memory_space<semaphore_mem>>
    tpu.wait_indirect_dma semaphore(%dma_wait3A_187 : memref<!tpu.dma_semaphore, #tpu.memory_space<semaphore_mem>>) src(%dma_wait3A_185 : memref<10000x128xf32, #tpu.memory_space<hbm>>) dst(%arg12 : memref<16x128xf32, #tpu.memory_space<vmem>>)
    "tpu.region"() ({
      %run_scoped3A_192 = tpu.sem_alloc : memref<!tpu.dma_semaphore, #tpu.memory_space<semaphore_mem>>
      %dma_start3A_193 = arith.constant 0 : i32
      %dma_start3A_194 = arith.constant 0 : i32
      %dma_start3A_195 = tpu.memref_slice %arg13[%dma_start3A_193, %dma_start3A_194] : memref<10000x128xf32, #tpu.memory_space<vmem_shared>> -> memref<10000x128xf32, #tpu.memory_space<vmem_shared>>
      tpu.enqueue_indirect_dma source(%arg12 : memref<16x128xf32, #tpu.memory_space<vmem>>) target(%dma_start3A_195 : memref<10000x128xf32, #tpu.memory_space<vmem_shared>>) offsets(%arg11 : memref<16xi32, #tpu.memory_space<vmem>>) semaphore(%run_scoped3A_192 : memref<!tpu.dma_semaphore, #tpu.memory_space<semaphore_mem>>) {add = true}
      %dma_wait3A_196 = arith.constant 0 : i32
      %dma_wait3A_197 = arith.constant 0 : i32
      %dma_wait3A_198 = tpu.memref_slice %arg13[%dma_wait3A_196, %dma_wait3A_197] : memref<10000x128xf32, #tpu.memory_space<vmem_shared>> -> memref<10000x128xf32, #tpu.memory_space<vmem_shared>>
      tpu.wait_indirect_dma semaphore(%run_scoped3A_192 : memref<!tpu.dma_semaphore, #tpu.memory_space<semaphore_mem>>) src(%arg12 : memref<16x128xf32, #tpu.memory_space<vmem>>) dst(%dma_wait3A_198 : memref<10000x128xf32, #tpu.memory_space<vmem_shared>>)
      tpu.yield
    }) : () -> ()
    %barrier3A_188 = arith.constant 0 : index
    tpu.barrier barrier_id(%barrier3A_188)
    %mul3A_189 = arith.constant 10000 : i32
    %mul3A_190 = arith.muli %arg0, %mul3A_189 : i32
    %add3A_191 = arith.addi %mul3A_190, %mul3A_2 : i32
    "tpu.region"() ({
      %run_scoped3A_192 = tpu.sem_alloc : memref<!tpu.dma_semaphore, #tpu.memory_space<semaphore_mem>>
      %dma_start3A_193 = arith.constant 0 : i32
      %dma_start3A_194 = tpu.memref_slice %arg6[%add3A_191, %dma_start3A_193] : memref<20000x128xf32, #tpu.memory_space<hbm>> -> memref<640x128xf32, #tpu.memory_space<hbm>>
      %dma_start3A_195 = arith.constant 0 : i32
      %dma_start3A_196 = tpu.memref_slice %arg13[%mul3A_2, %dma_start3A_195] : memref<10000x128xf32, #tpu.memory_space<vmem_shared>> -> memref<640x128xf32, #tpu.memory_space<vmem_shared>>
      tpu.enqueue_dma source(%dma_start3A_196 : memref<640x128xf32, #tpu.memory_space<vmem_shared>>) target(%dma_start3A_194 : memref<640x128xf32, #tpu.memory_space<hbm>>) target_semaphore(%run_scoped3A_192 : memref<!tpu.dma_semaphore, #tpu.memory_space<semaphore_mem>>)
      %dma_wait3A_197 = arith.constant 0 : i32
      %dma_wait3A_198 = tpu.memref_slice %arg6[%add3A_191, %dma_wait3A_197] : memref<20000x128xf32, #tpu.memory_space<hbm>> -> memref<640x128xf32, #tpu.memory_space<hbm>>
      %dma_wait3A_199 = arith.constant 0 : i32
      %dma_wait3A_200 = tpu.memref_slice %arg13[%mul3A_2, %dma_wait3A_199] : memref<10000x128xf32, #tpu.memory_space<vmem_shared>> -> memref<640x128xf32, #tpu.memory_space<vmem_shared>>
      tpu.wait_dma2 semaphore(%run_scoped3A_192 : memref<!tpu.dma_semaphore, #tpu.memory_space<semaphore_mem>>) src(%dma_wait3A_200 : memref<640x128xf32, #tpu.memory_space<vmem_shared>>) dst(%dma_wait3A_198 : memref<640x128xf32, #tpu.memory_space<hbm>>)
      tpu.yield
    }) : () -> ()
    return
  }
}

#map = affine_map<(d0, d1) -> (0, 0)>
#map1 = affine_map<(d0, d1) -> (0)>
module attributes {stable_mosaic.version = 14 : i64} {
  func.func @_seg_sum(%arg0: i32, %arg1: i32, %arg2: memref<10000x128xf32, #tpu.memory_space<hbm>>, %arg3: memref<320000xi32, #tpu.memory_space<hbm>>, %arg4: memref<320000xi32, #tpu.memory_space<hbm>>, %arg5: memref<640x128xf32, #tpu.memory_space<hbm>>, %arg6: memref<20000x128xf32, #tpu.memory_space<hbm>>, %arg7: memref<2x128xi32, #tpu.memory_space<vmem>>, %arg8: memref<2x128xi32, #tpu.memory_space<vmem>>, %arg9: memref<2x128x128xf32, #tpu.memory_space<vmem>>, %arg10: memref<16xi32, #tpu.memory_space<vmem>>, %arg11: memref<16xi32, #tpu.memory_space<vmem>>, %arg12: memref<16x128xf32, #tpu.memory_space<vmem>>, %arg13: memref<10000x128xf32, #tpu.memory_space<vmem_shared>>, %arg14: memref<6x!tpu.dma_semaphore, #tpu.memory_space<semaphore_mem>>) attributes {dimension_semantics = [#tpu.dimension_semantics<core_parallel>, #tpu.dimension_semantics<subcore_parallel>], iteration_bounds = array<i64: 2, 16>, scalar_prefetch = 0 : i64, scratch_operands = 8 : i64, tpu.core_type = #tpu.core_type<sc_vector_subcore>, window_params = [{transform_indices = #map}, {transform_indices = #map1}, {transform_indices = #map1}, {transform_indices = #map}, {transform_indices = #map}]} {
    %mul3A = arith.constant 2 : i32
    %mul3A_0 = arith.muli %arg1, %mul3A : i32
    %add3A = arith.addi %mul3A_0, %arg0 : i32
    %mul3A_1 = arith.constant 624 : i32
    %mul3A_2 = arith.muli %arg1, %mul3A_1 : i32
    "tpu.region"() ({
      %run_scoped3A_192 = tpu.sem_alloc : memref<!tpu.dma_semaphore, #tpu.memory_space<semaphore_mem>>
      %dma_start3A_193 = arith.constant 0 : i32
      %dma_start3A_194 = tpu.memref_slice %arg13[%mul3A_2, %dma_start3A_193] : memref<10000x128xf32, #tpu.memory_space<vmem_shared>> -> memref<640x128xf32, #tpu.memory_space<vmem_shared>>
      tpu.enqueue_dma source(%arg5 : memref<640x128xf32, #tpu.memory_space<hbm>>) target(%dma_start3A_194 : memref<640x128xf32, #tpu.memory_space<vmem_shared>>) target_semaphore(%run_scoped3A_192 : memref<!tpu.dma_semaphore, #tpu.memory_space<semaphore_mem>>)
      %dma_wait3A_195 = arith.constant 0 : i32
      %dma_wait3A_196 = tpu.memref_slice %arg13[%mul3A_2, %dma_wait3A_195] : memref<10000x128xf32, #tpu.memory_space<vmem_shared>> -> memref<640x128xf32, #tpu.memory_space<vmem_shared>>
      tpu.wait_dma2 semaphore(%run_scoped3A_192 : memref<!tpu.dma_semaphore, #tpu.memory_space<semaphore_mem>>) src(%arg5 : memref<640x128xf32, #tpu.memory_space<hbm>>) dst(%dma_wait3A_196 : memref<640x128xf32, #tpu.memory_space<vmem_shared>>)
      tpu.yield
    }) : () -> ()
    %barrier3A = arith.constant 0 : index
    tpu.barrier barrier_id(%barrier3A)
    %mul3A_3 = arith.constant 10000 : i32
    %mul3A_4 = arith.muli %add3A, %mul3A_3 : i32
    %add3A_5 = arith.constant 0 : i32
    %add3A_6 = arith.addi %mul3A_4, %add3A_5 : i32
    %dma_start3A = arith.constant 0 : i32
    %dma_start3A_7 = arith.constant 2 : i32
    %dma_start3A_8 = arith.constant 0 : i32
    %dma_start3A_9 = tpu.memref_slice %arg7[%dma_start3A, %dma_start3A_8] : memref<2x128xi32, #tpu.memory_space<vmem>> -> memref<1x128xi32, #tpu.memory_space<vmem>>
    %dma_start3A_10 = tpu.memref_squeeze %dma_start3A_9 : memref<1x128xi32, #tpu.memory_space<vmem>> -> memref<128xi32, #tpu.memory_space<vmem>>
    %dma_start3A_11 = tpu.memref_slice %arg3[%add3A_6] : memref<320000xi32, #tpu.memory_space<hbm>> -> memref<128xi32, #tpu.memory_space<hbm>>
    %dma_start3A_12 = tpu.memref_slice %arg14[%dma_start3A_7] : memref<6x!tpu.dma_semaphore, #tpu.memory_space<semaphore_mem>> -> memref<1x!tpu.dma_semaphore, #tpu.memory_space<semaphore_mem>>
    %dma_start3A_13 = tpu.memref_squeeze %dma_start3A_12 : memref<1x!tpu.dma_semaphore, #tpu.memory_space<semaphore_mem>> -> memref<!tpu.dma_semaphore, #tpu.memory_space<semaphore_mem>>
    %dma_start3A_14 = arith.constant 0 : i32
    %dma_start3A_15 = tpu.memref_slice %arg7[%dma_start3A, %dma_start3A_14] : memref<2x128xi32, #tpu.memory_space<vmem>> -> memref<1x128xi32, #tpu.memory_space<vmem>>
    %dma_start3A_16 = tpu.memref_squeeze %dma_start3A_15 : memref<1x128xi32, #tpu.memory_space<vmem>> -> memref<128xi32, #tpu.memory_space<vmem>>
    %dma_start3A_17 = tpu.memref_slice %arg3[%add3A_6] : memref<320000xi32, #tpu.memory_space<hbm>> -> memref<128xi32, #tpu.memory_space<hbm>>
    tpu.enqueue_dma source(%dma_start3A_17 : memref<128xi32, #tpu.memory_space<hbm>>) target(%dma_start3A_16 : memref<128xi32, #tpu.memory_space<vmem>>) target_semaphore(%dma_start3A_13 : memref<!tpu.dma_semaphore, #tpu.memory_space<semaphore_mem>>)
    %dma_start3A_18 = arith.constant 0 : i32
    %dma_start3A_19 = arith.constant 4 : i32
    %dma_start3A_20 = arith.constant 0 : i32
    %dma_start3A_21 = tpu.memref_slice %arg8[%dma_start3A_18, %dma_start3A_20] : memref<2x128xi32, #tpu.memory_space<vmem>> -> memref<1x128xi32, #tpu.memory_space<vmem>>
    %dma_start3A_22 = tpu.memref_squeeze %dma_start3A_21 : memref<1x128xi32, #tpu.memory_space<vmem>> -> memref<128xi32, #tpu.memory_space<vmem>>
    %dma_start3A_23 = tpu.memref_slice %arg4[%add3A_6] : memref<320000xi32, #tpu.memory_space<hbm>> -> memref<128xi32, #tpu.memory_space<hbm>>
    %dma_start3A_24 = tpu.memref_slice %arg14[%dma_start3A_19] : memref<6x!tpu.dma_semaphore, #tpu.memory_space<semaphore_mem>> -> memref<1x!tpu.dma_semaphore, #tpu.memory_space<semaphore_mem>>
    %dma_start3A_25 = tpu.memref_squeeze %dma_start3A_24 : memref<1x!tpu.dma_semaphore, #tpu.memory_space<semaphore_mem>> -> memref<!tpu.dma_semaphore, #tpu.memory_space<semaphore_mem>>
    %dma_start3A_26 = arith.constant 0 : i32
    %dma_start3A_27 = tpu.memref_slice %arg8[%dma_start3A_18, %dma_start3A_26] : memref<2x128xi32, #tpu.memory_space<vmem>> -> memref<1x128xi32, #tpu.memory_space<vmem>>
    %dma_start3A_28 = tpu.memref_squeeze %dma_start3A_27 : memref<1x128xi32, #tpu.memory_space<vmem>> -> memref<128xi32, #tpu.memory_space<vmem>>
    %dma_start3A_29 = tpu.memref_slice %arg4[%add3A_6] : memref<320000xi32, #tpu.memory_space<hbm>> -> memref<128xi32, #tpu.memory_space<hbm>>
    tpu.enqueue_dma source(%dma_start3A_29 : memref<128xi32, #tpu.memory_space<hbm>>) target(%dma_start3A_28 : memref<128xi32, #tpu.memory_space<vmem>>) target_semaphore(%dma_start3A_25 : memref<!tpu.dma_semaphore, #tpu.memory_space<semaphore_mem>>)
    %add3A_30 = arith.constant 0 : i32
    %add3A_31 = arith.addi %mul3A_4, %add3A_30 : i32
    %dma_wait3A = arith.constant 0 : i32
    %dma_wait3A_32 = arith.constant 2 : i32
    %dma_wait3A_33 = arith.constant 0 : i32
    %dma_wait3A_34 = tpu.memref_slice %arg7[%dma_wait3A, %dma_wait3A_33] : memref<2x128xi32, #tpu.memory_space<vmem>> -> memref<1x128xi32, #tpu.memory_space<vmem>>
    %dma_wait3A_35 = tpu.memref_squeeze %dma_wait3A_34 : memref<1x128xi32, #tpu.memory_space<vmem>> -> memref<128xi32, #tpu.memory_space<vmem>>
    %dma_wait3A_36 = tpu.memref_slice %arg3[%add3A_31] : memref<320000xi32, #tpu.memory_space<hbm>> -> memref<128xi32, #tpu.memory_space<hbm>>
    %dma_wait3A_37 = tpu.memref_slice %arg14[%dma_wait3A_32] : memref<6x!tpu.dma_semaphore, #tpu.memory_space<semaphore_mem>> -> memref<1x!tpu.dma_semaphore, #tpu.memory_space<semaphore_mem>>
    %dma_wait3A_38 = tpu.memref_squeeze %dma_wait3A_37 : memref<1x!tpu.dma_semaphore, #tpu.memory_space<semaphore_mem>> -> memref<!tpu.dma_semaphore, #tpu.memory_space<semaphore_mem>>
    %dma_wait3A_39 = arith.constant 0 : i32
    %dma_wait3A_40 = tpu.memref_slice %arg7[%dma_wait3A, %dma_wait3A_39] : memref<2x128xi32, #tpu.memory_space<vmem>> -> memref<1x128xi32, #tpu.memory_space<vmem>>
    %dma_wait3A_41 = tpu.memref_squeeze %dma_wait3A_40 : memref<1x128xi32, #tpu.memory_space<vmem>> -> memref<128xi32, #tpu.memory_space<vmem>>
    %dma_wait3A_42 = tpu.memref_slice %arg3[%add3A_31] : memref<320000xi32, #tpu.memory_space<hbm>> -> memref<128xi32, #tpu.memory_space<hbm>>
    tpu.wait_dma2 semaphore(%dma_wait3A_38 : memref<!tpu.dma_semaphore, #tpu.memory_space<semaphore_mem>>) src(%dma_wait3A_42 : memref<128xi32, #tpu.memory_space<hbm>>) dst(%dma_wait3A_41 : memref<128xi32, #tpu.memory_space<vmem>>)
    %dma_wait3A_43 = arith.constant 0 : i32
    %dma_wait3A_44 = arith.constant 4 : i32
    %dma_wait3A_45 = arith.constant 0 : i32
    %dma_wait3A_46 = tpu.memref_slice %arg8[%dma_wait3A_43, %dma_wait3A_45] : memref<2x128xi32, #tpu.memory_space<vmem>> -> memref<1x128xi32, #tpu.memory_space<vmem>>
    %dma_wait3A_47 = tpu.memref_squeeze %dma_wait3A_46 : memref<1x128xi32, #tpu.memory_space<vmem>> -> memref<128xi32, #tpu.memory_space<vmem>>
    %dma_wait3A_48 = tpu.memref_slice %arg4[%add3A_31] : memref<320000xi32, #tpu.memory_space<hbm>> -> memref<128xi32, #tpu.memory_space<hbm>>
    %dma_wait3A_49 = tpu.memref_slice %arg14[%dma_wait3A_44] : memref<6x!tpu.dma_semaphore, #tpu.memory_space<semaphore_mem>> -> memref<1x!tpu.dma_semaphore, #tpu.memory_space<semaphore_mem>>
    %dma_wait3A_50 = tpu.memref_squeeze %dma_wait3A_49 : memref<1x!tpu.dma_semaphore, #tpu.memory_space<semaphore_mem>> -> memref<!tpu.dma_semaphore, #tpu.memory_space<semaphore_mem>>
    %dma_wait3A_51 = arith.constant 0 : i32
    %dma_wait3A_52 = tpu.memref_slice %arg8[%dma_wait3A_43, %dma_wait3A_51] : memref<2x128xi32, #tpu.memory_space<vmem>> -> memref<1x128xi32, #tpu.memory_space<vmem>>
    %dma_wait3A_53 = tpu.memref_squeeze %dma_wait3A_52 : memref<1x128xi32, #tpu.memory_space<vmem>> -> memref<128xi32, #tpu.memory_space<vmem>>
    %dma_wait3A_54 = tpu.memref_slice %arg4[%add3A_31] : memref<320000xi32, #tpu.memory_space<hbm>> -> memref<128xi32, #tpu.memory_space<hbm>>
    tpu.wait_dma2 semaphore(%dma_wait3A_50 : memref<!tpu.dma_semaphore, #tpu.memory_space<semaphore_mem>>) src(%dma_wait3A_54 : memref<128xi32, #tpu.memory_space<hbm>>) dst(%dma_wait3A_53 : memref<128xi32, #tpu.memory_space<vmem>>)
    %dma_start3A_55 = arith.constant 0 : i32
    %dma_start3A_56 = arith.constant 0 : i32
    %dma_start3A_57 = arith.constant 0 : i32
    %dma_start3A_58 = arith.constant 0 : i32
    %dma_start3A_59 = arith.constant 0 : i32
    %dma_start3A_60 = tpu.memref_slice %arg9[%dma_start3A_56, %dma_start3A_58, %dma_start3A_59] : memref<2x128x128xf32, #tpu.memory_space<vmem>> -> memref<1x128x128xf32, #tpu.memory_space<vmem>>
    %dma_start3A_61 = tpu.memref_squeeze %dma_start3A_60 : memref<1x128x128xf32, #tpu.memory_space<vmem>> -> memref<128x128xf32, #tpu.memory_space<vmem>>
    %dma_start3A_62 = arith.constant 0 : i32
    %dma_start3A_63 = tpu.memref_slice %arg7[%dma_start3A_55, %dma_start3A_62] : memref<2x128xi32, #tpu.memory_space<vmem>> -> memref<1x128xi32, #tpu.memory_space<vmem>>
    %dma_start3A_64 = tpu.memref_squeeze %dma_start3A_63 : memref<1x128xi32, #tpu.memory_space<vmem>> -> memref<128xi32, #tpu.memory_space<vmem>>
    %dma_start3A_65 = arith.constant 0 : i32
    %dma_start3A_66 = arith.constant 0 : i32
    %dma_start3A_67 = tpu.memref_slice %arg2[%dma_start3A_65, %dma_start3A_66] : memref<10000x128xf32, #tpu.memory_space<hbm>> -> memref<10000x128xf32, #tpu.memory_space<hbm>>
    %dma_start3A_68 = tpu.memref_slice %arg14[%dma_start3A_57] : memref<6x!tpu.dma_semaphore, #tpu.memory_space<semaphore_mem>> -> memref<1x!tpu.dma_semaphore, #tpu.memory_space<semaphore_mem>>
    %dma_start3A_69 = tpu.memref_squeeze %dma_start3A_68 : memref<1x!tpu.dma_semaphore, #tpu.memory_space<semaphore_mem>> -> memref<!tpu.dma_semaphore, #tpu.memory_space<semaphore_mem>>
    tpu.enqueue_indirect_dma source(%dma_start3A_67 : memref<10000x128xf32, #tpu.memory_space<hbm>>) target(%dma_start3A_61 : memref<128x128xf32, #tpu.memory_space<vmem>>) offsets(%dma_start3A_64 : memref<128xi32, #tpu.memory_space<vmem>>) semaphore(%dma_start3A_69 : memref<!tpu.dma_semaphore, #tpu.memory_space<semaphore_mem>>)
    %add3A_70 = arith.constant 128 : i32
    %add3A_71 = arith.addi %mul3A_4, %add3A_70 : i32
    %dma_start3A_72 = arith.constant 1 : i32
    %dma_start3A_73 = arith.constant 3 : i32
    %dma_start3A_74 = arith.constant 0 : i32
    %dma_start3A_75 = tpu.memref_slice %arg7[%dma_start3A_72, %dma_start3A_74] : memref<2x128xi32, #tpu.memory_space<vmem>> -> memref<1x128xi32, #tpu.memory_space<vmem>>
    %dma_start3A_76 = tpu.memref_squeeze %dma_start3A_75 : memref<1x128xi32, #tpu.memory_space<vmem>> -> memref<128xi32, #tpu.memory_space<vmem>>
    %dma_start3A_77 = tpu.memref_slice %arg3[%add3A_71] : memref<320000xi32, #tpu.memory_space<hbm>> -> memref<128xi32, #tpu.memory_space<hbm>>
    %dma_start3A_78 = tpu.memref_slice %arg14[%dma_start3A_73] : memref<6x!tpu.dma_semaphore, #tpu.memory_space<semaphore_mem>> -> memref<1x!tpu.dma_semaphore, #tpu.memory_space<semaphore_mem>>
    %dma_start3A_79 = tpu.memref_squeeze %dma_start3A_78 : memref<1x!tpu.dma_semaphore, #tpu.memory_space<semaphore_mem>> -> memref<!tpu.dma_semaphore, #tpu.memory_space<semaphore_mem>>
    %dma_start3A_80 = arith.constant 0 : i32
    %dma_start3A_81 = tpu.memref_slice %arg7[%dma_start3A_72, %dma_start3A_80] : memref<2x128xi32, #tpu.memory_space<vmem>> -> memref<1x128xi32, #tpu.memory_space<vmem>>
    %dma_start3A_82 = tpu.memref_squeeze %dma_start3A_81 : memref<1x128xi32, #tpu.memory_space<vmem>> -> memref<128xi32, #tpu.memory_space<vmem>>
    %dma_start3A_83 = tpu.memref_slice %arg3[%add3A_71] : memref<320000xi32, #tpu.memory_space<hbm>> -> memref<128xi32, #tpu.memory_space<hbm>>
    tpu.enqueue_dma source(%dma_start3A_83 : memref<128xi32, #tpu.memory_space<hbm>>) target(%dma_start3A_82 : memref<128xi32, #tpu.memory_space<vmem>>) target_semaphore(%dma_start3A_79 : memref<!tpu.dma_semaphore, #tpu.memory_space<semaphore_mem>>)
    %dma_start3A_84 = arith.constant 1 : i32
    %dma_start3A_85 = arith.constant 5 : i32
    %dma_start3A_86 = arith.constant 0 : i32
    %dma_start3A_87 = tpu.memref_slice %arg8[%dma_start3A_84, %dma_start3A_86] : memref<2x128xi32, #tpu.memory_space<vmem>> -> memref<1x128xi32, #tpu.memory_space<vmem>>
    %dma_start3A_88 = tpu.memref_squeeze %dma_start3A_87 : memref<1x128xi32, #tpu.memory_space<vmem>> -> memref<128xi32, #tpu.memory_space<vmem>>
    %dma_start3A_89 = tpu.memref_slice %arg4[%add3A_71] : memref<320000xi32, #tpu.memory_space<hbm>> -> memref<128xi32, #tpu.memory_space<hbm>>
    %dma_start3A_90 = tpu.memref_slice %arg14[%dma_start3A_85] : memref<6x!tpu.dma_semaphore, #tpu.memory_space<semaphore_mem>> -> memref<1x!tpu.dma_semaphore, #tpu.memory_space<semaphore_mem>>
    %dma_start3A_91 = tpu.memref_squeeze %dma_start3A_90 : memref<1x!tpu.dma_semaphore, #tpu.memory_space<semaphore_mem>> -> memref<!tpu.dma_semaphore, #tpu.memory_space<semaphore_mem>>
    %dma_start3A_92 = arith.constant 0 : i32
    %dma_start3A_93 = tpu.memref_slice %arg8[%dma_start3A_84, %dma_start3A_92] : memref<2x128xi32, #tpu.memory_space<vmem>> -> memref<1x128xi32, #tpu.memory_space<vmem>>
    %dma_start3A_94 = tpu.memref_squeeze %dma_start3A_93 : memref<1x128xi32, #tpu.memory_space<vmem>> -> memref<128xi32, #tpu.memory_space<vmem>>
    %dma_start3A_95 = tpu.memref_slice %arg4[%add3A_71] : memref<320000xi32, #tpu.memory_space<hbm>> -> memref<128xi32, #tpu.memory_space<hbm>>
    tpu.enqueue_dma source(%dma_start3A_95 : memref<128xi32, #tpu.memory_space<hbm>>) target(%dma_start3A_94 : memref<128xi32, #tpu.memory_space<vmem>>) target_semaphore(%dma_start3A_91 : memref<!tpu.dma_semaphore, #tpu.memory_space<semaphore_mem>>)
    %scan3A = arith.constant 0 : i32
    %scan3A_96 = arith.constant 38 : i32
    %scan3A_97 = arith.addi %scan3A, %scan3A_96 : i32
    %scan3A_98 = arith.constant 1 : i32
    scf.for %scan3A_192 = %scan3A to %scan3A_97 step %scan3A_98  : i32 {
      %mul3A_193 = arith.constant 1 : i32
      %mul3A_194 = arith.muli %scan3A_192, %mul3A_193 : i32
      %add3A_195 = arith.constant 0 : i32
      %add3A_196 = arith.addi %add3A_195, %mul3A_194 : i32
      %mul3A_197 = arith.constant 2 : i32
      %mul3A_198 = arith.muli %add3A_196, %mul3A_197 : i32
      %add3A_199 = arith.constant 0 : i32
      %add3A_200 = arith.addi %mul3A_198, %add3A_199 : i32
      %add3A_201 = arith.constant 1 : i32
      %add3A_202 = arith.addi %add3A_200, %add3A_201 : i32
      %mul3A_203 = arith.constant 128 : i32
      %mul3A_204 = arith.muli %add3A_202, %mul3A_203 : i32
      %add3A_205 = arith.addi %mul3A_4, %mul3A_204 : i32
      %dma_wait3A_206 = arith.constant 1 : i32
      %dma_wait3A_207 = arith.constant 3 : i32
      %dma_wait3A_208 = arith.constant 0 : i32
      %dma_wait3A_209 = tpu.memref_slice %arg7[%dma_wait3A_206, %dma_wait3A_208] : memref<2x128xi32, #tpu.memory_space<vmem>> -> memref<1x128xi32, #tpu.memory_space<vmem>>
      %dma_wait3A_210 = tpu.memref_squeeze %dma_wait3A_209 : memref<1x128xi32, #tpu.memory_space<vmem>> -> memref<128xi32, #tpu.memory_space<vmem>>
      %dma_wait3A_211 = tpu.memref_slice %arg3[%add3A_205] : memref<320000xi32, #tpu.memory_space<hbm>> -> memref<128xi32, #tpu.memory_space<hbm>>
      %dma_wait3A_212 = tpu.memref_slice %arg14[%dma_wait3A_207] : memref<6x!tpu.dma_semaphore, #tpu.memory_space<semaphore_mem>> -> memref<1x!tpu.dma_semaphore, #tpu.memory_space<semaphore_mem>>
      %dma_wait3A_213 = tpu.memref_squeeze %dma_wait3A_212 : memref<1x!tpu.dma_semaphore, #tpu.memory_space<semaphore_mem>> -> memref<!tpu.dma_semaphore, #tpu.memory_space<semaphore_mem>>
      %dma_wait3A_214 = arith.constant 0 : i32
      %dma_wait3A_215 = tpu.memref_slice %arg7[%dma_wait3A_206, %dma_wait3A_214] : memref<2x128xi32, #tpu.memory_space<vmem>> -> memref<1x128xi32, #tpu.memory_space<vmem>>
      %dma_wait3A_216 = tpu.memref_squeeze %dma_wait3A_215 : memref<1x128xi32, #tpu.memory_space<vmem>> -> memref<128xi32, #tpu.memory_space<vmem>>
      %dma_wait3A_217 = tpu.memref_slice %arg3[%add3A_205] : memref<320000xi32, #tpu.memory_space<hbm>> -> memref<128xi32, #tpu.memory_space<hbm>>
      tpu.wait_dma2 semaphore(%dma_wait3A_213 : memref<!tpu.dma_semaphore, #tpu.memory_space<semaphore_mem>>) src(%dma_wait3A_217 : memref<128xi32, #tpu.memory_space<hbm>>) dst(%dma_wait3A_216 : memref<128xi32, #tpu.memory_space<vmem>>)
      %dma_wait3A_218 = arith.constant 1 : i32
      %dma_wait3A_219 = arith.constant 5 : i32
      %dma_wait3A_220 = arith.constant 0 : i32
      %dma_wait3A_221 = tpu.memref_slice %arg8[%dma_wait3A_218, %dma_wait3A_220] : memref<2x128xi32, #tpu.memory_space<vmem>> -> memref<1x128xi32, #tpu.memory_space<vmem>>
      %dma_wait3A_222 = tpu.memref_squeeze %dma_wait3A_221 : memref<1x128xi32, #tpu.memory_space<vmem>> -> memref<128xi32, #tpu.memory_space<vmem>>
      %dma_wait3A_223 = tpu.memref_slice %arg4[%add3A_205] : memref<320000xi32, #tpu.memory_space<hbm>> -> memref<128xi32, #tpu.memory_space<hbm>>
      %dma_wait3A_224 = tpu.memref_slice %arg14[%dma_wait3A_219] : memref<6x!tpu.dma_semaphore, #tpu.memory_space<semaphore_mem>> -> memref<1x!tpu.dma_semaphore, #tpu.memory_space<semaphore_mem>>
      %dma_wait3A_225 = tpu.memref_squeeze %dma_wait3A_224 : memref<1x!tpu.dma_semaphore, #tpu.memory_space<semaphore_mem>> -> memref<!tpu.dma_semaphore, #tpu.memory_space<semaphore_mem>>
      %dma_wait3A_226 = arith.constant 0 : i32
      %dma_wait3A_227 = tpu.memref_slice %arg8[%dma_wait3A_218, %dma_wait3A_226] : memref<2x128xi32, #tpu.memory_space<vmem>> -> memref<1x128xi32, #tpu.memory_space<vmem>>
      %dma_wait3A_228 = tpu.memref_squeeze %dma_wait3A_227 : memref<1x128xi32, #tpu.memory_space<vmem>> -> memref<128xi32, #tpu.memory_space<vmem>>
      %dma_wait3A_229 = tpu.memref_slice %arg4[%add3A_205] : memref<320000xi32, #tpu.memory_space<hbm>> -> memref<128xi32, #tpu.memory_space<hbm>>
      tpu.wait_dma2 semaphore(%dma_wait3A_225 : memref<!tpu.dma_semaphore, #tpu.memory_space<semaphore_mem>>) src(%dma_wait3A_229 : memref<128xi32, #tpu.memory_space<hbm>>) dst(%dma_wait3A_228 : memref<128xi32, #tpu.memory_space<vmem>>)
      %dma_start3A_230 = arith.constant 1 : i32
      %dma_start3A_231 = arith.constant 1 : i32
      %dma_start3A_232 = arith.constant 1 : i32
      %dma_start3A_233 = arith.constant 0 : i32
      %dma_start3A_234 = arith.constant 0 : i32
      %dma_start3A_235 = tpu.memref_slice %arg9[%dma_start3A_231, %dma_start3A_233, %dma_start3A_234] : memref<2x128x128xf32, #tpu.memory_space<vmem>> -> memref<1x128x128xf32, #tpu.memory_space<vmem>>
      %dma_start3A_236 = tpu.memref_squeeze %dma_start3A_235 : memref<1x128x128xf32, #tpu.memory_space<vmem>> -> memref<128x128xf32, #tpu.memory_space<vmem>>
      %dma_start3A_237 = arith.constant 0 : i32
      %dma_start3A_238 = tpu.memref_slice %arg7[%dma_start3A_230, %dma_start3A_237] : memref<2x128xi32, #tpu.memory_space<vmem>> -> memref<1x128xi32, #tpu.memory_space<vmem>>
      %dma_start3A_239 = tpu.memref_squeeze %dma_start3A_238 : memref<1x128xi32, #tpu.memory_space<vmem>> -> memref<128xi32, #tpu.memory_space<vmem>>
      %dma_start3A_240 = arith.constant 0 : i32
      %dma_start3A_241 = arith.constant 0 : i32
      %dma_start3A_242 = tpu.memref_slice %arg2[%dma_start3A_240, %dma_start3A_241] : memref<10000x128xf32, #tpu.memory_space<hbm>> -> memref<10000x128xf32, #tpu.memory_space<hbm>>
      %dma_start3A_243 = tpu.memref_slice %arg14[%dma_start3A_232] : memref<6x!tpu.dma_semaphore, #tpu.memory_space<semaphore_mem>> -> memref<1x!tpu.dma_semaphore, #tpu.memory_space<semaphore_mem>>
      %dma_start3A_244 = tpu.memref_squeeze %dma_start3A_243 : memref<1x!tpu.dma_semaphore, #tpu.memory_space<semaphore_mem>> -> memref<!tpu.dma_semaphore, #tpu.memory_space<semaphore_mem>>
      tpu.enqueue_indirect_dma source(%dma_start3A_242 : memref<10000x128xf32, #tpu.memory_space<hbm>>) target(%dma_start3A_236 : memref<128x128xf32, #tpu.memory_space<vmem>>) offsets(%dma_start3A_239 : memref<128xi32, #tpu.memory_space<vmem>>) semaphore(%dma_start3A_244 : memref<!tpu.dma_semaphore, #tpu.memory_space<semaphore_mem>>)
      %dma_wait3A_245 = arith.constant 0 : i32
      %dma_wait3A_246 = arith.constant 0 : i32
      %dma_wait3A_247 = arith.constant 0 : i32
      %dma_wait3A_248 = arith.constant 0 : i32
      %dma_wait3A_249 = arith.constant 0 : i32
      %dma_wait3A_250 = tpu.memref_slice %arg9[%dma_wait3A_246, %dma_wait3A_248, %dma_wait3A_249] : memref<2x128x128xf32, #tpu.memory_space<vmem>> -> memref<1x128x128xf32, #tpu.memory_space<vmem>>
      %dma_wait3A_251 = tpu.memref_squeeze %dma_wait3A_250 : memref<1x128x128xf32, #tpu.memory_space<vmem>> -> memref<128x128xf32, #tpu.memory_space<vmem>>
      %dma_wait3A_252 = arith.constant 0 : i32
      %dma_wait3A_253 = tpu.memref_slice %arg7[%dma_wait3A_245, %dma_wait3A_252] : memref<2x128xi32, #tpu.memory_space<vmem>> -> memref<1x128xi32, #tpu.memory_space<vmem>>
      %dma_wait3A_254 = tpu.memref_squeeze %dma_wait3A_253 : memref<1x128xi32, #tpu.memory_space<vmem>> -> memref<128xi32, #tpu.memory_space<vmem>>
      %dma_wait3A_255 = arith.constant 0 : i32
      %dma_wait3A_256 = arith.constant 0 : i32
      %dma_wait3A_257 = tpu.memref_slice %arg2[%dma_wait3A_255, %dma_wait3A_256] : memref<10000x128xf32, #tpu.memory_space<hbm>> -> memref<10000x128xf32, #tpu.memory_space<hbm>>
      %dma_wait3A_258 = tpu.memref_slice %arg14[%dma_wait3A_247] : memref<6x!tpu.dma_semaphore, #tpu.memory_space<semaphore_mem>> -> memref<1x!tpu.dma_semaphore, #tpu.memory_space<semaphore_mem>>
      %dma_wait3A_259 = tpu.memref_squeeze %dma_wait3A_258 : memref<1x!tpu.dma_semaphore, #tpu.memory_space<semaphore_mem>> -> memref<!tpu.dma_semaphore, #tpu.memory_space<semaphore_mem>>
      tpu.wait_indirect_dma semaphore(%dma_wait3A_259 : memref<!tpu.dma_semaphore, #tpu.memory_space<semaphore_mem>>) src(%dma_wait3A_257 : memref<10000x128xf32, #tpu.memory_space<hbm>>) dst(%dma_wait3A_251 : memref<128x128xf32, #tpu.memory_space<vmem>>)
      %run_scoped3A_260 = arith.constant 0 : i32
      %run_scoped3A_261 = arith.constant 0 : i32
      "tpu.region"() ({
        %run_scoped3A_385 = tpu.sem_alloc : memref<!tpu.dma_semaphore, #tpu.memory_space<semaphore_mem>>
        %dma_start3A_386 = arith.constant 0 : i32
        %dma_start3A_387 = arith.constant 0 : i32
        %dma_start3A_388 = tpu.memref_slice %arg9[%run_scoped3A_260, %dma_start3A_386, %dma_start3A_387] : memref<2x128x128xf32, #tpu.memory_space<vmem>> -> memref<1x128x128xf32, #tpu.memory_space<vmem>>
        %dma_start3A_389 = tpu.memref_squeeze %dma_start3A_388 : memref<1x128x128xf32, #tpu.memory_space<vmem>> -> memref<128x128xf32, #tpu.memory_space<vmem>>
        %dma_start3A_390 = arith.constant 0 : i32
        %dma_start3A_391 = tpu.memref_slice %arg8[%run_scoped3A_261, %dma_start3A_390] : memref<2x128xi32, #tpu.memory_space<vmem>> -> memref<1x128xi32, #tpu.memory_space<vmem>>
        %dma_start3A_392 = tpu.memref_squeeze %dma_start3A_391 : memref<1x128xi32, #tpu.memory_space<vmem>> -> memref<128xi32, #tpu.memory_space<vmem>>
        %dma_start3A_393 = arith.constant 0 : i32
        %dma_start3A_394 = arith.constant 0 : i32
        %dma_start3A_395 = tpu.memref_slice %arg13[%dma_start3A_393, %dma_start3A_394] : memref<10000x128xf32, #tpu.memory_space<vmem_shared>> -> memref<10000x128xf32, #tpu.memory_space<vmem_shared>>
        tpu.enqueue_indirect_dma source(%dma_start3A_389 : memref<128x128xf32, #tpu.memory_space<vmem>>) target(%dma_start3A_395 : memref<10000x128xf32, #tpu.memory_space<vmem_shared>>) offsets(%dma_start3A_392 : memref<128xi32, #tpu.memory_space<vmem>>) semaphore(%run_scoped3A_385 : memref<!tpu.dma_semaphore, #tpu.memory_space<semaphore_mem>>) {add = true}
        %dma_wait3A_396 = arith.constant 0 : i32
        %dma_wait3A_397 = arith.constant 0 : i32
        %dma_wait3A_398 = tpu.memref_slice %arg9[%run_scoped3A_260, %dma_wait3A_396, %dma_wait3A_397] : memref<2x128x128xf32, #tpu.memory_space<vmem>> -> memref<1x128x128xf32, #tpu.memory_space<vmem>>
        %dma_wait3A_399 = tpu.memref_squeeze %dma_wait3A_398 : memref<1x128x128xf32, #tpu.memory_space<vmem>> -> memref<128x128xf32, #tpu.memory_space<vmem>>
        %dma_wait3A_400 = arith.constant 0 : i32
        %dma_wait3A_401 = tpu.memref_slice %arg8[%run_scoped3A_261, %dma_wait3A_400] : memref<2x128xi32, #tpu.memory_space<vmem>> -> memref<1x128xi32, #tpu.memory_space<vmem>>
        %dma_wait3A_402 = tpu.memref_squeeze %dma_wait3A_401 : memref<1x128xi32, #tpu.memory_space<vmem>> -> memref<128xi32, #tpu.memory_space<vmem>>
        %dma_wait3A_403 = arith.constant 0 : i32
        %dma_wait3A_404 = arith.constant 0 : i32
        %dma_wait3A_405 = tpu.memref_slice %arg13[%dma_wait3A_403, %dma_wait3A_404] : memref<10000x128xf32, #tpu.memory_space<vmem_shared>> -> memref<10000x128xf32, #tpu.memory_space<vmem_shared>>
        tpu.wait_indirect_dma semaphore(%run_scoped3A_385 : memref<!tpu.dma_semaphore, #tpu.memory_space<semaphore_mem>>) src(%dma_wait3A_399 : memref<128x128xf32, #tpu.memory_space<vmem>>) dst(%dma_wait3A_405 : memref<10000x128xf32, #tpu.memory_space<vmem_shared>>)
        tpu.yield
      }) : () -> ()
      %add3A_262 = arith.constant 2 : i32
      %add3A_263 = arith.addi %add3A_200, %add3A_262 : i32
      %mul3A_264 = arith.constant 128 : i32
      %mul3A_265 = arith.muli %add3A_263, %mul3A_264 : i32
      %add3A_266 = arith.addi %mul3A_4, %mul3A_265 : i32
      %dma_start3A_267 = arith.constant 0 : i32
      %dma_start3A_268 = arith.constant 2 : i32
      %dma_start3A_269 = arith.constant 0 : i32
      %dma_start3A_270 = tpu.memref_slice %arg7[%dma_start3A_267, %dma_start3A_269] : memref<2x128xi32, #tpu.memory_space<vmem>> -> memref<1x128xi32, #tpu.memory_space<vmem>>
      %dma_start3A_271 = tpu.memref_squeeze %dma_start3A_270 : memref<1x128xi32, #tpu.memory_space<vmem>> -> memref<128xi32, #tpu.memory_space<vmem>>
      %dma_start3A_272 = tpu.memref_slice %arg3[%add3A_266] : memref<320000xi32, #tpu.memory_space<hbm>> -> memref<128xi32, #tpu.memory_space<hbm>>
      %dma_start3A_273 = tpu.memref_slice %arg14[%dma_start3A_268] : memref<6x!tpu.dma_semaphore, #tpu.memory_space<semaphore_mem>> -> memref<1x!tpu.dma_semaphore, #tpu.memory_space<semaphore_mem>>
      %dma_start3A_274 = tpu.memref_squeeze %dma_start3A_273 : memref<1x!tpu.dma_semaphore, #tpu.memory_space<semaphore_mem>> -> memref<!tpu.dma_semaphore, #tpu.memory_space<semaphore_mem>>
      %dma_start3A_275 = arith.constant 0 : i32
      %dma_start3A_276 = tpu.memref_slice %arg7[%dma_start3A_267, %dma_start3A_275] : memref<2x128xi32, #tpu.memory_space<vmem>> -> memref<1x128xi32, #tpu.memory_space<vmem>>
      %dma_start3A_277 = tpu.memref_squeeze %dma_start3A_276 : memref<1x128xi32, #tpu.memory_space<vmem>> -> memref<128xi32, #tpu.memory_space<vmem>>
      %dma_start3A_278 = tpu.memref_slice %arg3[%add3A_266] : memref<320000xi32, #tpu.memory_space<hbm>> -> memref<128xi32, #tpu.memory_space<hbm>>
      tpu.enqueue_dma source(%dma_start3A_278 : memref<128xi32, #tpu.memory_space<hbm>>) target(%dma_start3A_277 : memref<128xi32, #tpu.memory_space<vmem>>) target_semaphore(%dma_start3A_274 : memref<!tpu.dma_semaphore, #tpu.memory_space<semaphore_mem>>)
      %dma_start3A_279 = arith.constant 0 : i32
      %dma_start3A_280 = arith.constant 4 : i32
      %dma_start3A_281 = arith.constant 0 : i32
      %dma_start3A_282 = tpu.memref_slice %arg8[%dma_start3A_279, %dma_start3A_281] : memref<2x128xi32, #tpu.memory_space<vmem>> -> memref<1x128xi32, #tpu.memory_space<vmem>>
      %dma_start3A_283 = tpu.memref_squeeze %dma_start3A_282 : memref<1x128xi32, #tpu.memory_space<vmem>> -> memref<128xi32, #tpu.memory_space<vmem>>
      %dma_start3A_284 = tpu.memref_slice %arg4[%add3A_266] : memref<320000xi32, #tpu.memory_space<hbm>> -> memref<128xi32, #tpu.memory_space<hbm>>
      %dma_start3A_285 = tpu.memref_slice %arg14[%dma_start3A_280] : memref<6x!tpu.dma_semaphore, #tpu.memory_space<semaphore_mem>> -> memref<1x!tpu.dma_semaphore, #tpu.memory_space<semaphore_mem>>
      %dma_start3A_286 = tpu.memref_squeeze %dma_start3A_285 : memref<1x!tpu.dma_semaphore, #tpu.memory_space<semaphore_mem>> -> memref<!tpu.dma_semaphore, #tpu.memory_space<semaphore_mem>>
      %dma_start3A_287 = arith.constant 0 : i32
      %dma_start3A_288 = tpu.memref_slice %arg8[%dma_start3A_279, %dma_start3A_287] : memref<2x128xi32, #tpu.memory_space<vmem>> -> memref<1x128xi32, #tpu.memory_space<vmem>>
      %dma_start3A_289 = tpu.memref_squeeze %dma_start3A_288 : memref<1x128xi32, #tpu.memory_space<vmem>> -> memref<128xi32, #tpu.memory_space<vmem>>
      %dma_start3A_290 = tpu.memref_slice %arg4[%add3A_266] : memref<320000xi32, #tpu.memory_space<hbm>> -> memref<128xi32, #tpu.memory_space<hbm>>
      tpu.enqueue_dma source(%dma_start3A_290 : memref<128xi32, #tpu.memory_space<hbm>>) target(%dma_start3A_289 : memref<128xi32, #tpu.memory_space<vmem>>) target_semaphore(%dma_start3A_286 : memref<!tpu.dma_semaphore, #tpu.memory_space<semaphore_mem>>)
      %mul3A_291 = arith.constant 2 : i32
      %mul3A_292 = arith.muli %add3A_196, %mul3A_291 : i32
      %add3A_293 = arith.constant 1 : i32
      %add3A_294 = arith.addi %mul3A_292, %add3A_293 : i32
      %add3A_295 = arith.constant 1 : i32
      %add3A_296 = arith.addi %add3A_294, %add3A_295 : i32
      %mul3A_297 = arith.constant 128 : i32
      %mul3A_298 = arith.muli %add3A_296, %mul3A_297 : i32
      %add3A_299 = arith.addi %mul3A_4, %mul3A_298 : i32
      %dma_wait3A_300 = arith.constant 0 : i32
      %dma_wait3A_301 = arith.constant 2 : i32
      %dma_wait3A_302 = arith.constant 0 : i32
      %dma_wait3A_303 = tpu.memref_slice %arg7[%dma_wait3A_300, %dma_wait3A_302] : memref<2x128xi32, #tpu.memory_space<vmem>> -> memref<1x128xi32, #tpu.memory_space<vmem>>
      %dma_wait3A_304 = tpu.memref_squeeze %dma_wait3A_303 : memref<1x128xi32, #tpu.memory_space<vmem>> -> memref<128xi32, #tpu.memory_space<vmem>>
      %dma_wait3A_305 = tpu.memref_slice %arg3[%add3A_299] : memref<320000xi32, #tpu.memory_space<hbm>> -> memref<128xi32, #tpu.memory_space<hbm>>
      %dma_wait3A_306 = tpu.memref_slice %arg14[%dma_wait3A_301] : memref<6x!tpu.dma_semaphore, #tpu.memory_space<semaphore_mem>> -> memref<1x!tpu.dma_semaphore, #tpu.memory_space<semaphore_mem>>
      %dma_wait3A_307 = tpu.memref_squeeze %dma_wait3A_306 : memref<1x!tpu.dma_semaphore, #tpu.memory_space<semaphore_mem>> -> memref<!tpu.dma_semaphore, #tpu.memory_space<semaphore_mem>>
      %dma_wait3A_308 = arith.constant 0 : i32
      %dma_wait3A_309 = tpu.memref_slice %arg7[%dma_wait3A_300, %dma_wait3A_308] : memref<2x128xi32, #tpu.memory_space<vmem>> -> memref<1x128xi32, #tpu.memory_space<vmem>>
      %dma_wait3A_310 = tpu.memref_squeeze %dma_wait3A_309 : memref<1x128xi32, #tpu.memory_space<vmem>> -> memref<128xi32, #tpu.memory_space<vmem>>
      %dma_wait3A_311 = tpu.memref_slice %arg3[%add3A_299] : memref<320000xi32, #tpu.memory_space<hbm>> -> memref<128xi32, #tpu.memory_space<hbm>>
      tpu.wait_dma2 semaphore(%dma_wait3A_307 : memref<!tpu.dma_semaphore, #tpu.memory_space<semaphore_mem>>) src(%dma_wait3A_311 : memref<128xi32, #tpu.memory_space<hbm>>) dst(%dma_wait3A_310 : memref<128xi32, #tpu.memory_space<vmem>>)
      %dma_wait3A_312 = arith.constant 0 : i32
      %dma_wait3A_313 = arith.constant 4 : i32
      %dma_wait3A_314 = arith.constant 0 : i32
      %dma_wait3A_315 = tpu.memref_slice %arg8[%dma_wait3A_312, %dma_wait3A_314] : memref<2x128xi32, #tpu.memory_space<vmem>> -> memref<1x128xi32, #tpu.memory_space<vmem>>
      %dma_wait3A_316 = tpu.memref_squeeze %dma_wait3A_315 : memref<1x128xi32, #tpu.memory_space<vmem>> -> memref<128xi32, #tpu.memory_space<vmem>>
      %dma_wait3A_317 = tpu.memref_slice %arg4[%add3A_299] : memref<320000xi32, #tpu.memory_space<hbm>> -> memref<128xi32, #tpu.memory_space<hbm>>
      %dma_wait3A_318 = tpu.memref_slice %arg14[%dma_wait3A_313] : memref<6x!tpu.dma_semaphore, #tpu.memory_space<semaphore_mem>> -> memref<1x!tpu.dma_semaphore, #tpu.memory_space<semaphore_mem>>
      %dma_wait3A_319 = tpu.memref_squeeze %dma_wait3A_318 : memref<1x!tpu.dma_semaphore, #tpu.memory_space<semaphore_mem>> -> memref<!tpu.dma_semaphore, #tpu.memory_space<semaphore_mem>>
      %dma_wait3A_320 = arith.constant 0 : i32
      %dma_wait3A_321 = tpu.memref_slice %arg8[%dma_wait3A_312, %dma_wait3A_320] : memref<2x128xi32, #tpu.memory_space<vmem>> -> memref<1x128xi32, #tpu.memory_space<vmem>>
      %dma_wait3A_322 = tpu.memref_squeeze %dma_wait3A_321 : memref<1x128xi32, #tpu.memory_space<vmem>> -> memref<128xi32, #tpu.memory_space<vmem>>
      %dma_wait3A_323 = tpu.memref_slice %arg4[%add3A_299] : memref<320000xi32, #tpu.memory_space<hbm>> -> memref<128xi32, #tpu.memory_space<hbm>>
      tpu.wait_dma2 semaphore(%dma_wait3A_319 : memref<!tpu.dma_semaphore, #tpu.memory_space<semaphore_mem>>) src(%dma_wait3A_323 : memref<128xi32, #tpu.memory_space<hbm>>) dst(%dma_wait3A_322 : memref<128xi32, #tpu.memory_space<vmem>>)
      %dma_start3A_324 = arith.constant 0 : i32
      %dma_start3A_325 = arith.constant 0 : i32
      %dma_start3A_326 = arith.constant 0 : i32
      %dma_start3A_327 = arith.constant 0 : i32
      %dma_start3A_328 = arith.constant 0 : i32
      %dma_start3A_329 = tpu.memref_slice %arg9[%dma_start3A_325, %dma_start3A_327, %dma_start3A_328] : memref<2x128x128xf32, #tpu.memory_space<vmem>> -> memref<1x128x128xf32, #tpu.memory_space<vmem>>
      %dma_start3A_330 = tpu.memref_squeeze %dma_start3A_329 : memref<1x128x128xf32, #tpu.memory_space<vmem>> -> memref<128x128xf32, #tpu.memory_space<vmem>>
      %dma_start3A_331 = arith.constant 0 : i32
      %dma_start3A_332 = tpu.memref_slice %arg7[%dma_start3A_324, %dma_start3A_331] : memref<2x128xi32, #tpu.memory_space<vmem>> -> memref<1x128xi32, #tpu.memory_space<vmem>>
      %dma_start3A_333 = tpu.memref_squeeze %dma_start3A_332 : memref<1x128xi32, #tpu.memory_space<vmem>> -> memref<128xi32, #tpu.memory_space<vmem>>
      %dma_start3A_334 = arith.constant 0 : i32
      %dma_start3A_335 = arith.constant 0 : i32
      %dma_start3A_336 = tpu.memref_slice %arg2[%dma_start3A_334, %dma_start3A_335] : memref<10000x128xf32, #tpu.memory_space<hbm>> -> memref<10000x128xf32, #tpu.memory_space<hbm>>
      %dma_start3A_337 = tpu.memref_slice %arg14[%dma_start3A_326] : memref<6x!tpu.dma_semaphore, #tpu.memory_space<semaphore_mem>> -> memref<1x!tpu.dma_semaphore, #tpu.memory_space<semaphore_mem>>
      %dma_start3A_338 = tpu.memref_squeeze %dma_start3A_337 : memref<1x!tpu.dma_semaphore, #tpu.memory_space<semaphore_mem>> -> memref<!tpu.dma_semaphore, #tpu.memory_space<semaphore_mem>>
      tpu.enqueue_indirect_dma source(%dma_start3A_336 : memref<10000x128xf32, #tpu.memory_space<hbm>>) target(%dma_start3A_330 : memref<128x128xf32, #tpu.memory_space<vmem>>) offsets(%dma_start3A_333 : memref<128xi32, #tpu.memory_space<vmem>>) semaphore(%dma_start3A_338 : memref<!tpu.dma_semaphore, #tpu.memory_space<semaphore_mem>>)
      %dma_wait3A_339 = arith.constant 1 : i32
      %dma_wait3A_340 = arith.constant 1 : i32
      %dma_wait3A_341 = arith.constant 1 : i32
      %dma_wait3A_342 = arith.constant 0 : i32
      %dma_wait3A_343 = arith.constant 0 : i32
      %dma_wait3A_344 = tpu.memref_slice %arg9[%dma_wait3A_340, %dma_wait3A_342, %dma_wait3A_343] : memref<2x128x128xf32, #tpu.memory_space<vmem>> -> memref<1x128x128xf32, #tpu.memory_space<vmem>>
      %dma_wait3A_345 = tpu.memref_squeeze %dma_wait3A_344 : memref<1x128x128xf32, #tpu.memory_space<vmem>> -> memref<128x128xf32, #tpu.memory_space<vmem>>
      %dma_wait3A_346 = arith.constant 0 : i32
      %dma_wait3A_347 = tpu.memref_slice %arg7[%dma_wait3A_339, %dma_wait3A_346] : memref<2x128xi32, #tpu.memory_space<vmem>> -> memref<1x128xi32, #tpu.memory_space<vmem>>
      %dma_wait3A_348 = tpu.memref_squeeze %dma_wait3A_347 : memref<1x128xi32, #tpu.memory_space<vmem>> -> memref<128xi32, #tpu.memory_space<vmem>>
      %dma_wait3A_349 = arith.constant 0 : i32
      %dma_wait3A_350 = arith.constant 0 : i32
      %dma_wait3A_351 = tpu.memref_slice %arg2[%dma_wait3A_349, %dma_wait3A_350] : memref<10000x128xf32, #tpu.memory_space<hbm>> -> memref<10000x128xf32, #tpu.memory_space<hbm>>
      %dma_wait3A_352 = tpu.memref_slice %arg14[%dma_wait3A_341] : memref<6x!tpu.dma_semaphore, #tpu.memory_space<semaphore_mem>> -> memref<1x!tpu.dma_semaphore, #tpu.memory_space<semaphore_mem>>
      %dma_wait3A_353 = tpu.memref_squeeze %dma_wait3A_352 : memref<1x!tpu.dma_semaphore, #tpu.memory_space<semaphore_mem>> -> memref<!tpu.dma_semaphore, #tpu.memory_space<semaphore_mem>>
      tpu.wait_indirect_dma semaphore(%dma_wait3A_353 : memref<!tpu.dma_semaphore, #tpu.memory_space<semaphore_mem>>) src(%dma_wait3A_351 : memref<10000x128xf32, #tpu.memory_space<hbm>>) dst(%dma_wait3A_345 : memref<128x128xf32, #tpu.memory_space<vmem>>)
      %run_scoped3A_354 = arith.constant 1 : i32
      %run_scoped3A_355 = arith.constant 1 : i32
      "tpu.region"() ({
        %run_scoped3A_385 = tpu.sem_alloc : memref<!tpu.dma_semaphore, #tpu.memory_space<semaphore_mem>>
        %dma_start3A_386 = arith.constant 0 : i32
        %dma_start3A_387 = arith.constant 0 : i32
        %dma_start3A_388 = tpu.memref_slice %arg9[%run_scoped3A_354, %dma_start3A_386, %dma_start3A_387] : memref<2x128x128xf32, #tpu.memory_space<vmem>> -> memref<1x128x128xf32, #tpu.memory_space<vmem>>
        %dma_start3A_389 = tpu.memref_squeeze %dma_start3A_388 : memref<1x128x128xf32, #tpu.memory_space<vmem>> -> memref<128x128xf32, #tpu.memory_space<vmem>>
        %dma_start3A_390 = arith.constant 0 : i32
        %dma_start3A_391 = tpu.memref_slice %arg8[%run_scoped3A_355, %dma_start3A_390] : memref<2x128xi32, #tpu.memory_space<vmem>> -> memref<1x128xi32, #tpu.memory_space<vmem>>
        %dma_start3A_392 = tpu.memref_squeeze %dma_start3A_391 : memref<1x128xi32, #tpu.memory_space<vmem>> -> memref<128xi32, #tpu.memory_space<vmem>>
        %dma_start3A_393 = arith.constant 0 : i32
        %dma_start3A_394 = arith.constant 0 : i32
        %dma_start3A_395 = tpu.memref_slice %arg13[%dma_start3A_393, %dma_start3A_394] : memref<10000x128xf32, #tpu.memory_space<vmem_shared>> -> memref<10000x128xf32, #tpu.memory_space<vmem_shared>>
        tpu.enqueue_indirect_dma source(%dma_start3A_389 : memref<128x128xf32, #tpu.memory_space<vmem>>) target(%dma_start3A_395 : memref<10000x128xf32, #tpu.memory_space<vmem_shared>>) offsets(%dma_start3A_392 : memref<128xi32, #tpu.memory_space<vmem>>) semaphore(%run_scoped3A_385 : memref<!tpu.dma_semaphore, #tpu.memory_space<semaphore_mem>>) {add = true}
        %dma_wait3A_396 = arith.constant 0 : i32
        %dma_wait3A_397 = arith.constant 0 : i32
        %dma_wait3A_398 = tpu.memref_slice %arg9[%run_scoped3A_354, %dma_wait3A_396, %dma_wait3A_397] : memref<2x128x128xf32, #tpu.memory_space<vmem>> -> memref<1x128x128xf32, #tpu.memory_space<vmem>>
        %dma_wait3A_399 = tpu.memref_squeeze %dma_wait3A_398 : memref<1x128x128xf32, #tpu.memory_space<vmem>> -> memref<128x128xf32, #tpu.memory_space<vmem>>
        %dma_wait3A_400 = arith.constant 0 : i32
        %dma_wait3A_401 = tpu.memref_slice %arg8[%run_scoped3A_355, %dma_wait3A_400] : memref<2x128xi32, #tpu.memory_space<vmem>> -> memref<1x128xi32, #tpu.memory_space<vmem>>
        %dma_wait3A_402 = tpu.memref_squeeze %dma_wait3A_401 : memref<1x128xi32, #tpu.memory_space<vmem>> -> memref<128xi32, #tpu.memory_space<vmem>>
        %dma_wait3A_403 = arith.constant 0 : i32
        %dma_wait3A_404 = arith.constant 0 : i32
        %dma_wait3A_405 = tpu.memref_slice %arg13[%dma_wait3A_403, %dma_wait3A_404] : memref<10000x128xf32, #tpu.memory_space<vmem_shared>> -> memref<10000x128xf32, #tpu.memory_space<vmem_shared>>
        tpu.wait_indirect_dma semaphore(%run_scoped3A_385 : memref<!tpu.dma_semaphore, #tpu.memory_space<semaphore_mem>>) src(%dma_wait3A_399 : memref<128x128xf32, #tpu.memory_space<vmem>>) dst(%dma_wait3A_405 : memref<10000x128xf32, #tpu.memory_space<vmem_shared>>)
        tpu.yield
      }) : () -> ()
      %add3A_356 = arith.constant 2 : i32
      %add3A_357 = arith.addi %add3A_294, %add3A_356 : i32
      %mul3A_358 = arith.constant 128 : i32
      %mul3A_359 = arith.muli %add3A_357, %mul3A_358 : i32
      %add3A_360 = arith.addi %mul3A_4, %mul3A_359 : i32
      %dma_start3A_361 = arith.constant 1 : i32
      %dma_start3A_362 = arith.constant 3 : i32
      %dma_start3A_363 = arith.constant 0 : i32
      %dma_start3A_364 = tpu.memref_slice %arg7[%dma_start3A_361, %dma_start3A_363] : memref<2x128xi32, #tpu.memory_space<vmem>> -> memref<1x128xi32, #tpu.memory_space<vmem>>
      %dma_start3A_365 = tpu.memref_squeeze %dma_start3A_364 : memref<1x128xi32, #tpu.memory_space<vmem>> -> memref<128xi32, #tpu.memory_space<vmem>>
      %dma_start3A_366 = tpu.memref_slice %arg3[%add3A_360] : memref<320000xi32, #tpu.memory_space<hbm>> -> memref<128xi32, #tpu.memory_space<hbm>>
      %dma_start3A_367 = tpu.memref_slice %arg14[%dma_start3A_362] : memref<6x!tpu.dma_semaphore, #tpu.memory_space<semaphore_mem>> -> memref<1x!tpu.dma_semaphore, #tpu.memory_space<semaphore_mem>>
      %dma_start3A_368 = tpu.memref_squeeze %dma_start3A_367 : memref<1x!tpu.dma_semaphore, #tpu.memory_space<semaphore_mem>> -> memref<!tpu.dma_semaphore, #tpu.memory_space<semaphore_mem>>
      %dma_start3A_369 = arith.constant 0 : i32
      %dma_start3A_370 = tpu.memref_slice %arg7[%dma_start3A_361, %dma_start3A_369] : memref<2x128xi32, #tpu.memory_space<vmem>> -> memref<1x128xi32, #tpu.memory_space<vmem>>
      %dma_start3A_371 = tpu.memref_squeeze %dma_start3A_370 : memref<1x128xi32, #tpu.memory_space<vmem>> -> memref<128xi32, #tpu.memory_space<vmem>>
      %dma_start3A_372 = tpu.memref_slice %arg3[%add3A_360] : memref<320000xi32, #tpu.memory_space<hbm>> -> memref<128xi32, #tpu.memory_space<hbm>>
      tpu.enqueue_dma source(%dma_start3A_372 : memref<128xi32, #tpu.memory_space<hbm>>) target(%dma_start3A_371 : memref<128xi32, #tpu.memory_space<vmem>>) target_semaphore(%dma_start3A_368 : memref<!tpu.dma_semaphore, #tpu.memory_space<semaphore_mem>>)
      %dma_start3A_373 = arith.constant 1 : i32
      %dma_start3A_374 = arith.constant 5 : i32
      %dma_start3A_375 = arith.constant 0 : i32
      %dma_start3A_376 = tpu.memref_slice %arg8[%dma_start3A_373, %dma_start3A_375] : memref<2x128xi32, #tpu.memory_space<vmem>> -> memref<1x128xi32, #tpu.memory_space<vmem>>
      %dma_start3A_377 = tpu.memref_squeeze %dma_start3A_376 : memref<1x128xi32, #tpu.memory_space<vmem>> -> memref<128xi32, #tpu.memory_space<vmem>>
      %dma_start3A_378 = tpu.memref_slice %arg4[%add3A_360] : memref<320000xi32, #tpu.memory_space<hbm>> -> memref<128xi32, #tpu.memory_space<hbm>>
      %dma_start3A_379 = tpu.memref_slice %arg14[%dma_start3A_374] : memref<6x!tpu.dma_semaphore, #tpu.memory_space<semaphore_mem>> -> memref<1x!tpu.dma_semaphore, #tpu.memory_space<semaphore_mem>>
      %dma_start3A_380 = tpu.memref_squeeze %dma_start3A_379 : memref<1x!tpu.dma_semaphore, #tpu.memory_space<semaphore_mem>> -> memref<!tpu.dma_semaphore, #tpu.memory_space<semaphore_mem>>
      %dma_start3A_381 = arith.constant 0 : i32
      %dma_start3A_382 = tpu.memref_slice %arg8[%dma_start3A_373, %dma_start3A_381] : memref<2x128xi32, #tpu.memory_space<vmem>> -> memref<1x128xi32, #tpu.memory_space<vmem>>
      %dma_start3A_383 = tpu.memref_squeeze %dma_start3A_382 : memref<1x128xi32, #tpu.memory_space<vmem>> -> memref<128xi32, #tpu.memory_space<vmem>>
      %dma_start3A_384 = tpu.memref_slice %arg4[%add3A_360] : memref<320000xi32, #tpu.memory_space<hbm>> -> memref<128xi32, #tpu.memory_space<hbm>>
      tpu.enqueue_dma source(%dma_start3A_384 : memref<128xi32, #tpu.memory_space<hbm>>) target(%dma_start3A_383 : memref<128xi32, #tpu.memory_space<vmem>>) target_semaphore(%dma_start3A_380 : memref<!tpu.dma_semaphore, #tpu.memory_space<semaphore_mem>>)
    }
    %scan3A_99 = arith.constant 38 : i32
    %add3A_100 = arith.constant 9856 : i32
    %add3A_101 = arith.addi %mul3A_4, %add3A_100 : i32
    %dma_wait3A_102 = arith.constant 1 : i32
    %dma_wait3A_103 = arith.constant 3 : i32
    %dma_wait3A_104 = arith.constant 0 : i32
    %dma_wait3A_105 = tpu.memref_slice %arg7[%dma_wait3A_102, %dma_wait3A_104] : memref<2x128xi32, #tpu.memory_space<vmem>> -> memref<1x128xi32, #tpu.memory_space<vmem>>
    %dma_wait3A_106 = tpu.memref_squeeze %dma_wait3A_105 : memref<1x128xi32, #tpu.memory_space<vmem>> -> memref<128xi32, #tpu.memory_space<vmem>>
    %dma_wait3A_107 = tpu.memref_slice %arg3[%add3A_101] : memref<320000xi32, #tpu.memory_space<hbm>> -> memref<128xi32, #tpu.memory_space<hbm>>
    %dma_wait3A_108 = tpu.memref_slice %arg14[%dma_wait3A_103] : memref<6x!tpu.dma_semaphore, #tpu.memory_space<semaphore_mem>> -> memref<1x!tpu.dma_semaphore, #tpu.memory_space<semaphore_mem>>
    %dma_wait3A_109 = tpu.memref_squeeze %dma_wait3A_108 : memref<1x!tpu.dma_semaphore, #tpu.memory_space<semaphore_mem>> -> memref<!tpu.dma_semaphore, #tpu.memory_space<semaphore_mem>>
    %dma_wait3A_110 = arith.constant 0 : i32
    %dma_wait3A_111 = tpu.memref_slice %arg7[%dma_wait3A_102, %dma_wait3A_110] : memref<2x128xi32, #tpu.memory_space<vmem>> -> memref<1x128xi32, #tpu.memory_space<vmem>>
    %dma_wait3A_112 = tpu.memref_squeeze %dma_wait3A_111 : memref<1x128xi32, #tpu.memory_space<vmem>> -> memref<128xi32, #tpu.memory_space<vmem>>
    %dma_wait3A_113 = tpu.memref_slice %arg3[%add3A_101] : memref<320000xi32, #tpu.memory_space<hbm>> -> memref<128xi32, #tpu.memory_space<hbm>>
    tpu.wait_dma2 semaphore(%dma_wait3A_109 : memref<!tpu.dma_semaphore, #tpu.memory_space<semaphore_mem>>) src(%dma_wait3A_113 : memref<128xi32, #tpu.memory_space<hbm>>) dst(%dma_wait3A_112 : memref<128xi32, #tpu.memory_space<vmem>>)
    %dma_wait3A_114 = arith.constant 1 : i32
    %dma_wait3A_115 = arith.constant 5 : i32
    %dma_wait3A_116 = arith.constant 0 : i32
    %dma_wait3A_117 = tpu.memref_slice %arg8[%dma_wait3A_114, %dma_wait3A_116] : memref<2x128xi32, #tpu.memory_space<vmem>> -> memref<1x128xi32, #tpu.memory_space<vmem>>
    %dma_wait3A_118 = tpu.memref_squeeze %dma_wait3A_117 : memref<1x128xi32, #tpu.memory_space<vmem>> -> memref<128xi32, #tpu.memory_space<vmem>>
    %dma_wait3A_119 = tpu.memref_slice %arg4[%add3A_101] : memref<320000xi32, #tpu.memory_space<hbm>> -> memref<128xi32, #tpu.memory_space<hbm>>
    %dma_wait3A_120 = tpu.memref_slice %arg14[%dma_wait3A_115] : memref<6x!tpu.dma_semaphore, #tpu.memory_space<semaphore_mem>> -> memref<1x!tpu.dma_semaphore, #tpu.memory_space<semaphore_mem>>
    %dma_wait3A_121 = tpu.memref_squeeze %dma_wait3A_120 : memref<1x!tpu.dma_semaphore, #tpu.memory_space<semaphore_mem>> -> memref<!tpu.dma_semaphore, #tpu.memory_space<semaphore_mem>>
    %dma_wait3A_122 = arith.constant 0 : i32
    %dma_wait3A_123 = tpu.memref_slice %arg8[%dma_wait3A_114, %dma_wait3A_122] : memref<2x128xi32, #tpu.memory_space<vmem>> -> memref<1x128xi32, #tpu.memory_space<vmem>>
    %dma_wait3A_124 = tpu.memref_squeeze %dma_wait3A_123 : memref<1x128xi32, #tpu.memory_space<vmem>> -> memref<128xi32, #tpu.memory_space<vmem>>
    %dma_wait3A_125 = tpu.memref_slice %arg4[%add3A_101] : memref<320000xi32, #tpu.memory_space<hbm>> -> memref<128xi32, #tpu.memory_space<hbm>>
    tpu.wait_dma2 semaphore(%dma_wait3A_121 : memref<!tpu.dma_semaphore, #tpu.memory_space<semaphore_mem>>) src(%dma_wait3A_125 : memref<128xi32, #tpu.memory_space<hbm>>) dst(%dma_wait3A_124 : memref<128xi32, #tpu.memory_space<vmem>>)
    %dma_start3A_126 = arith.constant 1 : i32
    %dma_start3A_127 = arith.constant 1 : i32
    %dma_start3A_128 = arith.constant 1 : i32
    %dma_start3A_129 = arith.constant 0 : i32
    %dma_start3A_130 = arith.constant 0 : i32
    %dma_start3A_131 = tpu.memref_slice %arg9[%dma_start3A_127, %dma_start3A_129, %dma_start3A_130] : memref<2x128x128xf32, #tpu.memory_space<vmem>> -> memref<1x128x128xf32, #tpu.memory_space<vmem>>
    %dma_start3A_132 = tpu.memref_squeeze %dma_start3A_131 : memref<1x128x128xf32, #tpu.memory_space<vmem>> -> memref<128x128xf32, #tpu.memory_space<vmem>>
    %dma_start3A_133 = arith.constant 0 : i32
    %dma_start3A_134 = tpu.memref_slice %arg7[%dma_start3A_126, %dma_start3A_133] : memref<2x128xi32, #tpu.memory_space<vmem>> -> memref<1x128xi32, #tpu.memory_space<vmem>>
    %dma_start3A_135 = tpu.memref_squeeze %dma_start3A_134 : memref<1x128xi32, #tpu.memory_space<vmem>> -> memref<128xi32, #tpu.memory_space<vmem>>
    %dma_start3A_136 = arith.constant 0 : i32
    %dma_start3A_137 = arith.constant 0 : i32
    %dma_start3A_138 = tpu.memref_slice %arg2[%dma_start3A_136, %dma_start3A_137] : memref<10000x128xf32, #tpu.memory_space<hbm>> -> memref<10000x128xf32, #tpu.memory_space<hbm>>
    %dma_start3A_139 = tpu.memref_slice %arg14[%dma_start3A_128] : memref<6x!tpu.dma_semaphore, #tpu.memory_space<semaphore_mem>> -> memref<1x!tpu.dma_semaphore, #tpu.memory_space<semaphore_mem>>
    %dma_start3A_140 = tpu.memref_squeeze %dma_start3A_139 : memref<1x!tpu.dma_semaphore, #tpu.memory_space<semaphore_mem>> -> memref<!tpu.dma_semaphore, #tpu.memory_space<semaphore_mem>>
    tpu.enqueue_indirect_dma source(%dma_start3A_138 : memref<10000x128xf32, #tpu.memory_space<hbm>>) target(%dma_start3A_132 : memref<128x128xf32, #tpu.memory_space<vmem>>) offsets(%dma_start3A_135 : memref<128xi32, #tpu.memory_space<vmem>>) semaphore(%dma_start3A_140 : memref<!tpu.dma_semaphore, #tpu.memory_space<semaphore_mem>>)
    %dma_wait3A_141 = arith.constant 0 : i32
    %dma_wait3A_142 = arith.constant 0 : i32
    %dma_wait3A_143 = arith.constant 0 : i32
    %dma_wait3A_144 = arith.constant 0 : i32
    %dma_wait3A_145 = arith.constant 0 : i32
    %dma_wait3A_146 = tpu.memref_slice %arg9[%dma_wait3A_142, %dma_wait3A_144, %dma_wait3A_145] : memref<2x128x128xf32, #tpu.memory_space<vmem>> -> memref<1x128x128xf32, #tpu.memory_space<vmem>>
    %dma_wait3A_147 = tpu.memref_squeeze %dma_wait3A_146 : memref<1x128x128xf32, #tpu.memory_space<vmem>> -> memref<128x128xf32, #tpu.memory_space<vmem>>
    %dma_wait3A_148 = arith.constant 0 : i32
    %dma_wait3A_149 = tpu.memref_slice %arg7[%dma_wait3A_141, %dma_wait3A_148] : memref<2x128xi32, #tpu.memory_space<vmem>> -> memref<1x128xi32, #tpu.memory_space<vmem>>
    %dma_wait3A_150 = tpu.memref_squeeze %dma_wait3A_149 : memref<1x128xi32, #tpu.memory_space<vmem>> -> memref<128xi32, #tpu.memory_space<vmem>>
    %dma_wait3A_151 = arith.constant 0 : i32
    %dma_wait3A_152 = arith.constant 0 : i32
    %dma_wait3A_153 = tpu.memref_slice %arg2[%dma_wait3A_151, %dma_wait3A_152] : memref<10000x128xf32, #tpu.memory_space<hbm>> -> memref<10000x128xf32, #tpu.memory_space<hbm>>
    %dma_wait3A_154 = tpu.memref_slice %arg14[%dma_wait3A_143] : memref<6x!tpu.dma_semaphore, #tpu.memory_space<semaphore_mem>> -> memref<1x!tpu.dma_semaphore, #tpu.memory_space<semaphore_mem>>
    %dma_wait3A_155 = tpu.memref_squeeze %dma_wait3A_154 : memref<1x!tpu.dma_semaphore, #tpu.memory_space<semaphore_mem>> -> memref<!tpu.dma_semaphore, #tpu.memory_space<semaphore_mem>>
    tpu.wait_indirect_dma semaphore(%dma_wait3A_155 : memref<!tpu.dma_semaphore, #tpu.memory_space<semaphore_mem>>) src(%dma_wait3A_153 : memref<10000x128xf32, #tpu.memory_space<hbm>>) dst(%dma_wait3A_147 : memref<128x128xf32, #tpu.memory_space<vmem>>)
    %run_scoped3A = arith.constant 0 : i32
    %run_scoped3A_156 = arith.constant 0 : i32
    "tpu.region"() ({
      %run_scoped3A_192 = tpu.sem_alloc : memref<!tpu.dma_semaphore, #tpu.memory_space<semaphore_mem>>
      %dma_start3A_193 = arith.constant 0 : i32
      %dma_start3A_194 = arith.constant 0 : i32
      %dma_start3A_195 = tpu.memref_slice %arg9[%run_scoped3A, %dma_start3A_193, %dma_start3A_194] : memref<2x128x128xf32, #tpu.memory_space<vmem>> -> memref<1x128x128xf32, #tpu.memory_space<vmem>>
      %dma_start3A_196 = tpu.memref_squeeze %dma_start3A_195 : memref<1x128x128xf32, #tpu.memory_space<vmem>> -> memref<128x128xf32, #tpu.memory_space<vmem>>
      %dma_start3A_197 = arith.constant 0 : i32
      %dma_start3A_198 = tpu.memref_slice %arg8[%run_scoped3A_156, %dma_start3A_197] : memref<2x128xi32, #tpu.memory_space<vmem>> -> memref<1x128xi32, #tpu.memory_space<vmem>>
      %dma_start3A_199 = tpu.memref_squeeze %dma_start3A_198 : memref<1x128xi32, #tpu.memory_space<vmem>> -> memref<128xi32, #tpu.memory_space<vmem>>
      %dma_start3A_200 = arith.constant 0 : i32
      %dma_start3A_201 = arith.constant 0 : i32
      %dma_start3A_202 = tpu.memref_slice %arg13[%dma_start3A_200, %dma_start3A_201] : memref<10000x128xf32, #tpu.memory_space<vmem_shared>> -> memref<10000x128xf32, #tpu.memory_space<vmem_shared>>
      tpu.enqueue_indirect_dma source(%dma_start3A_196 : memref<128x128xf32, #tpu.memory_space<vmem>>) target(%dma_start3A_202 : memref<10000x128xf32, #tpu.memory_space<vmem_shared>>) offsets(%dma_start3A_199 : memref<128xi32, #tpu.memory_space<vmem>>) semaphore(%run_scoped3A_192 : memref<!tpu.dma_semaphore, #tpu.memory_space<semaphore_mem>>) {add = true}
      %dma_wait3A_203 = arith.constant 0 : i32
      %dma_wait3A_204 = arith.constant 0 : i32
      %dma_wait3A_205 = tpu.memref_slice %arg9[%run_scoped3A, %dma_wait3A_203, %dma_wait3A_204] : memref<2x128x128xf32, #tpu.memory_space<vmem>> -> memref<1x128x128xf32, #tpu.memory_space<vmem>>
      %dma_wait3A_206 = tpu.memref_squeeze %dma_wait3A_205 : memref<1x128x128xf32, #tpu.memory_space<vmem>> -> memref<128x128xf32, #tpu.memory_space<vmem>>
      %dma_wait3A_207 = arith.constant 0 : i32
      %dma_wait3A_208 = tpu.memref_slice %arg8[%run_scoped3A_156, %dma_wait3A_207] : memref<2x128xi32, #tpu.memory_space<vmem>> -> memref<1x128xi32, #tpu.memory_space<vmem>>
      %dma_wait3A_209 = tpu.memref_squeeze %dma_wait3A_208 : memref<1x128xi32, #tpu.memory_space<vmem>> -> memref<128xi32, #tpu.memory_space<vmem>>
      %dma_wait3A_210 = arith.constant 0 : i32
      %dma_wait3A_211 = arith.constant 0 : i32
      %dma_wait3A_212 = tpu.memref_slice %arg13[%dma_wait3A_210, %dma_wait3A_211] : memref<10000x128xf32, #tpu.memory_space<vmem_shared>> -> memref<10000x128xf32, #tpu.memory_space<vmem_shared>>
      tpu.wait_indirect_dma semaphore(%run_scoped3A_192 : memref<!tpu.dma_semaphore, #tpu.memory_space<semaphore_mem>>) src(%dma_wait3A_206 : memref<128x128xf32, #tpu.memory_space<vmem>>) dst(%dma_wait3A_212 : memref<10000x128xf32, #tpu.memory_space<vmem_shared>>)
      tpu.yield
    }) : () -> ()
    %dma_wait3A_157 = arith.constant 1 : i32
    %dma_wait3A_158 = arith.constant 1 : i32
    %dma_wait3A_159 = arith.constant 1 : i32
    %dma_wait3A_160 = arith.constant 0 : i32
    %dma_wait3A_161 = arith.constant 0 : i32
    %dma_wait3A_162 = tpu.memref_slice %arg9[%dma_wait3A_158, %dma_wait3A_160, %dma_wait3A_161] : memref<2x128x128xf32, #tpu.memory_space<vmem>> -> memref<1x128x128xf32, #tpu.memory_space<vmem>>
    %dma_wait3A_163 = tpu.memref_squeeze %dma_wait3A_162 : memref<1x128x128xf32, #tpu.memory_space<vmem>> -> memref<128x128xf32, #tpu.memory_space<vmem>>
    %dma_wait3A_164 = arith.constant 0 : i32
    %dma_wait3A_165 = tpu.memref_slice %arg7[%dma_wait3A_157, %dma_wait3A_164] : memref<2x128xi32, #tpu.memory_space<vmem>> -> memref<1x128xi32, #tpu.memory_space<vmem>>
    %dma_wait3A_166 = tpu.memref_squeeze %dma_wait3A_165 : memref<1x128xi32, #tpu.memory_space<vmem>> -> memref<128xi32, #tpu.memory_space<vmem>>
    %dma_wait3A_167 = arith.constant 0 : i32
    %dma_wait3A_168 = arith.constant 0 : i32
    %dma_wait3A_169 = tpu.memref_slice %arg2[%dma_wait3A_167, %dma_wait3A_168] : memref<10000x128xf32, #tpu.memory_space<hbm>> -> memref<10000x128xf32, #tpu.memory_space<hbm>>
    %dma_wait3A_170 = tpu.memref_slice %arg14[%dma_wait3A_159] : memref<6x!tpu.dma_semaphore, #tpu.memory_space<semaphore_mem>> -> memref<1x!tpu.dma_semaphore, #tpu.memory_space<semaphore_mem>>
    %dma_wait3A_171 = tpu.memref_squeeze %dma_wait3A_170 : memref<1x!tpu.dma_semaphore, #tpu.memory_space<semaphore_mem>> -> memref<!tpu.dma_semaphore, #tpu.memory_space<semaphore_mem>>
    tpu.wait_indirect_dma semaphore(%dma_wait3A_171 : memref<!tpu.dma_semaphore, #tpu.memory_space<semaphore_mem>>) src(%dma_wait3A_169 : memref<10000x128xf32, #tpu.memory_space<hbm>>) dst(%dma_wait3A_163 : memref<128x128xf32, #tpu.memory_space<vmem>>)
    %run_scoped3A_172 = arith.constant 1 : i32
    %run_scoped3A_173 = arith.constant 1 : i32
    "tpu.region"() ({
      %run_scoped3A_192 = tpu.sem_alloc : memref<!tpu.dma_semaphore, #tpu.memory_space<semaphore_mem>>
      %dma_start3A_193 = arith.constant 0 : i32
      %dma_start3A_194 = arith.constant 0 : i32
      %dma_start3A_195 = tpu.memref_slice %arg9[%run_scoped3A_172, %dma_start3A_193, %dma_start3A_194] : memref<2x128x128xf32, #tpu.memory_space<vmem>> -> memref<1x128x128xf32, #tpu.memory_space<vmem>>
      %dma_start3A_196 = tpu.memref_squeeze %dma_start3A_195 : memref<1x128x128xf32, #tpu.memory_space<vmem>> -> memref<128x128xf32, #tpu.memory_space<vmem>>
      %dma_start3A_197 = arith.constant 0 : i32
      %dma_start3A_198 = tpu.memref_slice %arg8[%run_scoped3A_173, %dma_start3A_197] : memref<2x128xi32, #tpu.memory_space<vmem>> -> memref<1x128xi32, #tpu.memory_space<vmem>>
      %dma_start3A_199 = tpu.memref_squeeze %dma_start3A_198 : memref<1x128xi32, #tpu.memory_space<vmem>> -> memref<128xi32, #tpu.memory_space<vmem>>
      %dma_start3A_200 = arith.constant 0 : i32
      %dma_start3A_201 = arith.constant 0 : i32
      %dma_start3A_202 = tpu.memref_slice %arg13[%dma_start3A_200, %dma_start3A_201] : memref<10000x128xf32, #tpu.memory_space<vmem_shared>> -> memref<10000x128xf32, #tpu.memory_space<vmem_shared>>
      tpu.enqueue_indirect_dma source(%dma_start3A_196 : memref<128x128xf32, #tpu.memory_space<vmem>>) target(%dma_start3A_202 : memref<10000x128xf32, #tpu.memory_space<vmem_shared>>) offsets(%dma_start3A_199 : memref<128xi32, #tpu.memory_space<vmem>>) semaphore(%run_scoped3A_192 : memref<!tpu.dma_semaphore, #tpu.memory_space<semaphore_mem>>) {add = true}
      %dma_wait3A_203 = arith.constant 0 : i32
      %dma_wait3A_204 = arith.constant 0 : i32
      %dma_wait3A_205 = tpu.memref_slice %arg9[%run_scoped3A_172, %dma_wait3A_203, %dma_wait3A_204] : memref<2x128x128xf32, #tpu.memory_space<vmem>> -> memref<1x128x128xf32, #tpu.memory_space<vmem>>
      %dma_wait3A_206 = tpu.memref_squeeze %dma_wait3A_205 : memref<1x128x128xf32, #tpu.memory_space<vmem>> -> memref<128x128xf32, #tpu.memory_space<vmem>>
      %dma_wait3A_207 = arith.constant 0 : i32
      %dma_wait3A_208 = tpu.memref_slice %arg8[%run_scoped3A_173, %dma_wait3A_207] : memref<2x128xi32, #tpu.memory_space<vmem>> -> memref<1x128xi32, #tpu.memory_space<vmem>>
      %dma_wait3A_209 = tpu.memref_squeeze %dma_wait3A_208 : memref<1x128xi32, #tpu.memory_space<vmem>> -> memref<128xi32, #tpu.memory_space<vmem>>
      %dma_wait3A_210 = arith.constant 0 : i32
      %dma_wait3A_211 = arith.constant 0 : i32
      %dma_wait3A_212 = tpu.memref_slice %arg13[%dma_wait3A_210, %dma_wait3A_211] : memref<10000x128xf32, #tpu.memory_space<vmem_shared>> -> memref<10000x128xf32, #tpu.memory_space<vmem_shared>>
      tpu.wait_indirect_dma semaphore(%run_scoped3A_192 : memref<!tpu.dma_semaphore, #tpu.memory_space<semaphore_mem>>) src(%dma_wait3A_206 : memref<128x128xf32, #tpu.memory_space<vmem>>) dst(%dma_wait3A_212 : memref<10000x128xf32, #tpu.memory_space<vmem_shared>>)
      tpu.yield
    }) : () -> ()
    %add3A_174 = arith.constant 9984 : i32
    %add3A_175 = arith.addi %mul3A_4, %add3A_174 : i32
    "tpu.region"() ({
      %run_scoped3A_192 = tpu.sem_alloc : memref<!tpu.dma_semaphore, #tpu.memory_space<semaphore_mem>>
      %dma_start3A_193 = tpu.memref_slice %arg3[%add3A_175] : memref<320000xi32, #tpu.memory_space<hbm>> -> memref<16xi32, #tpu.memory_space<hbm>>
      %dma_start3A_194 = tpu.memref_slice %arg3[%add3A_175] : memref<320000xi32, #tpu.memory_space<hbm>> -> memref<16xi32, #tpu.memory_space<hbm>>
      tpu.enqueue_dma source(%dma_start3A_194 : memref<16xi32, #tpu.memory_space<hbm>>) target(%arg10 : memref<16xi32, #tpu.memory_space<vmem>>) target_semaphore(%run_scoped3A_192 : memref<!tpu.dma_semaphore, #tpu.memory_space<semaphore_mem>>)
      %dma_wait3A_195 = tpu.memref_slice %arg3[%add3A_175] : memref<320000xi32, #tpu.memory_space<hbm>> -> memref<16xi32, #tpu.memory_space<hbm>>
      %dma_wait3A_196 = tpu.memref_slice %arg3[%add3A_175] : memref<320000xi32, #tpu.memory_space<hbm>> -> memref<16xi32, #tpu.memory_space<hbm>>
      tpu.wait_dma2 semaphore(%run_scoped3A_192 : memref<!tpu.dma_semaphore, #tpu.memory_space<semaphore_mem>>) src(%dma_wait3A_196 : memref<16xi32, #tpu.memory_space<hbm>>) dst(%arg10 : memref<16xi32, #tpu.memory_space<vmem>>)
      tpu.yield
    }) : () -> ()
    "tpu.region"() ({
      %run_scoped3A_192 = tpu.sem_alloc : memref<!tpu.dma_semaphore, #tpu.memory_space<semaphore_mem>>
      %dma_start3A_193 = tpu.memref_slice %arg4[%add3A_175] : memref<320000xi32, #tpu.memory_space<hbm>> -> memref<16xi32, #tpu.memory_space<hbm>>
      %dma_start3A_194 = tpu.memref_slice %arg4[%add3A_175] : memref<320000xi32, #tpu.memory_space<hbm>> -> memref<16xi32, #tpu.memory_space<hbm>>
      tpu.enqueue_dma source(%dma_start3A_194 : memref<16xi32, #tpu.memory_space<hbm>>) target(%arg11 : memref<16xi32, #tpu.memory_space<vmem>>) target_semaphore(%run_scoped3A_192 : memref<!tpu.dma_semaphore, #tpu.memory_space<semaphore_mem>>)
      %dma_wait3A_195 = tpu.memref_slice %arg4[%add3A_175] : memref<320000xi32, #tpu.memory_space<hbm>> -> memref<16xi32, #tpu.memory_space<hbm>>
      %dma_wait3A_196 = tpu.memref_slice %arg4[%add3A_175] : memref<320000xi32, #tpu.memory_space<hbm>> -> memref<16xi32, #tpu.memory_space<hbm>>
      tpu.wait_dma2 semaphore(%run_scoped3A_192 : memref<!tpu.dma_semaphore, #tpu.memory_space<semaphore_mem>>) src(%dma_wait3A_196 : memref<16xi32, #tpu.memory_space<hbm>>) dst(%arg11 : memref<16xi32, #tpu.memory_space<vmem>>)
      tpu.yield
    }) : () -> ()
    %dma_start3A_176 = arith.constant 0 : i32
    %dma_start3A_177 = arith.constant 0 : i32
    %dma_start3A_178 = arith.constant 0 : i32
    %dma_start3A_179 = tpu.memref_slice %arg2[%dma_start3A_177, %dma_start3A_178] : memref<10000x128xf32, #tpu.memory_space<hbm>> -> memref<10000x128xf32, #tpu.memory_space<hbm>>
    %dma_start3A_180 = tpu.memref_slice %arg14[%dma_start3A_176] : memref<6x!tpu.dma_semaphore, #tpu.memory_space<semaphore_mem>> -> memref<1x!tpu.dma_semaphore, #tpu.memory_space<semaphore_mem>>
    %dma_start3A_181 = tpu.memref_squeeze %dma_start3A_180 : memref<1x!tpu.dma_semaphore, #tpu.memory_space<semaphore_mem>> -> memref<!tpu.dma_semaphore, #tpu.memory_space<semaphore_mem>>
    tpu.enqueue_indirect_dma source(%dma_start3A_179 : memref<10000x128xf32, #tpu.memory_space<hbm>>) target(%arg12 : memref<16x128xf32, #tpu.memory_space<vmem>>) offsets(%arg10 : memref<16xi32, #tpu.memory_space<vmem>>) semaphore(%dma_start3A_181 : memref<!tpu.dma_semaphore, #tpu.memory_space<semaphore_mem>>)
    %dma_wait3A_182 = arith.constant 0 : i32
    %dma_wait3A_183 = arith.constant 0 : i32
    %dma_wait3A_184 = arith.constant 0 : i32
    %dma_wait3A_185 = tpu.memref_slice %arg2[%dma_wait3A_183, %dma_wait3A_184] : memref<10000x128xf32, #tpu.memory_space<hbm>> -> memref<10000x128xf32, #tpu.memory_space<hbm>>
    %dma_wait3A_186 = tpu.memref_slice %arg14[%dma_wait3A_182] : memref<6x!tpu.dma_semaphore, #tpu.memory_space<semaphore_mem>> -> memref<1x!tpu.dma_semaphore, #tpu.memory_space<semaphore_mem>>
    %dma_wait3A_187 = tpu.memref_squeeze %dma_wait3A_186 : memref<1x!tpu.dma_semaphore, #tpu.memory_space<semaphore_mem>> -> memref<!tpu.dma_semaphore, #tpu.memory_space<semaphore_mem>>
    tpu.wait_indirect_dma semaphore(%dma_wait3A_187 : memref<!tpu.dma_semaphore, #tpu.memory_space<semaphore_mem>>) src(%dma_wait3A_185 : memref<10000x128xf32, #tpu.memory_space<hbm>>) dst(%arg12 : memref<16x128xf32, #tpu.memory_space<vmem>>)
    "tpu.region"() ({
      %run_scoped3A_192 = tpu.sem_alloc : memref<!tpu.dma_semaphore, #tpu.memory_space<semaphore_mem>>
      %dma_start3A_193 = arith.constant 0 : i32
      %dma_start3A_194 = arith.constant 0 : i32
      %dma_start3A_195 = tpu.memref_slice %arg13[%dma_start3A_193, %dma_start3A_194] : memref<10000x128xf32, #tpu.memory_space<vmem_shared>> -> memref<10000x128xf32, #tpu.memory_space<vmem_shared>>
      tpu.enqueue_indirect_dma source(%arg12 : memref<16x128xf32, #tpu.memory_space<vmem>>) target(%dma_start3A_195 : memref<10000x128xf32, #tpu.memory_space<vmem_shared>>) offsets(%arg11 : memref<16xi32, #tpu.memory_space<vmem>>) semaphore(%run_scoped3A_192 : memref<!tpu.dma_semaphore, #tpu.memory_space<semaphore_mem>>) {add = true}
      %dma_wait3A_196 = arith.constant 0 : i32
      %dma_wait3A_197 = arith.constant 0 : i32
      %dma_wait3A_198 = tpu.memref_slice %arg13[%dma_wait3A_196, %dma_wait3A_197] : memref<10000x128xf32, #tpu.memory_space<vmem_shared>> -> memref<10000x128xf32, #tpu.memory_space<vmem_shared>>
      tpu.wait_indirect_dma semaphore(%run_scoped3A_192 : memref<!tpu.dma_semaphore, #tpu.memory_space<semaphore_mem>>) src(%arg12 : memref<16x128xf32, #tpu.memory_space<vmem>>) dst(%dma_wait3A_198 : memref<10000x128xf32, #tpu.memory_space<vmem_shared>>)
      tpu.yield
    }) : () -> ()
    %barrier3A_188 = arith.constant 0 : index
    tpu.barrier barrier_id(%barrier3A_188)
    %mul3A_189 = arith.constant 10000 : i32
    %mul3A_190 = arith.muli %arg0, %mul3A_189 : i32
    %add3A_191 = arith.addi %mul3A_190, %mul3A_2 : i32
    "tpu.region"() ({
      %run_scoped3A_192 = tpu.sem_alloc : memref<!tpu.dma_semaphore, #tpu.memory_space<semaphore_mem>>
      %dma_start3A_193 = arith.constant 0 : i32
      %dma_start3A_194 = tpu.memref_slice %arg6[%add3A_191, %dma_start3A_193] : memref<20000x128xf32, #tpu.memory_space<hbm>> -> memref<640x128xf32, #tpu.memory_space<hbm>>
      %dma_start3A_195 = arith.constant 0 : i32
      %dma_start3A_196 = tpu.memref_slice %arg13[%mul3A_2, %dma_start3A_195] : memref<10000x128xf32, #tpu.memory_space<vmem_shared>> -> memref<640x128xf32, #tpu.memory_space<vmem_shared>>
      tpu.enqueue_dma source(%dma_start3A_196 : memref<640x128xf32, #tpu.memory_space<vmem_shared>>) target(%dma_start3A_194 : memref<640x128xf32, #tpu.memory_space<hbm>>) target_semaphore(%run_scoped3A_192 : memref<!tpu.dma_semaphore, #tpu.memory_space<semaphore_mem>>)
      %dma_wait3A_197 = arith.constant 0 : i32
      %dma_wait3A_198 = tpu.memref_slice %arg6[%add3A_191, %dma_wait3A_197] : memref<20000x128xf32, #tpu.memory_space<hbm>> -> memref<640x128xf32, #tpu.memory_space<hbm>>
      %dma_wait3A_199 = arith.constant 0 : i32
      %dma_wait3A_200 = tpu.memref_slice %arg13[%mul3A_2, %dma_wait3A_199] : memref<10000x128xf32, #tpu.memory_space<vmem_shared>> -> memref<640x128xf32, #tpu.memory_space<vmem_shared>>
      tpu.wait_dma2 semaphore(%run_scoped3A_192 : memref<!tpu.dma_semaphore, #tpu.memory_space<semaphore_mem>>) src(%dma_wait3A_200 : memref<640x128xf32, #tpu.memory_space<vmem_shared>>) dst(%dma_wait3A_198 : memref<640x128xf32, #tpu.memory_space<hbm>>)
      tpu.yield
    }) : () -> ()
    return
  }
}

module attributes {stable_mosaic.version = 14 : i64} {
  func.func @_mm1_body(%arg0: memref<2x10000x128xf32, #tpu.memory_space<vmem>>, %arg1: memref<10000x32xf32, #tpu.memory_space<vmem>>, %arg2: memref<10000x128xf32, #tpu.memory_space<vmem>>, %arg3: memref<128x128xf32, #tpu.memory_space<vmem>>, %arg4: memref<128x128xf32, #tpu.memory_space<vmem>>, %arg5: memref<1x128xf32, #tpu.memory_space<vmem>>, %arg6: memref<10000x128xf32, #tpu.memory_space<vmem>>, %arg7: memref<8x128xf32, #tpu.memory_space<vmem>>, %arg8: memref<8x128xf32, #tpu.memory_space<vmem>>) attributes {dimension_semantics = [], scalar_prefetch = 0 : i64, scratch_operands = 0 : i64, tpu.core_type = #tpu.core_type<tc>} {
    %get3A = arith.constant 0 : index
    %get3A_0 = arith.constant 0 : index
    %get3A_1 = arith.constant 0 : index
    %get3A_2 = vector.load %arg0[%get3A, %get3A_0, %get3A_1] : memref<2x10000x128xf32, #tpu.memory_space<vmem>>, vector<1x10000x128xf32>
    %get3A_3 = vector.shape_cast %get3A_2 : vector<1x10000x128xf32> to vector<10000x128xf32>
    %get3A_4 = arith.constant 1 : index
    %get3A_5 = arith.constant 0 : index
    %get3A_6 = arith.constant 0 : index
    %get3A_7 = vector.load %arg0[%get3A_4, %get3A_5, %get3A_6] : memref<2x10000x128xf32, #tpu.memory_space<vmem>>, vector<1x10000x128xf32>
    %get3A_8 = vector.shape_cast %get3A_7 : vector<1x10000x128xf32> to vector<10000x128xf32>
    %add3A = arith.addf %get3A_3, %get3A_8 : vector<10000x128xf32>
    %get3A_9 = arith.constant 0 : index
    %get3A_10 = arith.constant 0 : index
    %get3A_11 = vector.load %arg1[%get3A_9, %get3A_10] : memref<10000x32xf32, #tpu.memory_space<vmem>>, vector<10000x32xf32>
    %reduce_sum3A = arith.constant dense<0.000000e+00> : vector<10000xf32>
    %reduce_sum3A_12 = vector.multi_reduction <add>, %get3A_11, %reduce_sum3A [1] : vector<10000x32xf32> to vector<10000xf32>
    %broadcast_in_dim3A = vector.shape_cast %reduce_sum3A_12 : vector<10000xf32> to vector<10000x1xf32>
    %max3A = arith.constant 1.000000e+00 : f32
    %max3A_13 = vector.broadcast %max3A : f32 to vector<10000x1xf32>
    %max3A_14 = arith.maximumf %broadcast_in_dim3A, %max3A_13 : vector<10000x1xf32>
    %div3A = vector.broadcast %max3A_14 : vector<10000x1xf32> to vector<10000x128xf32>
    %div3A_15 = arith.divf %add3A, %div3A : vector<10000x128xf32>
    %get3A_16 = arith.constant 0 : index
    %get3A_17 = arith.constant 0 : index
    %get3A_18 = vector.load %arg3[%get3A_16, %get3A_17] : memref<128x128xf32, #tpu.memory_space<vmem>>, vector<128x128xf32>
    %dot_general3A = arith.constant dense<0.000000e+00> : vector<10000x128xf32>
    %dot_general3A_19 = tpu.matmul %div3A_15, %get3A_18, %dot_general3A {dimension_numbers = #tpu.dot_dimension_numbers<[1], [1], [0], [0], [0, 0, 1, 0], [], []>, transpose_lhs_hint = false} : vector<10000x128xf32>, vector<128x128xf32>, vector<10000x128xf32> -> vector<10000x128xf32>
    %get3A_20 = arith.constant 0 : index
    %get3A_21 = arith.constant 0 : index
    %get3A_22 = vector.load %arg2[%get3A_20, %get3A_21] : memref<10000x128xf32, #tpu.memory_space<vmem>>, vector<10000x128xf32>
    %get3A_23 = arith.constant 0 : index
    %get3A_24 = arith.constant 0 : index
    %get3A_25 = vector.load %arg4[%get3A_23, %get3A_24] : memref<128x128xf32, #tpu.memory_space<vmem>>, vector<128x128xf32>
    %dot_general3A_26 = arith.constant dense<0.000000e+00> : vector<10000x128xf32>
    %dot_general3A_27 = tpu.matmul %get3A_22, %get3A_25, %dot_general3A_26 {dimension_numbers = #tpu.dot_dimension_numbers<[1], [1], [0], [0], [0, 0, 1, 0], [], []>, transpose_lhs_hint = false} : vector<10000x128xf32>, vector<128x128xf32>, vector<10000x128xf32> -> vector<10000x128xf32>
    %add3A_28 = arith.addf %dot_general3A_19, %dot_general3A_27 : vector<10000x128xf32>
    %get3A_29 = arith.constant 0 : index
    %get3A_30 = arith.constant 0 : index
    %get3A_31 = vector.load %arg5[%get3A_29, %get3A_30] : memref<1x128xf32, #tpu.memory_space<vmem>>, vector<1x128xf32>
    %add3A_32 = vector.broadcast %get3A_31 : vector<1x128xf32> to vector<10000x128xf32>
    %add3A_33 = arith.addf %add3A_28, %add3A_32 : vector<10000x128xf32>
    %swap3A = arith.constant 0 : index
    %swap3A_34 = arith.constant 0 : index
    %swap3A_35 = vector.load %arg6[%swap3A, %swap3A_34] : memref<10000x128xf32, #tpu.memory_space<vmem>>, vector<10000x128xf32>
    tpu.vector_store %arg6[%swap3A, %swap3A_34], %add3A_33 {strides = array<i32>} : memref<10000x128xf32, #tpu.memory_space<vmem>>, vector<10000x128xf32>,
    %reduce_sum3A_36 = arith.constant dense<0.000000e+00> : vector<128xf32>
    %reduce_sum3A_37 = vector.multi_reduction <add>, %add3A_33, %reduce_sum3A_36 [0] : vector<10000x128xf32> to vector<128xf32>
    %broadcast_in_dim3A_38 = vector.shape_cast %reduce_sum3A_37 : vector<128xf32> to vector<1x128xf32>
    %broadcast_in_dim3A_39 = vector.shape_cast %broadcast_in_dim3A_38 : vector<1x128xf32> to vector<1x128xf32>
    %broadcast_in_dim3A_40 = vector.broadcast %broadcast_in_dim3A_39 : vector<1x128xf32> to vector<8x128xf32>
    %swap3A_41 = arith.constant 0 : index
    %swap3A_42 = arith.constant 0 : index
    %swap3A_43 = vector.load %arg7[%swap3A_41, %swap3A_42] : memref<8x128xf32, #tpu.memory_space<vmem>>, vector<8x128xf32>
    tpu.vector_store %arg7[%swap3A_41, %swap3A_42], %broadcast_in_dim3A_40 {strides = array<i32>} : memref<8x128xf32, #tpu.memory_space<vmem>>, vector<8x128xf32>,
    %mul3A = arith.mulf %add3A_33, %add3A_33 : vector<10000x128xf32>
    %reduce_sum3A_44 = arith.constant dense<0.000000e+00> : vector<128xf32>
    %reduce_sum3A_45 = vector.multi_reduction <add>, %mul3A, %reduce_sum3A_44 [0] : vector<10000x128xf32> to vector<128xf32>
    %broadcast_in_dim3A_46 = vector.shape_cast %reduce_sum3A_45 : vector<128xf32> to vector<1x128xf32>
    %broadcast_in_dim3A_47 = vector.shape_cast %broadcast_in_dim3A_46 : vector<1x128xf32> to vector<1x128xf32>
    %broadcast_in_dim3A_48 = vector.broadcast %broadcast_in_dim3A_47 : vector<1x128xf32> to vector<8x128xf32>
    %swap3A_49 = arith.constant 0 : index
    %swap3A_50 = arith.constant 0 : index
    %swap3A_51 = vector.load %arg8[%swap3A_49, %swap3A_50] : memref<8x128xf32, #tpu.memory_space<vmem>>, vector<8x128xf32>
    tpu.vector_store %arg8[%swap3A_49, %swap3A_50], %broadcast_in_dim3A_48 {strides = array<i32>} : memref<8x128xf32, #tpu.memory_space<vmem>>, vector<8x128xf32>,
    return
  }
}

module attributes {stable_mosaic.version = 14 : i64} {
  func.func @_bn_relu_body(%arg0: memref<10000x128xf32, #tpu.memory_space<vmem>>, %arg1: memref<8x128xf32, #tpu.memory_space<vmem>>, %arg2: memref<8x128xf32, #tpu.memory_space<vmem>>, %arg3: memref<1x128xf32, #tpu.memory_space<vmem>>, %arg4: memref<1x128xf32, #tpu.memory_space<vmem>>, %arg5: memref<10000x128xf32, #tpu.memory_space<vmem>>) attributes {dimension_semantics = [], scalar_prefetch = 0 : i64, scratch_operands = 0 : i64, tpu.core_type = #tpu.core_type<tc>} {
    %get3A = arith.constant 0 : index
    %get3A_0 = arith.constant 0 : index
    %get3A_1 = vector.load %arg1[%get3A, %get3A_0] : memref<8x128xf32, #tpu.memory_space<vmem>>, vector<1x128xf32>
    %mul3A = arith.constant 9.99999974E-5 : f32
    %mul3A_2 = vector.broadcast %mul3A : f32 to vector<1x128xf32>
    %mul3A_3 = arith.mulf %get3A_1, %mul3A_2 : vector<1x128xf32>
    %get3A_4 = arith.constant 0 : index
    %get3A_5 = arith.constant 0 : index
    %get3A_6 = vector.load %arg2[%get3A_4, %get3A_5] : memref<8x128xf32, #tpu.memory_space<vmem>>, vector<1x128xf32>
    %mul3A_7 = arith.constant 9.99999974E-5 : f32
    %mul3A_8 = vector.broadcast %mul3A_7 : f32 to vector<1x128xf32>
    %mul3A_9 = arith.mulf %get3A_6, %mul3A_8 : vector<1x128xf32>
    %mul3A_10 = arith.mulf %mul3A_3, %mul3A_3 : vector<1x128xf32>
    %sub3A = arith.subf %mul3A_9, %mul3A_10 : vector<1x128xf32>
    %add3A = arith.constant 9.99999974E-6 : f32
    %add3A_11 = vector.broadcast %add3A : f32 to vector<1x128xf32>
    %add3A_12 = arith.addf %sub3A, %add3A_11 : vector<1x128xf32>
    %rsqrt3A = math.rsqrt %add3A_12 : vector<1x128xf32>
    %get3A_13 = arith.constant 0 : index
    %get3A_14 = arith.constant 0 : index
    %get3A_15 = vector.load %arg0[%get3A_13, %get3A_14] : memref<10000x128xf32, #tpu.memory_space<vmem>>, vector<10000x128xf32>
    %sub3A_16 = vector.broadcast %mul3A_3 : vector<1x128xf32> to vector<10000x128xf32>
    %sub3A_17 = arith.subf %get3A_15, %sub3A_16 : vector<10000x128xf32>
    %get3A_18 = arith.constant 0 : index
    %get3A_19 = arith.constant 0 : index
    %get3A_20 = vector.load %arg3[%get3A_18, %get3A_19] : memref<1x128xf32, #tpu.memory_space<vmem>>, vector<1x128xf32>
    %mul3A_21 = arith.mulf %rsqrt3A, %get3A_20 : vector<1x128xf32>
    %mul3A_22 = vector.broadcast %mul3A_21 : vector<1x128xf32> to vector<10000x128xf32>
    %mul3A_23 = arith.mulf %sub3A_17, %mul3A_22 : vector<10000x128xf32>
    %get3A_24 = arith.constant 0 : index
    %get3A_25 = arith.constant 0 : index
    %get3A_26 = vector.load %arg4[%get3A_24, %get3A_25] : memref<1x128xf32, #tpu.memory_space<vmem>>, vector<1x128xf32>
    %add3A_27 = vector.broadcast %get3A_26 : vector<1x128xf32> to vector<10000x128xf32>
    %add3A_28 = arith.addf %mul3A_23, %add3A_27 : vector<10000x128xf32>
    %max3A = arith.constant 0.000000e+00 : f32
    %max3A_29 = vector.broadcast %max3A : f32 to vector<10000x128xf32>
    %max3A_30 = arith.maximumf %add3A_28, %max3A_29 : vector<10000x128xf32>
    %swap3A = arith.constant 0 : index
    %swap3A_31 = arith.constant 0 : index
    %swap3A_32 = vector.load %arg5[%swap3A, %swap3A_31] : memref<10000x128xf32, #tpu.memory_space<vmem>>, vector<10000x128xf32>
    tpu.vector_store %arg5[%swap3A, %swap3A_31], %max3A_30 {strides = array<i32>} : memref<10000x128xf32, #tpu.memory_space<vmem>>, vector<10000x128xf32>,
    return
  }
}

module attributes {stable_mosaic.version = 14 : i64} {
  func.func @_mm2_body(%arg0: memref<2x10000x128xf32, #tpu.memory_space<vmem>>, %arg1: memref<10000x32xf32, #tpu.memory_space<vmem>>, %arg2: memref<10000x128xf32, #tpu.memory_space<vmem>>, %arg3: memref<128x128xf32, #tpu.memory_space<vmem>>, %arg4: memref<128x128xf32, #tpu.memory_space<vmem>>, %arg5: memref<1x128xf32, #tpu.memory_space<vmem>>, %arg6: memref<10000x128xf32, #tpu.memory_space<vmem>>) attributes {dimension_semantics = [], scalar_prefetch = 0 : i64, scratch_operands = 0 : i64, tpu.core_type = #tpu.core_type<tc>} {
    %get3A = arith.constant 0 : index
    %get3A_0 = arith.constant 0 : index
    %get3A_1 = arith.constant 0 : index
    %get3A_2 = vector.load %arg0[%get3A, %get3A_0, %get3A_1] : memref<2x10000x128xf32, #tpu.memory_space<vmem>>, vector<1x10000x128xf32>
    %get3A_3 = vector.shape_cast %get3A_2 : vector<1x10000x128xf32> to vector<10000x128xf32>
    %get3A_4 = arith.constant 1 : index
    %get3A_5 = arith.constant 0 : index
    %get3A_6 = arith.constant 0 : index
    %get3A_7 = vector.load %arg0[%get3A_4, %get3A_5, %get3A_6] : memref<2x10000x128xf32, #tpu.memory_space<vmem>>, vector<1x10000x128xf32>
    %get3A_8 = vector.shape_cast %get3A_7 : vector<1x10000x128xf32> to vector<10000x128xf32>
    %add3A = arith.addf %get3A_3, %get3A_8 : vector<10000x128xf32>
    %get3A_9 = arith.constant 0 : index
    %get3A_10 = arith.constant 0 : index
    %get3A_11 = vector.load %arg1[%get3A_9, %get3A_10] : memref<10000x32xf32, #tpu.memory_space<vmem>>, vector<10000x32xf32>
    %reduce_sum3A = arith.constant dense<0.000000e+00> : vector<10000xf32>
    %reduce_sum3A_12 = vector.multi_reduction <add>, %get3A_11, %reduce_sum3A [1] : vector<10000x32xf32> to vector<10000xf32>
    %broadcast_in_dim3A = vector.shape_cast %reduce_sum3A_12 : vector<10000xf32> to vector<10000x1xf32>
    %max3A = arith.constant 1.000000e+00 : f32
    %max3A_13 = vector.broadcast %max3A : f32 to vector<10000x1xf32>
    %max3A_14 = arith.maximumf %broadcast_in_dim3A, %max3A_13 : vector<10000x1xf32>
    %div3A = vector.broadcast %max3A_14 : vector<10000x1xf32> to vector<10000x128xf32>
    %div3A_15 = arith.divf %add3A, %div3A : vector<10000x128xf32>
    %get3A_16 = arith.constant 0 : index
    %get3A_17 = arith.constant 0 : index
    %get3A_18 = vector.load %arg3[%get3A_16, %get3A_17] : memref<128x128xf32, #tpu.memory_space<vmem>>, vector<128x128xf32>
    %dot_general3A = arith.constant dense<0.000000e+00> : vector<10000x128xf32>
    %dot_general3A_19 = tpu.matmul %div3A_15, %get3A_18, %dot_general3A {dimension_numbers = #tpu.dot_dimension_numbers<[1], [1], [0], [0], [0, 0, 1, 0], [], []>, transpose_lhs_hint = false} : vector<10000x128xf32>, vector<128x128xf32>, vector<10000x128xf32> -> vector<10000x128xf32>
    %get3A_20 = arith.constant 0 : index
    %get3A_21 = arith.constant 0 : index
    %get3A_22 = vector.load %arg2[%get3A_20, %get3A_21] : memref<10000x128xf32, #tpu.memory_space<vmem>>, vector<10000x128xf32>
    %get3A_23 = arith.constant 0 : index
    %get3A_24 = arith.constant 0 : index
    %get3A_25 = vector.load %arg4[%get3A_23, %get3A_24] : memref<128x128xf32, #tpu.memory_space<vmem>>, vector<128x128xf32>
    %dot_general3A_26 = arith.constant dense<0.000000e+00> : vector<10000x128xf32>
    %dot_general3A_27 = tpu.matmul %get3A_22, %get3A_25, %dot_general3A_26 {dimension_numbers = #tpu.dot_dimension_numbers<[1], [1], [0], [0], [0, 0, 1, 0], [], []>, transpose_lhs_hint = false} : vector<10000x128xf32>, vector<128x128xf32>, vector<10000x128xf32> -> vector<10000x128xf32>
    %add3A_28 = arith.addf %dot_general3A_19, %dot_general3A_27 : vector<10000x128xf32>
    %get3A_29 = arith.constant 0 : index
    %get3A_30 = arith.constant 0 : index
    %get3A_31 = vector.load %arg5[%get3A_29, %get3A_30] : memref<1x128xf32, #tpu.memory_space<vmem>>, vector<1x128xf32>
    %add3A_32 = vector.broadcast %get3A_31 : vector<1x128xf32> to vector<10000x128xf32>
    %add3A_33 = arith.addf %add3A_28, %add3A_32 : vector<10000x128xf32>
    %swap3A = arith.constant 0 : index
    %swap3A_34 = arith.constant 0 : index
    %swap3A_35 = vector.load %arg6[%swap3A, %swap3A_34] : memref<10000x128xf32, #tpu.memory_space<vmem>>, vector<10000x128xf32>
    tpu.vector_store %arg6[%swap3A, %swap3A_34], %add3A_33 {strides = array<i32>} : memref<10000x128xf32, #tpu.memory_space<vmem>>, vector<10000x128xf32>,
    return
  }
}

</mosaic_0001>

<sc_bundles>
// kernel: kernel.11.cloned.1.call-start
scs
__scs_entry_jumppad:
0x0: {  	(pc) =	sbr.rel $0x88, $3  }
0x1: {  	(tag) =	ssettag $0x0;
	lr =	simm.s32 $0x1  }
0x2: {  	[smem:$0x3F97] =	sst lr;
	_ =	strace $0xD0000000  }
0x3: {  	_ = 	snop  }
0x4: {  	_ = 	snop  }
0x5: {  	_ = 	snop  }
0x6: {  	_ = 	snop  }
0x7: {  	_ = 	snop  }
__scs_overlays_trampoline_lowered:
0x8: {  	[smem:$0x3FA6] =	sst s0  }
0x9: {  	[smem:$0x3FA7] =	sst s1  }
0xa: {  	[smem:$0x3FA8] =	sst s2  }
0xb: {  	[smem:$0x3FA9] =	sst s3  }
0xc: {  	[smem:$0x3FAA] =	sst s4  }
0xd: {  	[smem:$0x3FAB] =	sst s5  }
0xe: {  	[smem:$0x3FAC] =	sst s6  }
0xf: {  	[smem:$0x3FAD] =	sst s7  }
0x10: {  	[smem:$0x3FAE] =	sst s8  }
0x11: {  	[smem:$0x3FAF] =	sst s9;
	s0 =	simm.s32 @!p0 $0x0  }
0x12: {  	s1 =	sld [smem:$0x3F95];
	s0 =	simm.s32 @p0 $0x1  }
0x13: {  	[smem:$0x3FB0] =	sst s0;
	s0 =	simm.s32 @!p1 $0x0  }
0x14: {  	s2 =	sld [smem:$0x3F94];
	s0 =	simm.s32 @p1 $0x1  }
0x15: {  	[smem:$0x3FB1] =	sst s0;
	s0 =	simm.s32 @!p2 $0x0  }
0x16: {  	s3 =	sld [smem:$0x3FDB];
	s0 =	simm.s32 @p2 $0x1  }
0x17: {  	s4 =	simm.s32 $0x1BF5;
	[smem:$0x3FB3] =	sst s0  }
0x18: {  	s0 =	sld [smem:$0x3F96];
	_ =	swait.ge [sflag:s4], $0x0  }
0x19: {  	s7 =	sld [smem:$0x3F97]  }
0x1a: {  	s8 =	sadd.s32 $0xFFFFE003, lr  }
0x1b: {  	s9 =	sadd.s32 $0xFFFFFEF7, lr;
	s5 =	simm.s32 $0xFFFFFFFF;
	p2 =	slt.u32 s8, $0xFFFFF086  }
0x1c: {  	p1 =	slt.u32 s9, $0xF7A;
	s5 =	simm.s32 @!p2 $0x0  }
0x1d: {  	s5 =	simm.s32 @p1 $0x1;
	p0 =	seq.s32 s7, s2  }
0x1e: {  	s7 =	smul.u32 @!p0 $0xF7A, s2;
	p2 =	seq.s32 @!p0 s5, $0x0  }
0x1f: {  	s9 =	smul.u32 $0xF7A, s1;
	s8 =	simm.s32 @!p0 $0x1BF5;
	p2 =	por !p2, p0  }
0x20: {  	[sflag:s8] =	ssyncset.s32 @!p0 $0xFFFFF086;
	s6 =	sadd.s32 @!p0 s3, s7;
	s7 =	simm.s32 @!p0 $0x108  }
0x21: {  	s3 =	sadd.s32 s3, s9;
	s6 =	sadd.s32 @!p0 $0x88, s6;
	s7 =	simm.s32 @p2 $0x1082  }
0x22: {  	[simem:s7], [sflag:s8] =	dma.local @!p0 [hbm:s6], $0xF7A  }
0x23: {  	s9 =	sor.u32 $0xD0000000, s2;
	s6 =	simm.s32 $0x108;
	_ =	swait.ge @!p0 [sflag:s8], $0x0  }
0x24: {  	s3 =	sadd.s32 $0x88, s3;
	s6 =	simm.s32 @!p1 $0x1082;
	[sflag:s4] =	ssyncset.s32 $0xFFFFF086  }
0x25: {  	[simem:s6], [sflag:s4] =	dma.local [hbm:s3], $0xF7A  }
0x26: {  	[smem:$0x3F97] =	sst s1;
	(tag) =	ssettag s2;
	_ =	strace s9  }
0x27: {  	s1 =	sld [smem:$0x3FA7]  }
0x28: {  	s2 =	sld [smem:$0x3FA8]  }
0x29: {  	s4 =	sld [smem:$0x3FAA]  }
0x2a: {  	p0 =	seq.s32 s5, $0x0;
	s5 =	sld [smem:$0x3FAB]  }
0x2b: {  	s6 =	sld [smem:$0x3FAC]  }
0x2c: {  	s7 =	sld [smem:$0x3FAD]  }
0x2d: {  	s3 =	simm.s32 $0x108;
	s8 =	sld [smem:$0x3FAE]  }
0x2e: {  	s3 =	simm.s32 @!p0 $0x1082;
	s9 =	sld [smem:$0x3FAF]  }
0x2f: {  	lr =	sadd.s32 s0, s3;
	s0 =	sld [smem:$0x3FA6]  }
0x30: {  	s3 =	sld [smem:$0x3FA9]  }
0x31: {  	[smem:$0x3FB2] =	sst s10  }
0x32: {  	s10 =	sld [smem:$0x3FB0];
	_ =	sdelay $0x3  }
0x33: {  	p0 =	seq.s32 s10, $0x1;
	s10 =	sld [smem:$0x3FB2];
	_ =	sdelay $0x3  }
0x34: {  	[smem:$0x3FB2] =	sst s10  }
0x35: {  	s10 =	sld [smem:$0x3FB1];
	_ =	sdelay $0x3  }
0x36: {  	p1 =	seq.s32 s10, $0x1;
	s10 =	sld [smem:$0x3FB2];
	_ =	sdelay $0x3  }
0x37: {  	[smem:$0x3FB2] =	sst s10  }
0x38: {  	s10 =	sld [smem:$0x3FB3]  }
0x39: {  	_ = 	snop;
	(pc) =	sbr.ind lr, $3  }
0x3a: {  	_ = 	snop  }
0x3b: {  	_ = 	snop  }
0x3c: {  	p2 =	seq.s32 s10, $0x1;
	s10 =	sld [smem:$0x3FB2]  }
0x3d: {  	_ =	shalt  }
0x3e: {  	_ =	shalt  }
0x3f: {  	_ =	shalt  }
0x40: {  	_ =	shalt  }
0x41: {  	_ =	shalt  }
0x42: {  	_ =	shalt  }
0x43: {  	_ =	shalt  }
0x44: {  	_ =	shalt  }
0x45: {  	_ =	shalt  }
0x46: {  	_ =	shalt  }
0x47: {  	_ =	shalt  }
0x48: {  	_ =	shalt  }
0x49: {  	_ =	shalt  }
0x4a: {  	_ =	shalt  }
0x4b: {  	_ =	shalt  }
0x4c: {  	_ =	shalt  }
0x4d: {  	_ =	shalt  }
0x4e: {  	_ =	shalt  }
0x4f: {  	_ =	shalt  }
0x50: {  	_ =	shalt  }
0x51: {  	_ =	shalt  }
0x52: {  	_ =	shalt  }
0x53: {  	_ =	shalt  }
0x54: {  	_ =	shalt  }
0x55: {  	_ =	shalt  }
0x56: {  	_ =	shalt  }
0x57: {  	_ =	shalt  }
0x58: {  	_ =	shalt  }
0x59: {  	_ =	shalt  }
0x5a: {  	_ =	shalt  }
0x5b: {  	_ =	shalt  }
0x5c: {  	_ =	shalt  }
0x5d: {  	_ =	shalt  }
0x5e: {  	_ =	shalt  }
0x5f: {  	_ =	shalt  }
0x60: {  	_ =	shalt  }
0x61: {  	_ =	shalt  }
0x62: {  	_ =	shalt  }
0x63: {  	_ =	shalt  }
0x64: {  	_ =	shalt  }
0x65: {  	_ =	shalt  }
0x66: {  	_ =	shalt  }
0x67: {  	_ =	shalt  }
0x68: {  	_ =	shalt  }
0x69: {  	_ =	shalt  }
0x6a: {  	_ =	shalt  }
0x6b: {  	_ =	shalt  }
0x6c: {  	_ =	shalt  }
0x6d: {  	_ =	shalt  }
0x6e: {  	_ =	shalt  }
0x6f: {  	_ =	shalt  }
0x70: {  	_ =	shalt  }
0x71: {  	_ =	shalt  }
0x72: {  	_ =	shalt  }
0x73: {  	_ =	shalt  }
0x74: {  	_ =	shalt  }
0x75: {  	_ =	shalt  }
0x76: {  	_ =	shalt  }
0x77: {  	_ =	shalt  }
0x78: {  	_ =	shalt  }
0x79: {  	_ =	shalt  }
0x7a: {  	_ =	shalt  }
0x7b: {  	_ =	shalt  }
0x7c: {  	_ =	shalt  }
0x7d: {  	_ =	shalt  }
0x7e: {  	_ =	shalt  }
0x7f: {  	_ =	shalt  }
0x80: {  	_ =	shalt  }
0x81: {  	_ =	shalt  }
0x82: {  	_ =	shalt  }
0x83: {  	_ =	shalt  }
0x84: {  	_ =	shalt  }
0x85: {  	_ =	shalt  }
0x86: {  	_ =	shalt  }
0x87: {  	_ =	shalt  }
.Lfunc_end0:
.L_simem_size_0:
called_computation.1_lowered:
.L_overlay_start_0:
0x88: {  	s2 =	sld [smem:$0x3FD9]  }
0x89: {  	s3 =	sld [smem:$0x3FFE];
	_ =	sdelay $0x1  }
0x8a: {  	s1 =	srdreg.scid  }
0x8b: {  	s0 =	sand.u32 $0x1, s1  }
0x8c: {  	s17 =	sshll.u32 s0, $0xA;
	s2 =	sadd.s32 s3, s2  }
0x8d: {  	s2 =	sadd.s32 s2, s17  }
0x8e: {  	[smem:$0x3FBE] =	sst s2  }
0x8f: {  	_ = 	snop  }
0x90: {  	s18 =	sld [smem:$0x3FC9];
	(tm) =	ssettm $0x1  }
0x91: {  	s19 =	sld [smem:$0x3FFB];
	_ =	sdelay $0x3  }
0x92: {  	_ =	strace s19  }
0x93: {  	s2 =	sld [smem:$0x3FFC];
	_ =	sdelay $0x3  }
0x94: {  	_ =	strace s2  }
0x95: {  	s2 =	sld [smem:$0x3FFD];
	_ =	sdelay $0x3  }
0x96: {  	_ =	strace s2  }
0x97: {  	_ =	strace $0x8FFFFFFF  }
0x98: {  	s20 =	sld [smem:$0x3FDB];
	_ =	sdelay $0x1  }
0x99: {  	s4 =	simm.s32 $_scs_section_size  }
0x9a: {  	s5 =	simm.s32 $_size__tile_overlayer_lowered;
	s6 =	simm.s32 $_tile_overlayer_lowered  }
0x9b: {  	s7 =	simm.s32 $0x1BFF;
	s21 =	sshll.u32 s6, $0x1;
	s4 =	sadd.s32 s4, s20  }
0x9c: {  	s22 =	simm.s32 $0x0;
	s5 =	sshll.u32 s5, $0x1;
	s6 =	sadd.s32 s21, s4  }
0x9d: {  	[timem:s22], [sflag:s7] =	dma.local [hbm:s6], s5  }
0x9e: {  	_ =	swait.ge [sflag:s7], s5  }
0x9f: {  	s5 =	ssub.s32 $0x0, s5;
	[sflag:s7] =	ssyncset.done $0x0  }
0xa0: {  	[sflag:s7] =	ssyncadd.s32 s5;
	_ =	sdelay $0x1  }
0xa1: {  	s23 =	simm.s32 $0x1B8B  }
0xa2: {  	_ =	swait.ge [sflag:s23], $0x1  }
0xa3: {  	[sflag:s23] =	ssyncset.done $0x0  }
0xa4: {  	[sflag:s23] =	ssyncadd.s32 $0xFFFFFFFF  }
0xa5: {  	s5 =	sld [smem:$0x0]  }
0xa6: {  	s6 =	sand.u32 $0xFFFFFFFE, s1  }
0xa7: {  	p0 =	sne.s32 s1, s6  }
0xa8: {  	s6 =	sshll.u32 @p0 s6, $0xE  }
0xa9: {  	s6 =	sadd.s32 @p0 $0x11B8D, s6;
	s7 =	sshll.u32 @p0 s5, $0x11  }
0xaa: {  	s6 =	sor.u32 @p0 s7, s6  }
0xab: {  	[sflag:s6] =	ssyncadd.remote.s32 @p0 $0x1;
	_ =	sdelay $0x1  }
0xac: {  	s6 =	simm.s32 @p0 $0x1B8D  }
0xad: {  	_ =	swait.eq @p0 [sflag:s6], $0x1  }
0xae: {  	[sflag:s6] =	ssyncadd.s32 @p0 $0xFFFFFFFF  }
0xaf: {  	s7 =	sshll.u32 @!p0 s1, $0xE  }
0xb0: {  	s7 =	sor.u32 @!p0 $0x4000, s7;
	s6 =	simm.s32 @!p0 $0x1B8D  }
0xb1: {  	s5 =	sshll.u32 @!p0 s5, $0x11;
	s7 =	sadd.s32 @!p0 $0x11B8D, s7;
	_ =	swait.eq @!p0 [sflag:s6], $0x1  }
0xb2: {  	s5 =	sor.u32 @!p0 s5, s7;
	[sflag:s6] =	ssyncadd.s32 @!p0 $0xFFFFFFFF  }
0xb3: {  	s25 =	simm.s32 $0x1B8E;
	s24 =	sld [smem:$0x3FFE];
	[sflag:s5] =	ssyncadd.remote.s32 @!p0 $0x1  }
0xb4: {  	s26 =	simm.s32 $execute0_lowered;
	[smem:$0x3FD2] =	sst s25  }
0xb5: {  	s6 =	sshll.u32 s26, $0x1;
	_ =	strace $0x80000049;
	[dreg:$0x1] =	wrdreg $0xFFFFFFFF  }
0xb6: {  	s28 =	simm.s32 $_size_execute0_lowered;
	s4 =	sadd.s32 s4, s6;
	[dreg:$0x0] =	wrdreg $0x0  }
0xb7: {  	s6 =	sshll.u32 s28, $0x1;
	[dreg:$0x2] =	wrdreg s4  }
0xb8: {  	[dreg:$0x3] =	wrdreg s6  }
0xb9: {  	[dreg:$0x4] =	wrdreg $0xC0  }
0xba: {  	_ =	task [dreg:s22], $0x5FFFF  }
0xbb: {  	[dreg:$0x1] =	wrdreg $0xFFFFFFFF  }
0xbc: {  	[dreg:$0x0] =	wrdreg $0x60  }
0xbd: {  	[dreg:$0x2] =	wrdreg s18  }
0xbe: {  	[dreg:$0x3] =	wrdreg s24  }
0xbf: {  	[dreg:$0x4] =	wrdreg $0x8B000  }
0xc0: {  	[dreg:$0x5] =	wrdreg $0xA  }
0xc1: {  	_ =	task.clear_ibuf [dreg:s22], $0x6FFFF;
	_ =	strace $0x90000049  }
0xc2: {  	s29 =	simm.s32 $0xA;
	_ =	strace $0x8000004B  }
0xc3: {  	_ =	swait.ge [sflag:s29], $0x1  }
0xc4: {  	[sflag:s29] =	ssyncadd.s32 $0xFFFFFFFF  }
0xc5: {  	_ =	strace $0x9000004B  }
0xc6: {  	_ =	sfence  }
0xc7: {  	s30 =	sld [smem:$0x0];
	_ =	sdelay $0x2  }
0xc8: {  	s31 =	sshll.u32 s1, $0xD;
	s1 =	sshrl.u32 s1, $0x2  }
0xc9: {  	s4 =	sand.u32 $0x4000, s31;
	s1 =	sadd.s32 s1, s30  }
0xca: {  	s0 =	sor.u32 s4, s0;
	s1 =	sshll.u32 s1, $0x11  }
0xcb: {  	s0 =	sor.u32 s1, s0  }
0xcc: {  	s0 =	sadd.s32 $0x8F2B, s0  }
0xcd: {  	[sflag:s0] =	ssyncadd.remote.s32 $0x1  }
0xce: {  	_ =	sfence.sel $0xFFFF  }
0xcf: {  	[dreg:$0x0] =	wrdreg $0xFFFFFFFF;
	(pc) =	sbr.abs _section_cstart, $3  }
0xd0: {  	[dreg:$0x1] =	wrdreg $0xFFFFFFFF  }
0xd1: {  	_ =	task.clear_ibuf [dreg:s22], $0x2FFFF;
	_ =	strace $0x9FFFFFFF  }
0xd2: {  	(tm) =	ssettm $0x7FFFFFFF  }
0xd3: {  	_ =	shalt  }
tec
execute0_lowered:
.L_overlay_start_1:
0x0: {  	(tag) =	ssettag $0x1  }
0x1: {  	s1 =	rddreg [dreg:$0x0]  }
0x2: {  	s0 =	rddreg [dreg:$0x1]  }
0x3: {  	s2 =	rddreg [dreg:$0x2]  }
0x4: {  	s4 =	simm.s32 $0x0;
	s3 =	srdreg.scid;
	s12 =	stileid.u32  }
0x5: {  	s28 =	simm.s32 $0x180;
	s29 =	simm.s32 $0x4;
	s30 =	simm.s32 $0x6  }
0x6: {  	s31 =	simm.s32 $0x4200;
	[smem:$0x7FF] =	sst s4;
	s3 =	sand.u32 $0x1, s3  }
0x7: {  	s7 =	smul.u32 $0x2700, s12;
	s5 =	sadd.s32 $0xC200, s0;
	s6 =	sadd.s32 $0x2400, s0  }
0x8: {  	s9 =	sadd.s32 $0x16000, s0;
	s15 =	sshll.u32 s12, $0x1;
	s10 =	smul.u32 $0x4E000, s12  }
0x9: {  	s18 =	sshll.u32 s12, $0x6;
	s19 =	smul.u32 $0x4E20, s12;
	_ =	strace $0x8000004A  }
0xa: {  	s8 =	smul.u32 $0x27100, s3;
	[dreg:$0x4] =	wrdreg s9;
	s16 =	ssub.s32 $0x2, s3  }
0xb: {  	s9 =	sor.u32 s3, s15;
	s3 =	smul.u32 $0x2710, s3;
	s11 =	sshrl.u32 s16, $0x1  }
0xc: {  	s10 =	sshrl.u32 s10, $0x2;
	s9 =	smul.u32 $0x2710, s9;
	s7 =	sadd.s32 s7, s8  }
0xd: {  	s17 =	ssub.s32 s16, s11;
	s10 =	sadd.s32 s10, s2;
	s8 =	sor.u32 $0x1C07, s18  }
0xe: {  	s3 =	sadd.s32 s3, s19;
	s11 =	simm.s32 $0x8300;
	s0 =	sadd.s32 s7, s0  }
0xf: {  	s9 =	sshrl.u32 s9, $0x3;
	s24 =	sadd.s32 $0x180, s3;
	s25 =	smax.u32 s17, $0x1  }
0x10: {  	s19 =	sadd.s32 $0x100, s3;
	s3 =	simm.s32 $0x2;
	s20 =	sadd.s32 $0x10, s9  }
0x11: {  	s13 =	sadd.s32 s5, s9;
	s21 =	sadd.s32 s6, s9;
	s9 =	sadd.s32 $0x4E0, s9  }
0x12: {  	s0 =	sadd.s32 $0x18800, s0;
	[dreg:$0xc] =	wrdreg s25;
	s26 =	sshrl.u32 s24, $0x3  }
0x13: {  	s24 =	simm.s32 $0x5;
	s25 =	simm.s32 $0x80;
	[dreg:$0x5] =	wrdreg s13  }
0x14: {  	[dreg:$0x6] =	wrdreg s21;
	s22 =	sadd.s32 s5, s20;
	s12 =	sadd.s32 s6, s20  }
0x15: {  	s23 =	sadd.s32 s5, s9;
	s9 =	sadd.s32 s6, s9;
	[dreg:$0xb] =	wrdreg s0  }
0x16: {  	s17 =	sadd.s32 s26, s6;
	s18 =	sadd.s32 s26, s5;
	[dreg:$0x7] =	wrdreg s22  }
0x17: {  	s20 =	sshrl.u32 s10, $0x3;
	s21 =	simm.s32 $0x7;
	[dreg:$0x8] =	wrdreg s12  }
0x18: {  	s26 =	simm.s32 $0x200;
	s0 =	simm.s32 $0x1;
	[dreg:$0x9] =	wrdreg s23  }
0x19: {  	s10 =	simm.s32 $0x10;
	[dreg:$0xa] =	wrdreg s9;
	s22 =	simm.s32 $0x100  }
0x1a: {  	s23 =	simm.s32 $0x3;
	s9 =	simm.s32 $0x8280;
	s12 =	simm.s32 $0x0  }
.LBB2_1:
0x1b: {  	s7 =	rddreg [dreg:$0x4]  }
0x1c: {  	[spmem:s20], [sflag:s8] =	dma.local [hbm:s7], $0x2800  }
0x1d: {  	_ =	swait.ge [sflag:s21], $0x2800  }
0x1e: {  	[sflag:s21] =	ssyncset.done $0x0  }
0x1f: {  	[sflag:s21] =	ssyncadd.s32 $0xFFFFD800  }
0x20: {  	[bflag:$0x0] =	sbarrier.arrive $0xFFFF  }
0x21: {  	s16 =	rddreg [dreg:$0x5]  }
0x22: {  	[tilespmem:s4], [sflag:$0x3] =	stream.linear.gather [hbm4b:s16+s4], $0x80, $0x38;
	[tilespmem:$0x1C380] =	vst v63  }
0x23: {  	s13 =	rddreg [dreg:$0x6]  }
0x24: {  	[tilespmem:s22], [sflag:$0x5] =	stream.linear.gather [hbm4b:s13+s4], $0x80, $0x38;
	[tilespmem:$0x1C380] =	vst v63  }
0x25: {  	_ =	swait.ge [sflag:s23], $0x80  }
0x26: {  	[sflag:s23] =	ssyncset.done $0x0  }
0x27: {  	[sflag:s23] =	ssyncadd.s32 $0xFFFFFF80  }
0x28: {  	_ =	swait.ge [sflag:s24], $0x80  }
0x29: {  	[sflag:s24] =	ssyncset.done $0x0  }
0x2a: {  	[sflag:s24] =	ssyncadd.s32 $0xFFFFFF80  }
0x2b: {  	[tilespmem:s26], [sflag:$0x1] =	stream.indirect.gather [hbm4b:s1+s25], $0x80, s4, s25, $0xb8;
	[tilespmem:$0x1C380] =	vst v63  }
0x2c: {  	s14 =	rddreg [dreg:$0x7]  }
0x2d: {  	[tilespmem:s25], [sflag:$0x4] =	stream.linear.gather [hbm4b:s14+s4], $0x80, $0x38;
	[tilespmem:$0x1C380] =	vst v63  }
0x2e: {  	s15 =	rddreg [dreg:$0x8]  }
0x2f: {  	[tilespmem:s28], [sflag:$0x6] =	stream.linear.gather [hbm4b:s15+s4], $0x80, $0x38;
	[tilespmem:$0x1C380] =	vst v63  }
0x30: {  	_ =	swait.ge [sflag:s29], $0x80  }
0x31: {  	[sflag:s29] =	ssyncset.done $0x0  }
0x32: {  	[sflag:s29] =	ssyncadd.s32 $0xFFFFFF80  }
0x33: {  	_ =	swait.ge [sflag:s30], $0x80  }
0x34: {  	[sflag:s30] =	ssyncset.done $0x0  }
0x35: {  	[sflag:s30] =	ssyncadd.s32 $0xFFFFFF80  }
0x36: {  	[tilespmem:s31], [sflag:$0x2] =	stream.indirect.gather [hbm4b:s1+s25], $0x80, s25, s25, $0xb8;
	[tilespmem:$0x1C380] =	vst v63  }
0x37: {  	_ =	swait.ge [sflag:s0], $0x4000  }
0x38: {  	[sflag:s0] =	ssyncset.done $0x0  }
0x39: {  	[sflag:s0] =	ssyncadd.s32 $0xFFFFC000  }
0x3a: {  	[spmem:s2] =	stream.indirect.scatter.add.f32 [tilespmem:s26], [sflag:$0x7], $0x80, s22, s25, $0xb8;
	[tilespmem:$0x1C380] =	vst v63  }
0x3b: {  	_ =	swait.ge [sflag:s21], $0x4000  }
0x3c: {  	s13 =	sshrl.u32 s19, $0x3;
	[sflag:s21] =	ssyncset.done $0x0  }
0x3d: {  	s14 =	sadd.s32 s5, s13;
	[sflag:s21] =	ssyncadd.s32 $0xFFFFC000  }
0x3e: {  	[tilespmem:s4], [sflag:$0x3] =	stream.linear.gather [hbm4b:s14+s4], $0x80, $0x38;
	[tilespmem:$0x1C380] =	vst v63  }
0x3f: {  	s13 =	sadd.s32 s6, s13  }
0x40: {  	[tilespmem:s22], [sflag:$0x5] =	stream.linear.gather [hbm4b:s13+s4], $0x80, $0x38;
	[tilespmem:$0x1C380] =	vst v63  }
0x41: {  	_ =	swait.ge [sflag:s23], $0x80  }
0x42: {  	[sflag:s23] =	ssyncset.done $0x0  }
0x43: {  	[sflag:s23] =	ssyncadd.s32 $0xFFFFFF80  }
0x44: {  	_ =	swait.ge [sflag:s24], $0x80  }
0x45: {  	[sflag:s24] =	ssyncset.done $0x0  }
0x46: {  	[sflag:s24] =	ssyncadd.s32 $0xFFFFFF80  }
0x47: {  	[tilespmem:s26], [sflag:$0x1] =	stream.indirect.gather [hbm4b:s1+s25], $0x80, s4, s25, $0xb8;
	[tilespmem:$0x1C380] =	vst v63  }
0x48: {  	_ =	swait.ge [sflag:s3], $0x4000  }
0x49: {  	[sflag:s3] =	ssyncset.done $0x0  }
0x4a: {  	[sflag:s3] =	ssyncadd.s32 $0xFFFFC000  }
0x4b: {  	[spmem:s2] =	stream.indirect.scatter.add.f32 [tilespmem:s31], [sflag:$0x7], $0x80, s28, s25, $0xb8;
	[tilespmem:$0x1C380] =	vst v63  }
0x4c: {  	_ =	swait.ge [sflag:s21], $0x4000  }
0x4d: {  	s16 =	sadd.s32 $0x0, s18;
	s15 =	sadd.s32 $0x0, s17;
	[sflag:s21] =	ssyncset.done $0x0  }
0x4e: {  	s14 =	sadd.s32 $0x100, s19;
	s13 =	simm.s32 $0x20;
	[sflag:s21] =	ssyncadd.s32 $0xFFFFC000  }
0x4f: {  	[tilespmem:s25], [sflag:$0x4] =	stream.linear.gather [hbm4b:s16+s4], $0x80, $0x38;
	[tilespmem:$0x1C380] =	vst v63  }
.LBB2_2:
0x50: {  	[tilespmem:s28], [sflag:$0x6] =	stream.linear.gather [hbm4b:s15+s4], $0x80, $0x38;
	[tilespmem:$0x1C380] =	vst v63  }
0x51: {  	s15 =	smov.u32 s13  }
0x52: {  	p0 =	sne.s32 s13, $0x4A0;
	s13 =	sadd.s32 $0x20, s13;
	_ =	swait.ge [sflag:s29], $0x80  }
0x53: {  	[sflag:s29] =	ssyncset.done $0x0  }
0x54: {  	[sflag:s29] =	ssyncadd.s32 $0xFFFFFF80  }
0x55: {  	_ =	swait.ge [sflag:s30], $0x80  }
0x56: {  	[sflag:s30] =	ssyncset.done $0x0  }
0x57: {  	[sflag:s30] =	ssyncadd.s32 $0xFFFFFF80  }
0x58: {  	[tilespmem:s31], [sflag:$0x2] =	stream.indirect.gather [hbm4b:s1+s25], $0x80, s25, s25, $0xb8;
	[tilespmem:$0x1C380] =	vst v63  }
0x59: {  	_ =	swait.ge [sflag:s0], $0x4000  }
0x5a: {  	[sflag:s0] =	ssyncset.done $0x0  }
0x5b: {  	[sflag:s0] =	ssyncadd.s32 $0xFFFFC000  }
0x5c: {  	[spmem:s2] =	stream.indirect.scatter.add.f32 [tilespmem:s26], [sflag:$0x7], $0x80, s22, s25, $0xb8;
	[tilespmem:$0x1C380] =	vst v63  }
0x5d: {  	_ =	swait.ge [sflag:s21], $0x4000  }
0x5e: {  	s16 =	sshrl.u32 s14, $0x3;
	[sflag:s21] =	ssyncset.done $0x0  }
0x5f: {  	s7 =	sadd.s32 s5, s16;
	[sflag:s21] =	ssyncadd.s32 $0xFFFFC000  }
0x60: {  	[tilespmem:s4], [sflag:$0x3] =	stream.linear.gather [hbm4b:s7+s4], $0x80, $0x38;
	[tilespmem:$0x1C380] =	vst v63  }
0x61: {  	s7 =	sadd.s32 s6, s16  }
0x62: {  	[tilespmem:s22], [sflag:$0x5] =	stream.linear.gather [hbm4b:s7+s4], $0x80, $0x38;
	[tilespmem:$0x1C380] =	vst v63  }
0x63: {  	_ =	swait.ge [sflag:s23], $0x80  }
0x64: {  	[sflag:s23] =	ssyncset.done $0x0  }
0x65: {  	[sflag:s23] =	ssyncadd.s32 $0xFFFFFF80  }
0x66: {  	_ =	swait.ge [sflag:s24], $0x80  }
0x67: {  	[sflag:s24] =	ssyncset.done $0x0  }
0x68: {  	[sflag:s24] =	ssyncadd.s32 $0xFFFFFF80  }
0x69: {  	[tilespmem:s26], [sflag:$0x1] =	stream.indirect.gather [hbm4b:s1+s25], $0x80, s4, s25, $0xb8;
	[tilespmem:$0x1C380] =	vst v63  }
0x6a: {  	_ =	swait.ge [sflag:s3], $0x4000  }
0x6b: {  	[sflag:s3] =	ssyncset.done $0x0  }
0x6c: {  	[sflag:s3] =	ssyncadd.s32 $0xFFFFC000  }
0x6d: {  	[spmem:s2] =	stream.indirect.scatter.add.f32 [tilespmem:s31], [sflag:$0x7], $0x80, s28, s25, $0xb8;
	[tilespmem:$0x1C380] =	vst v63  }
.Ltmp0:
0x6e: {  	_ =	swait.ge [sflag:s21], $0x4000;
	(pc) =	sbr.rel @p0 .LBB2_2-.Ltmp0, $4  }
0x6f: {  	[sflag:s21] =	ssyncset.done $0x0  }
0x70: {  	s7 =	sadd.s32 s15, s18;
	[sflag:s21] =	ssyncadd.s32 $0xFFFFC000  }
0x71: {  	[tilespmem:s25], [sflag:$0x4] =	stream.linear.gather [hbm4b:s7+s4], $0x80, $0x38;
	[tilespmem:$0x1C380] =	vst v63  }
0x72: {  	s14 =	sadd.s32 $0x100, s14;
	s15 =	sadd.s32 s15, s17  }
0x73: {  	[tilespmem:s28], [sflag:$0x6] =	stream.linear.gather [hbm4b:s15+s4], $0x80, $0x38;
	[tilespmem:$0x1C380] =	vst v63  }
0x74: {  	_ =	swait.ge [sflag:s29], $0x80  }
0x75: {  	[sflag:s29] =	ssyncset.done $0x0  }
0x76: {  	[sflag:s29] =	ssyncadd.s32 $0xFFFFFF80  }
0x77: {  	_ =	swait.ge [sflag:s30], $0x80  }
0x78: {  	[sflag:s30] =	ssyncset.done $0x0  }
0x79: {  	[sflag:s30] =	ssyncadd.s32 $0xFFFFFF80  }
0x7a: {  	[tilespmem:s31], [sflag:$0x2] =	stream.indirect.gather [hbm4b:s1+s25], $0x80, s25, s25, $0xb8;
	[tilespmem:$0x1C380] =	vst v63  }
0x7b: {  	_ =	swait.ge [sflag:s0], $0x4000  }
0x7c: {  	[sflag:s0] =	ssyncset.done $0x0  }
0x7d: {  	[sflag:s0] =	ssyncadd.s32 $0xFFFFC000  }
0x7e: {  	[spmem:s2] =	stream.indirect.scatter.add.f32 [tilespmem:s26], [sflag:$0x7], $0x80, s22, s25, $0xb8;
	[tilespmem:$0x1C380] =	vst v63  }
0x7f: {  	_ =	swait.ge [sflag:s21], $0x4000  }
0x80: {  	[sflag:s21] =	ssyncset.done $0x0  }
0x81: {  	[sflag:s21] =	ssyncadd.s32 $0xFFFFC000  }
0x82: {  	_ =	swait.ge [sflag:s3], $0x4000  }
0x83: {  	[sflag:s3] =	ssyncset.done $0x0  }
0x84: {  	[sflag:s3] =	ssyncadd.s32 $0xFFFFC000  }
0x85: {  	[spmem:s2] =	stream.indirect.scatter.add.f32 [tilespmem:s31], [sflag:$0x7], $0x80, s28, s25, $0xb8;
	[tilespmem:$0x1C380] =	vst v63  }
0x86: {  	_ =	swait.ge [sflag:s21], $0x4000  }
0x87: {  	[sflag:s21] =	ssyncset.done $0x0  }
0x88: {  	s13 =	simm.s32 $0x8200;
	s7 =	rddreg [dreg:$0x9];
	[sflag:s21] =	ssyncadd.s32 $0xFFFFC000  }
0x89: {  	[tilespmem:s13], [sflag:$0x7] =	stream.linear.gather [hbm4b:s7+s4], $0x10, $0x38;
	[tilespmem:$0x1C380] =	vst v63  }
0x8a: {  	_ =	swait.ge [sflag:s21], $0x10  }
0x8b: {  	[sflag:s21] =	ssyncset.done $0x0  }
0x8c: {  	s14 =	rddreg [dreg:$0xa];
	[sflag:s21] =	ssyncadd.s32 $0xFFFFFFF0  }
0x8d: {  	[tilespmem:s9], [sflag:$0x7] =	stream.linear.gather [hbm4b:s14+s4], $0x10, $0x38;
	[tilespmem:$0x1C380] =	vst v63  }
0x8e: {  	_ =	swait.ge [sflag:s21], $0x10  }
0x8f: {  	[sflag:s21] =	ssyncset.done $0x0  }
0x90: {  	[sflag:s21] =	ssyncadd.s32 $0xFFFFFFF0  }
0x91: {  	[tilespmem:s11], [sflag:$0x1] =	stream.indirect.gather [hbm4b:s1+s10], $0x80, s13, s10, $0xb8;
	[tilespmem:$0x1C380] =	vst v63  }
0x92: {  	_ =	swait.ge [sflag:s0], $0x800  }
0x93: {  	[sflag:s0] =	ssyncset.done $0x0  }
0x94: {  	[sflag:s0] =	ssyncadd.s32 $0xFFFFF800  }
0x95: {  	[spmem:s2] =	stream.indirect.scatter.add.f32 [tilespmem:s11], [sflag:$0x7], $0x80, s9, s10, $0xb8;
	[tilespmem:$0x1C380] =	vst v63  }
0x96: {  	_ =	swait.ge [sflag:s21], $0x800  }
0x97: {  	[sflag:s21] =	ssyncset.done $0x0  }
0x98: {  	[sflag:s21] =	ssyncadd.s32 $0xFFFFF800  }
0x99: {  	[bflag:$0x0] =	sbarrier.arrive $0xFFFF  }
0x9a: {  	s15 =	rddreg [dreg:$0xb]  }
0x9b: {  	[hbm:s15], [sflag:s8] =	dma.local [spmem:s20], $0x2800  }
0x9c: {  	_ =	swait.ge [sflag:s21], $0x2800  }
0x9d: {  	s12 =	sadd.s32 $0x1, s12;
	s16 =	rddreg [dreg:$0xc]  }
0x9e: {  	p0 =	sne.s32 s12, s16  }
.Ltmp1:
0x9f: {  	_ = 	snop;
	(pc) =	sbr.rel @p0 .LBB2_1-.Ltmp1, $3  }
0xa0: {  	_ =	sdelay $0x1  }
0xa1: {  	[sflag:s21] =	ssyncset.done $0x0  }
0xa2: {  	[sflag:s21] =	ssyncadd.s32 $0xFFFFD800  }
0xa3: {  	_ =	sfence.sel $0x180000  }
0xa4: {  	[bflag:$0x0] =	sbarrier.arrive $0xFFFF  }
0xa5: {  	_ =	strace $0x9000004A  }
0xa6: {  	s0 =	stileid.u32;
	[bflag:$0x2] =	sbarrier.arrive $0xFFFF  }
0xa7: {  	p0 =	sne.s32 s0, $0x0;
	s0 =	rddreg [dreg:$0x3]  }
0xa8: {  	s0 =	sadd.s32 @!p0 $0x100000, s0  }
0xa9: {  	[sflag:s0] =	ssyncadd.tile.s32 @!p0 $0x1;
	_ =	shalt  }
.Lfunc_end2:
_tile_overlayer_lowered:
.L_overlay_start_2:
0xaa: {  	(tag) =	ssettag $0x2  }
0xab: {  	s0 =	rddreg [dreg:$0x0];
	s2 =	stileid.u32  }
0xac: {  	s1 =	rddreg [dreg:$0x1];
	p0 =	sne.s32 s2, $0x0  }
0xad: {  	s3 =	rddreg [dreg:$0x2];
	[bflag:$0x3] =	sbarrier.arrive $0xFFFF;
	s2 =	simm.s32 @!p0 $0x1C07  }
0xae: {  	[timem:s3], [sflag:s2] =	dma.local @!p0 [hbm:s0], s1  }
0xaf: {  	s0 =	simm.s32 @!p0 $0x7  }
0xb0: {  	_ =	swait.ge @!p0 [sflag:s0], s1  }
0xb1: {  	s1 =	ssub.s32 @!p0 $0x0, s1;
	[sflag:s0] =	ssyncset.done @!p0 $0x0  }
0xb2: {  	[sflag:s0] =	ssyncadd.s32 @!p0 s1  }
0xb3: {  	[bflag:$0x3] =	sbarrier.arrive $0xFFFF  }
0xb4: {  	_ =	shalt  }

// kernel: kernel.14.cloned.1.call-start
scs
__scs_entry_jumppad:
0x0: {  	(pc) =	sbr.rel $0x88, $3  }
0x1: {  	(tag) =	ssettag $0x0;
	lr =	simm.s32 $0x1  }
0x2: {  	[smem:$0x3F97] =	sst lr;
	_ =	strace $0xD0000000  }
0x3: {  	_ = 	snop  }
0x4: {  	_ = 	snop  }
0x5: {  	_ = 	snop  }
0x6: {  	_ = 	snop  }
0x7: {  	_ = 	snop  }
__scs_overlays_trampoline_lowered:
0x8: {  	[smem:$0x3FA6] =	sst s0  }
0x9: {  	[smem:$0x3FA7] =	sst s1  }
0xa: {  	[smem:$0x3FA8] =	sst s2  }
0xb: {  	[smem:$0x3FA9] =	sst s3  }
0xc: {  	[smem:$0x3FAA] =	sst s4  }
0xd: {  	[smem:$0x3FAB] =	sst s5  }
0xe: {  	[smem:$0x3FAC] =	sst s6  }
0xf: {  	[smem:$0x3FAD] =	sst s7  }
0x10: {  	[smem:$0x3FAE] =	sst s8  }
0x11: {  	[smem:$0x3FAF] =	sst s9;
	s0 =	simm.s32 @!p0 $0x0  }
0x12: {  	s1 =	sld [smem:$0x3F95];
	s0 =	simm.s32 @p0 $0x1  }
0x13: {  	[smem:$0x3FB0] =	sst s0;
	s0 =	simm.s32 @!p1 $0x0  }
0x14: {  	s2 =	sld [smem:$0x3F94];
	s0 =	simm.s32 @p1 $0x1  }
0x15: {  	[smem:$0x3FB1] =	sst s0;
	s0 =	simm.s32 @!p2 $0x0  }
0x16: {  	s3 =	sld [smem:$0x3FDB];
	s0 =	simm.s32 @p2 $0x1  }
0x17: {  	s4 =	simm.s32 $0x1BF5;
	[smem:$0x3FB3] =	sst s0  }
0x18: {  	s0 =	sld [smem:$0x3F96];
	_ =	swait.ge [sflag:s4], $0x0  }
0x19: {  	s7 =	sld [smem:$0x3F97]  }
0x1a: {  	s8 =	sadd.s32 $0xFFFFE003, lr  }
0x1b: {  	s9 =	sadd.s32 $0xFFFFFEF7, lr;
	s5 =	simm.s32 $0xFFFFFFFF;
	p2 =	slt.u32 s8, $0xFFFFF086  }
0x1c: {  	p1 =	slt.u32 s9, $0xF7A;
	s5 =	simm.s32 @!p2 $0x0  }
0x1d: {  	s5 =	simm.s32 @p1 $0x1;
	p0 =	seq.s32 s7, s2  }
0x1e: {  	s7 =	smul.u32 @!p0 $0xF7A, s2;
	p2 =	seq.s32 @!p0 s5, $0x0  }
0x1f: {  	s9 =	smul.u32 $0xF7A, s1;
	s8 =	simm.s32 @!p0 $0x1BF5;
	p2 =	por !p2, p0  }
0x20: {  	[sflag:s8] =	ssyncset.s32 @!p0 $0xFFFFF086;
	s6 =	sadd.s32 @!p0 s3, s7;
	s7 =	simm.s32 @!p0 $0x108  }
0x21: {  	s3 =	sadd.s32 s3, s9;
	s6 =	sadd.s32 @!p0 $0x88, s6;
	s7 =	simm.s32 @p2 $0x1082  }
0x22: {  	[simem:s7], [sflag:s8] =	dma.local @!p0 [hbm:s6], $0xF7A  }
0x23: {  	s9 =	sor.u32 $0xD0000000, s2;
	s6 =	simm.s32 $0x108;
	_ =	swait.ge @!p0 [sflag:s8], $0x0  }
0x24: {  	s3 =	sadd.s32 $0x88, s3;
	s6 =	simm.s32 @!p1 $0x1082;
	[sflag:s4] =	ssyncset.s32 $0xFFFFF086  }
0x25: {  	[simem:s6], [sflag:s4] =	dma.local [hbm:s3], $0xF7A  }
0x26: {  	[smem:$0x3F97] =	sst s1;
	(tag) =	ssettag s2;
	_ =	strace s9  }
0x27: {  	s1 =	sld [smem:$0x3FA7]  }
0x28: {  	s2 =	sld [smem:$0x3FA8]  }
0x29: {  	s4 =	sld [smem:$0x3FAA]  }
0x2a: {  	p0 =	seq.s32 s5, $0x0;
	s5 =	sld [smem:$0x3FAB]  }
0x2b: {  	s6 =	sld [smem:$0x3FAC]  }
0x2c: {  	s7 =	sld [smem:$0x3FAD]  }
0x2d: {  	s3 =	simm.s32 $0x108;
	s8 =	sld [smem:$0x3FAE]  }
0x2e: {  	s3 =	simm.s32 @!p0 $0x1082;
	s9 =	sld [smem:$0x3FAF]  }
0x2f: {  	lr =	sadd.s32 s0, s3;
	s0 =	sld [smem:$0x3FA6]  }
0x30: {  	s3 =	sld [smem:$0x3FA9]  }
0x31: {  	[smem:$0x3FB2] =	sst s10  }
0x32: {  	s10 =	sld [smem:$0x3FB0];
	_ =	sdelay $0x3  }
0x33: {  	p0 =	seq.s32 s10, $0x1;
	s10 =	sld [smem:$0x3FB2];
	_ =	sdelay $0x3  }
0x34: {  	[smem:$0x3FB2] =	sst s10  }
0x35: {  	s10 =	sld [smem:$0x3FB1];
	_ =	sdelay $0x3  }
0x36: {  	p1 =	seq.s32 s10, $0x1;
	s10 =	sld [smem:$0x3FB2];
	_ =	sdelay $0x3  }
0x37: {  	[smem:$0x3FB2] =	sst s10  }
0x38: {  	s10 =	sld [smem:$0x3FB3]  }
0x39: {  	_ = 	snop;
	(pc) =	sbr.ind lr, $3  }
0x3a: {  	_ = 	snop  }
0x3b: {  	_ = 	snop  }
0x3c: {  	p2 =	seq.s32 s10, $0x1;
	s10 =	sld [smem:$0x3FB2]  }
0x3d: {  	_ =	shalt  }
0x3e: {  	_ =	shalt  }
0x3f: {  	_ =	shalt  }
0x40: {  	_ =	shalt  }
0x41: {  	_ =	shalt  }
0x42: {  	_ =	shalt  }
0x43: {  	_ =	shalt  }
0x44: {  	_ =	shalt  }
0x45: {  	_ =	shalt  }
0x46: {  	_ =	shalt  }
0x47: {  	_ =	shalt  }
0x48: {  	_ =	shalt  }
0x49: {  	_ =	shalt  }
0x4a: {  	_ =	shalt  }
0x4b: {  	_ =	shalt  }
0x4c: {  	_ =	shalt  }
0x4d: {  	_ =	shalt  }
0x4e: {  	_ =	shalt  }
0x4f: {  	_ =	shalt  }
0x50: {  	_ =	shalt  }
0x51: {  	_ =	shalt  }
0x52: {  	_ =	shalt  }
0x53: {  	_ =	shalt  }
0x54: {  	_ =	shalt  }
0x55: {  	_ =	shalt  }
0x56: {  	_ =	shalt  }
0x57: {  	_ =	shalt  }
0x58: {  	_ =	shalt  }
0x59: {  	_ =	shalt  }
0x5a: {  	_ =	shalt  }
0x5b: {  	_ =	shalt  }
0x5c: {  	_ =	shalt  }
0x5d: {  	_ =	shalt  }
0x5e: {  	_ =	shalt  }
0x5f: {  	_ =	shalt  }
0x60: {  	_ =	shalt  }
0x61: {  	_ =	shalt  }
0x62: {  	_ =	shalt  }
0x63: {  	_ =	shalt  }
0x64: {  	_ =	shalt  }
0x65: {  	_ =	shalt  }
0x66: {  	_ =	shalt  }
0x67: {  	_ =	shalt  }
0x68: {  	_ =	shalt  }
0x69: {  	_ =	shalt  }
0x6a: {  	_ =	shalt  }
0x6b: {  	_ =	shalt  }
0x6c: {  	_ =	shalt  }
0x6d: {  	_ =	shalt  }
0x6e: {  	_ =	shalt  }
0x6f: {  	_ =	shalt  }
0x70: {  	_ =	shalt  }
0x71: {  	_ =	shalt  }
0x72: {  	_ =	shalt  }
0x73: {  	_ =	shalt  }
0x74: {  	_ =	shalt  }
0x75: {  	_ =	shalt  }
0x76: {  	_ =	shalt  }
0x77: {  	_ =	shalt  }
0x78: {  	_ =	shalt  }
0x79: {  	_ =	shalt  }
0x7a: {  	_ =	shalt  }
0x7b: {  	_ =	shalt  }
0x7c: {  	_ =	shalt  }
0x7d: {  	_ =	shalt  }
0x7e: {  	_ =	shalt  }
0x7f: {  	_ =	shalt  }
0x80: {  	_ =	shalt  }
0x81: {  	_ =	shalt  }
0x82: {  	_ =	shalt  }
0x83: {  	_ =	shalt  }
0x84: {  	_ =	shalt  }
0x85: {  	_ =	shalt  }
0x86: {  	_ =	shalt  }
0x87: {  	_ =	shalt  }
.Lfunc_end0:
.L_simem_size_0:
called_computation.2_lowered:
.L_overlay_start_0:
0x88: {  	s2 =	sld [smem:$0x3FD9]  }
0x89: {  	s3 =	sld [smem:$0x3FFE];
	_ =	sdelay $0x1  }
0x8a: {  	s1 =	srdreg.scid  }
0x8b: {  	s0 =	sand.u32 $0x1, s1  }
0x8c: {  	s17 =	sshll.u32 s0, $0xA;
	s2 =	sadd.s32 s3, s2  }
0x8d: {  	s2 =	sadd.s32 s2, s17  }
0x8e: {  	[smem:$0x3FBE] =	sst s2  }
0x8f: {  	_ = 	snop  }
0x90: {  	s2 =	sld [smem:$0x3FD0];
	(tm) =	ssettm $0x1  }
0x91: {  	s18 =	sld [smem:$0x3FFB];
	_ =	sdelay $0x3  }
0x92: {  	_ =	strace s18  }
0x93: {  	s3 =	sld [smem:$0x3FFC];
	_ =	sdelay $0x3  }
0x94: {  	_ =	strace s3  }
0x95: {  	s3 =	sld [smem:$0x3FFD];
	_ =	sdelay $0x3  }
0x96: {  	_ =	strace s3  }
0x97: {  	_ =	strace $0x8FFFFFFF  }
0x98: {  	s19 =	sld [smem:$0x3FDB];
	_ =	sdelay $0x1  }
0x99: {  	s4 =	simm.s32 $_scs_section_size  }
0x9a: {  	s5 =	simm.s32 $_size__tile_overlayer_lowered;
	s6 =	simm.s32 $_tile_overlayer_lowered  }
0x9b: {  	s22 =	simm.s32 $0x1BFF;
	s21 =	sshll.u32 s6, $0x1;
	s3 =	sadd.s32 s4, s19  }
0x9c: {  	s7 =	simm.s32 $0x0;
	s20 =	sshll.u32 s5, $0x1;
	s5 =	sadd.s32 s21, s3  }
0x9d: {  	[timem:s7], [sflag:s22] =	dma.local [hbm:s5], s20  }
0x9e: {  	_ =	swait.ge [sflag:s22], s20  }
0x9f: {  	s4 =	ssub.s32 $0x0, s20;
	[sflag:s22] =	ssyncset.done $0x0  }
0xa0: {  	[sflag:s22] =	ssyncadd.s32 s4;
	_ =	sdelay $0x1  }
0xa1: {  	s23 =	simm.s32 $0x1B8B  }
0xa2: {  	_ =	swait.ge [sflag:s23], $0x1  }
0xa3: {  	[sflag:s23] =	ssyncset.done $0x0  }
0xa4: {  	s25 =	simm.s32 $0x1B8E;
	s24 =	sld [smem:$0x3FFE];
	[sflag:s23] =	ssyncadd.s32 $0xFFFFFFFF  }
0xa5: {  	s26 =	simm.s32 $execute0_lowered;
	[smem:$0x3FD2] =	sst s25  }
0xa6: {  	s5 =	sshll.u32 s26, $0x1;
	_ =	strace $0x8000004C;
	[dreg:$0x1] =	wrdreg $0xFFFFFFFF  }
0xa7: {  	s28 =	simm.s32 $_size_execute0_lowered;
	s3 =	sadd.s32 s3, s5;
	[dreg:$0x0] =	wrdreg $0x0  }
0xa8: {  	s5 =	sshll.u32 s28, $0x1;
	[dreg:$0x2] =	wrdreg s3  }
0xa9: {  	[dreg:$0x3] =	wrdreg s5  }
0xaa: {  	[dreg:$0x4] =	wrdreg $0xC0  }
0xab: {  	_ =	task [dreg:s7], $0x5FFFF  }
0xac: {  	[dreg:$0x1] =	wrdreg $0xFFFFFFFF  }
0xad: {  	[dreg:$0x0] =	wrdreg $0x60  }
0xae: {  	[dreg:$0x2] =	wrdreg s2  }
0xaf: {  	[dreg:$0x3] =	wrdreg s24  }
0xb0: {  	[dreg:$0x4] =	wrdreg $0x8B000  }
0xb1: {  	[dreg:$0x5] =	wrdreg $0x9  }
0xb2: {  	_ =	task.clear_ibuf [dreg:s7], $0x6FFFF;
	_ =	strace $0x9000004C  }
0xb3: {  	s29 =	simm.s32 $0x9;
	_ =	strace $0x8000004E  }
0xb4: {  	_ =	swait.ge [sflag:s29], $0x1  }
0xb5: {  	[sflag:s29] =	ssyncadd.s32 $0xFFFFFFFF  }
0xb6: {  	_ =	strace $0x9000004E  }
0xb7: {  	_ =	sfence  }
0xb8: {  	s30 =	sld [smem:$0x0];
	_ =	sdelay $0x2  }
0xb9: {  	s31 =	sshll.u32 s1, $0xD;
	s1 =	sshrl.u32 s1, $0x2  }
0xba: {  	s3 =	sand.u32 $0x4000, s31;
	s1 =	sadd.s32 s1, s30  }
0xbb: {  	s0 =	sor.u32 s3, s0;
	s1 =	sshll.u32 s1, $0x11  }
0xbc: {  	s0 =	sor.u32 s1, s0  }
0xbd: {  	s0 =	sadd.s32 $0x8F2B, s0  }
0xbe: {  	[sflag:s0] =	ssyncadd.remote.s32 $0x1  }
0xbf: {  	_ =	sfence.sel $0xFFFF  }
0xc0: {  	[dreg:$0x0] =	wrdreg $0xFFFFFFFF;
	(pc) =	sbr.abs _section_cstart, $3  }
0xc1: {  	[dreg:$0x1] =	wrdreg $0xFFFFFFFF  }
0xc2: {  	_ =	task.clear_ibuf [dreg:s7], $0x2FFFF;
	_ =	strace $0x9FFFFFFF  }
0xc3: {  	(tm) =	ssettm $0x7FFFFFFF  }
tec
execute0_lowered:
.L_overlay_start_1:
0x0: {  	(tag) =	ssettag $0x1  }
0x1: {  	s1 =	rddreg [dreg:$0x0]  }
0x2: {  	s0 =	rddreg [dreg:$0x1]  }
0x3: {  	s2 =	rddreg [dreg:$0x2]  }
0x4: {  	s4 =	simm.s32 $0x0;
	s3 =	srdreg.scid;
	s12 =	stileid.u32  }
0x5: {  	s28 =	simm.s32 $0x180;
	s29 =	simm.s32 $0x4;
	s30 =	simm.s32 $0x6  }
0x6: {  	s31 =	simm.s32 $0x4200;
	[smem:$0x7FF] =	sst s4;
	s3 =	sand.u32 $0x1, s3  }
0x7: {  	s7 =	smul.u32 $0x2700, s12;
	s5 =	sadd.s32 $0xC200, s0;
	s6 =	sadd.s32 $0x2400, s0  }
0x8: {  	s9 =	sadd.s32 $0x16000, s0;
	s15 =	sshll.u32 s12, $0x1;
	s10 =	smul.u32 $0x4E000, s12  }
0x9: {  	s18 =	sshll.u32 s12, $0x6;
	s19 =	smul.u32 $0x4E20, s12;
	_ =	strace $0x8000004D  }
0xa: {  	s8 =	smul.u32 $0x27100, s3;
	[dreg:$0x4] =	wrdreg s9;
	s16 =	ssub.s32 $0x2, s3  }
0xb: {  	s9 =	sor.u32 s3, s15;
	s3 =	smul.u32 $0x2710, s3;
	s11 =	sshrl.u32 s16, $0x1  }
0xc: {  	s10 =	sshrl.u32 s10, $0x2;
	s9 =	smul.u32 $0x2710, s9;
	s7 =	sadd.s32 s7, s8  }
0xd: {  	s17 =	ssub.s32 s16, s11;
	s10 =	sadd.s32 s10, s2;
	s8 =	sor.u32 $0x1C07, s18  }
0xe: {  	s3 =	sadd.s32 s3, s19;
	s11 =	simm.s32 $0x8300;
	s0 =	sadd.s32 s7, s0  }
0xf: {  	s9 =	sshrl.u32 s9, $0x3;
	s24 =	sadd.s32 $0x180, s3;
	s25 =	smax.u32 s17, $0x1  }
0x10: {  	s19 =	sadd.s32 $0x100, s3;
	s3 =	simm.s32 $0x2;
	s20 =	sadd.s32 $0x10, s9  }
0x11: {  	s13 =	sadd.s32 s5, s9;
	s21 =	sadd.s32 s6, s9;
	s9 =	sadd.s32 $0x4E0, s9  }
0x12: {  	s0 =	sadd.s32 $0x18800, s0;
	[dreg:$0xc] =	wrdreg s25;
	s26 =	sshrl.u32 s24, $0x3  }
0x13: {  	s24 =	simm.s32 $0x5;
	s25 =	simm.s32 $0x80;
	[dreg:$0x5] =	wrdreg s13  }
0x14: {  	[dreg:$0x6] =	wrdreg s21;
	s22 =	sadd.s32 s5, s20;
	s12 =	sadd.s32 s6, s20  }
0x15: {  	s23 =	sadd.s32 s5, s9;
	s9 =	sadd.s32 s6, s9;
	[dreg:$0xb] =	wrdreg s0  }
0x16: {  	s17 =	sadd.s32 s26, s6;
	s18 =	sadd.s32 s26, s5;
	[dreg:$0x7] =	wrdreg s22  }
0x17: {  	s20 =	sshrl.u32 s10, $0x3;
	s21 =	simm.s32 $0x7;
	[dreg:$0x8] =	wrdreg s12  }
0x18: {  	s26 =	simm.s32 $0x200;
	s0 =	simm.s32 $0x1;
	[dreg:$0x9] =	wrdreg s23  }
0x19: {  	s10 =	simm.s32 $0x10;
	[dreg:$0xa] =	wrdreg s9;
	s22 =	simm.s32 $0x100  }
0x1a: {  	s23 =	simm.s32 $0x3;
	s9 =	simm.s32 $0x8280;
	s12 =	simm.s32 $0x0  }
.LBB2_1:
0x1b: {  	s7 =	rddreg [dreg:$0x4]  }
0x1c: {  	[spmem:s20], [sflag:s8] =	dma.local [hbm:s7], $0x2800  }
0x1d: {  	_ =	swait.ge [sflag:s21], $0x2800  }
0x1e: {  	[sflag:s21] =	ssyncset.done $0x0  }
0x1f: {  	[sflag:s21] =	ssyncadd.s32 $0xFFFFD800  }
0x20: {  	[bflag:$0x0] =	sbarrier.arrive $0xFFFF  }
0x21: {  	s16 =	rddreg [dreg:$0x5]  }
0x22: {  	[tilespmem:s4], [sflag:$0x3] =	stream.linear.gather [hbm4b:s16+s4], $0x80, $0x38;
	[tilespmem:$0x1C380] =	vst v63  }
0x23: {  	s13 =	rddreg [dreg:$0x6]  }
0x24: {  	[tilespmem:s22], [sflag:$0x5] =	stream.linear.gather [hbm4b:s13+s4], $0x80, $0x38;
	[tilespmem:$0x1C380] =	vst v63  }
0x25: {  	_ =	swait.ge [sflag:s23], $0x80  }
0x26: {  	[sflag:s23] =	ssyncset.done $0x0  }
0x27: {  	[sflag:s23] =	ssyncadd.s32 $0xFFFFFF80  }
0x28: {  	_ =	swait.ge [sflag:s24], $0x80  }
0x29: {  	[sflag:s24] =	ssyncset.done $0x0  }
0x2a: {  	[sflag:s24] =	ssyncadd.s32 $0xFFFFFF80  }
0x2b: {  	[tilespmem:s26], [sflag:$0x1] =	stream.indirect.gather [hbm4b:s1+s25], $0x80, s4, s25, $0xb8;
	[tilespmem:$0x1C380] =	vst v63  }
0x2c: {  	s14 =	rddreg [dreg:$0x7]  }
0x2d: {  	[tilespmem:s25], [sflag:$0x4] =	stream.linear.gather [hbm4b:s14+s4], $0x80, $0x38;
	[tilespmem:$0x1C380] =	vst v63  }
0x2e: {  	s15 =	rddreg [dreg:$0x8]  }
0x2f: {  	[tilespmem:s28], [sflag:$0x6] =	stream.linear.gather [hbm4b:s15+s4], $0x80, $0x38;
	[tilespmem:$0x1C380] =	vst v63  }
0x30: {  	_ =	swait.ge [sflag:s29], $0x80  }
0x31: {  	[sflag:s29] =	ssyncset.done $0x0  }
0x32: {  	[sflag:s29] =	ssyncadd.s32 $0xFFFFFF80  }
0x33: {  	_ =	swait.ge [sflag:s30], $0x80  }
0x34: {  	[sflag:s30] =	ssyncset.done $0x0  }
0x35: {  	[sflag:s30] =	ssyncadd.s32 $0xFFFFFF80  }
0x36: {  	[tilespmem:s31], [sflag:$0x2] =	stream.indirect.gather [hbm4b:s1+s25], $0x80, s25, s25, $0xb8;
	[tilespmem:$0x1C380] =	vst v63  }
0x37: {  	_ =	swait.ge [sflag:s0], $0x4000  }
0x38: {  	[sflag:s0] =	ssyncset.done $0x0  }
0x39: {  	[sflag:s0] =	ssyncadd.s32 $0xFFFFC000  }
0x3a: {  	[spmem:s2] =	stream.indirect.scatter.add.f32 [tilespmem:s26], [sflag:$0x7], $0x80, s22, s25, $0xb8;
	[tilespmem:$0x1C380] =	vst v63  }
0x3b: {  	_ =	swait.ge [sflag:s21], $0x4000  }
0x3c: {  	s13 =	sshrl.u32 s19, $0x3;
	[sflag:s21] =	ssyncset.done $0x0  }
0x3d: {  	s14 =	sadd.s32 s5, s13;
	[sflag:s21] =	ssyncadd.s32 $0xFFFFC000  }
0x3e: {  	[tilespmem:s4], [sflag:$0x3] =	stream.linear.gather [hbm4b:s14+s4], $0x80, $0x38;
	[tilespmem:$0x1C380] =	vst v63  }
0x3f: {  	s13 =	sadd.s32 s6, s13  }
0x40: {  	[tilespmem:s22], [sflag:$0x5] =	stream.linear.gather [hbm4b:s13+s4], $0x80, $0x38;
	[tilespmem:$0x1C380] =	vst v63  }
0x41: {  	_ =	swait.ge [sflag:s23], $0x80  }
0x42: {  	[sflag:s23] =	ssyncset.done $0x0  }
0x43: {  	[sflag:s23] =	ssyncadd.s32 $0xFFFFFF80  }
0x44: {  	_ =	swait.ge [sflag:s24], $0x80  }
0x45: {  	[sflag:s24] =	ssyncset.done $0x0  }
0x46: {  	[sflag:s24] =	ssyncadd.s32 $0xFFFFFF80  }
0x47: {  	[tilespmem:s26], [sflag:$0x1] =	stream.indirect.gather [hbm4b:s1+s25], $0x80, s4, s25, $0xb8;
	[tilespmem:$0x1C380] =	vst v63  }
0x48: {  	_ =	swait.ge [sflag:s3], $0x4000  }
0x49: {  	[sflag:s3] =	ssyncset.done $0x0  }
0x4a: {  	[sflag:s3] =	ssyncadd.s32 $0xFFFFC000  }
0x4b: {  	[spmem:s2] =	stream.indirect.scatter.add.f32 [tilespmem:s31], [sflag:$0x7], $0x80, s28, s25, $0xb8;
	[tilespmem:$0x1C380] =	vst v63  }
0x4c: {  	_ =	swait.ge [sflag:s21], $0x4000  }
0x4d: {  	s16 =	sadd.s32 $0x0, s18;
	s15 =	sadd.s32 $0x0, s17;
	[sflag:s21] =	ssyncset.done $0x0  }
0x4e: {  	s14 =	sadd.s32 $0x100, s19;
	s13 =	simm.s32 $0x20;
	[sflag:s21] =	ssyncadd.s32 $0xFFFFC000  }
0x4f: {  	[tilespmem:s25], [sflag:$0x4] =	stream.linear.gather [hbm4b:s16+s4], $0x80, $0x38;
	[tilespmem:$0x1C380] =	vst v63  }
.LBB2_2:
0x50: {  	[tilespmem:s28], [sflag:$0x6] =	stream.linear.gather [hbm4b:s15+s4], $0x80, $0x38;
	[tilespmem:$0x1C380] =	vst v63  }
0x51: {  	s15 =	smov.u32 s13  }
0x52: {  	p0 =	sne.s32 s13, $0x4A0;
	s13 =	sadd.s32 $0x20, s13;
	_ =	swait.ge [sflag:s29], $0x80  }
0x53: {  	[sflag:s29] =	ssyncset.done $0x0  }
0x54: {  	[sflag:s29] =	ssyncadd.s32 $0xFFFFFF80  }
0x55: {  	_ =	swait.ge [sflag:s30], $0x80  }
0x56: {  	[sflag:s30] =	ssyncset.done $0x0  }
0x57: {  	[sflag:s30] =	ssyncadd.s32 $0xFFFFFF80  }
0x58: {  	[tilespmem:s31], [sflag:$0x2] =	stream.indirect.gather [hbm4b:s1+s25], $0x80, s25, s25, $0xb8;
	[tilespmem:$0x1C380] =	vst v63  }
0x59: {  	_ =	swait.ge [sflag:s0], $0x4000  }
0x5a: {  	[sflag:s0] =	ssyncset.done $0x0  }
0x5b: {  	[sflag:s0] =	ssyncadd.s32 $0xFFFFC000  }
0x5c: {  	[spmem:s2] =	stream.indirect.scatter.add.f32 [tilespmem:s26], [sflag:$0x7], $0x80, s22, s25, $0xb8;
	[tilespmem:$0x1C380] =	vst v63  }
0x5d: {  	_ =	swait.ge [sflag:s21], $0x4000  }
0x5e: {  	s16 =	sshrl.u32 s14, $0x3;
	[sflag:s21] =	ssyncset.done $0x0  }
0x5f: {  	s7 =	sadd.s32 s5, s16;
	[sflag:s21] =	ssyncadd.s32 $0xFFFFC000  }
0x60: {  	[tilespmem:s4], [sflag:$0x3] =	stream.linear.gather [hbm4b:s7+s4], $0x80, $0x38;
	[tilespmem:$0x1C380] =	vst v63  }
0x61: {  	s7 =	sadd.s32 s6, s16  }
0x62: {  	[tilespmem:s22], [sflag:$0x5] =	stream.linear.gather [hbm4b:s7+s4], $0x80, $0x38;
	[tilespmem:$0x1C380] =	vst v63  }
0x63: {  	_ =	swait.ge [sflag:s23], $0x80  }
0x64: {  	[sflag:s23] =	ssyncset.done $0x0  }
0x65: {  	[sflag:s23] =	ssyncadd.s32 $0xFFFFFF80  }
0x66: {  	_ =	swait.ge [sflag:s24], $0x80  }
0x67: {  	[sflag:s24] =	ssyncset.done $0x0  }
0x68: {  	[sflag:s24] =	ssyncadd.s32 $0xFFFFFF80  }
0x69: {  	[tilespmem:s26], [sflag:$0x1] =	stream.indirect.gather [hbm4b:s1+s25], $0x80, s4, s25, $0xb8;
	[tilespmem:$0x1C380] =	vst v63  }
0x6a: {  	_ =	swait.ge [sflag:s3], $0x4000  }
0x6b: {  	[sflag:s3] =	ssyncset.done $0x0  }
0x6c: {  	[sflag:s3] =	ssyncadd.s32 $0xFFFFC000  }
0x6d: {  	[spmem:s2] =	stream.indirect.scatter.add.f32 [tilespmem:s31], [sflag:$0x7], $0x80, s28, s25, $0xb8;
	[tilespmem:$0x1C380] =	vst v63  }
.Ltmp0:
0x6e: {  	_ =	swait.ge [sflag:s21], $0x4000;
	(pc) =	sbr.rel @p0 .LBB2_2-.Ltmp0, $4  }
0x6f: {  	[sflag:s21] =	ssyncset.done $0x0  }
0x70: {  	s7 =	sadd.s32 s15, s18;
	[sflag:s21] =	ssyncadd.s32 $0xFFFFC000  }
0x71: {  	[tilespmem:s25], [sflag:$0x4] =	stream.linear.gather [hbm4b:s7+s4], $0x80, $0x38;
	[tilespmem:$0x1C380] =	vst v63  }
0x72: {  	s14 =	sadd.s32 $0x100, s14;
	s15 =	sadd.s32 s15, s17  }
0x73: {  	[tilespmem:s28], [sflag:$0x6] =	stream.linear.gather [hbm4b:s15+s4], $0x80, $0x38;
	[tilespmem:$0x1C380] =	vst v63  }
0x74: {  	_ =	swait.ge [sflag:s29], $0x80  }
0x75: {  	[sflag:s29] =	ssyncset.done $0x0  }
0x76: {  	[sflag:s29] =	ssyncadd.s32 $0xFFFFFF80  }
0x77: {  	_ =	swait.ge [sflag:s30], $0x80  }
0x78: {  	[sflag:s30] =	ssyncset.done $0x0  }
0x79: {  	[sflag:s30] =	ssyncadd.s32 $0xFFFFFF80  }
0x7a: {  	[tilespmem:s31], [sflag:$0x2] =	stream.indirect.gather [hbm4b:s1+s25], $0x80, s25, s25, $0xb8;
	[tilespmem:$0x1C380] =	vst v63  }
0x7b: {  	_ =	swait.ge [sflag:s0], $0x4000  }
0x7c: {  	[sflag:s0] =	ssyncset.done $0x0  }
0x7d: {  	[sflag:s0] =	ssyncadd.s32 $0xFFFFC000  }
0x7e: {  	[spmem:s2] =	stream.indirect.scatter.add.f32 [tilespmem:s26], [sflag:$0x7], $0x80, s22, s25, $0xb8;
	[tilespmem:$0x1C380] =	vst v63  }
0x7f: {  	_ =	swait.ge [sflag:s21], $0x4000  }
0x80: {  	[sflag:s21] =	ssyncset.done $0x0  }
0x81: {  	[sflag:s21] =	ssyncadd.s32 $0xFFFFC000  }
0x82: {  	_ =	swait.ge [sflag:s3], $0x4000  }
0x83: {  	[sflag:s3] =	ssyncset.done $0x0  }
0x84: {  	[sflag:s3] =	ssyncadd.s32 $0xFFFFC000  }
0x85: {  	[spmem:s2] =	stream.indirect.scatter.add.f32 [tilespmem:s31], [sflag:$0x7], $0x80, s28, s25, $0xb8;
	[tilespmem:$0x1C380] =	vst v63  }
0x86: {  	_ =	swait.ge [sflag:s21], $0x4000  }
0x87: {  	[sflag:s21] =	ssyncset.done $0x0  }
0x88: {  	s13 =	simm.s32 $0x8200;
	s7 =	rddreg [dreg:$0x9];
	[sflag:s21] =	ssyncadd.s32 $0xFFFFC000  }
0x89: {  	[tilespmem:s13], [sflag:$0x7] =	stream.linear.gather [hbm4b:s7+s4], $0x10, $0x38;
	[tilespmem:$0x1C380] =	vst v63  }
0x8a: {  	_ =	swait.ge [sflag:s21], $0x10  }
0x8b: {  	[sflag:s21] =	ssyncset.done $0x0  }
0x8c: {  	s14 =	rddreg [dreg:$0xa];
	[sflag:s21] =	ssyncadd.s32 $0xFFFFFFF0  }
0x8d: {  	[tilespmem:s9], [sflag:$0x7] =	stream.linear.gather [hbm4b:s14+s4], $0x10, $0x38;
	[tilespmem:$0x1C380] =	vst v63  }
0x8e: {  	_ =	swait.ge [sflag:s21], $0x10  }
0x8f: {  	[sflag:s21] =	ssyncset.done $0x0  }
0x90: {  	[sflag:s21] =	ssyncadd.s32 $0xFFFFFFF0  }
0x91: {  	[tilespmem:s11], [sflag:$0x1] =	stream.indirect.gather [hbm4b:s1+s10], $0x80, s13, s10, $0xb8;
	[tilespmem:$0x1C380] =	vst v63  }
0x92: {  	_ =	swait.ge [sflag:s0], $0x800  }
0x93: {  	[sflag:s0] =	ssyncset.done $0x0  }
0x94: {  	[sflag:s0] =	ssyncadd.s32 $0xFFFFF800  }
0x95: {  	[spmem:s2] =	stream.indirect.scatter.add.f32 [tilespmem:s11], [sflag:$0x7], $0x80, s9, s10, $0xb8;
	[tilespmem:$0x1C380] =	vst v63  }
0x96: {  	_ =	swait.ge [sflag:s21], $0x800  }
0x97: {  	[sflag:s21] =	ssyncset.done $0x0  }
0x98: {  	[sflag:s21] =	ssyncadd.s32 $0xFFFFF800  }
0x99: {  	[bflag:$0x0] =	sbarrier.arrive $0xFFFF  }
0x9a: {  	s15 =	rddreg [dreg:$0xb]  }
0x9b: {  	[hbm:s15], [sflag:s8] =	dma.local [spmem:s20], $0x2800  }
0x9c: {  	_ =	swait.ge [sflag:s21], $0x2800  }
0x9d: {  	s12 =	sadd.s32 $0x1, s12;
	s16 =	rddreg [dreg:$0xc]  }
0x9e: {  	p0 =	sne.s32 s12, s16  }
.Ltmp1:
0x9f: {  	_ = 	snop;
	(pc) =	sbr.rel @p0 .LBB2_1-.Ltmp1, $3  }
0xa0: {  	_ =	sdelay $0x1  }
0xa1: {  	[sflag:s21] =	ssyncset.done $0x0  }
0xa2: {  	[sflag:s21] =	ssyncadd.s32 $0xFFFFD800  }
0xa3: {  	_ =	sfence.sel $0x180000  }
0xa4: {  	[bflag:$0x0] =	sbarrier.arrive $0xFFFF  }
0xa5: {  	_ =	strace $0x9000004D  }
0xa6: {  	s0 =	stileid.u32;
	[bflag:$0x2] =	sbarrier.arrive $0xFFFF  }
0xa7: {  	p0 =	sne.s32 s0, $0x0;
	s0 =	rddreg [dreg:$0x3]  }
0xa8: {  	s0 =	sadd.s32 @!p0 $0x100000, s0  }
0xa9: {  	[sflag:s0] =	ssyncadd.tile.s32 @!p0 $0x1;
	_ =	shalt  }
.Lfunc_end2:
_tile_overlayer_lowered:
.L_overlay_start_2:
0xaa: {  	(tag) =	ssettag $0x2  }
0xab: {  	s0 =	rddreg [dreg:$0x0];
	s2 =	stileid.u32  }
0xac: {  	s1 =	rddreg [dreg:$0x1];
	p0 =	sne.s32 s2, $0x0  }
0xad: {  	s3 =	rddreg [dreg:$0x2];
	[bflag:$0x3] =	sbarrier.arrive $0xFFFF;
	s2 =	simm.s32 @!p0 $0x1C07  }
0xae: {  	[timem:s3], [sflag:s2] =	dma.local @!p0 [hbm:s0], s1  }
0xaf: {  	s0 =	simm.s32 @!p0 $0x7  }
0xb0: {  	_ =	swait.ge @!p0 [sflag:s0], s1  }
0xb1: {  	s1 =	ssub.s32 @!p0 $0x0, s1;
	[sflag:s0] =	ssyncset.done @!p0 $0x0  }
0xb2: {  	[sflag:s0] =	ssyncadd.s32 @!p0 s1  }
0xb3: {  	[bflag:$0x3] =	sbarrier.arrive $0xFFFF  }
0xb4: {  	_ =	shalt  }

// kernel: kernel.8.cloned.1.call-start
scs
__scs_entry_jumppad:
0x0: {  	(pc) =	sbr.rel $0x88, $3  }
0x1: {  	(tag) =	ssettag $0x0;
	lr =	simm.s32 $0x1  }
0x2: {  	[smem:$0x3F97] =	sst lr;
	_ =	strace $0xD0000000  }
0x3: {  	_ = 	snop  }
0x4: {  	_ = 	snop  }
0x5: {  	_ = 	snop  }
0x6: {  	_ = 	snop  }
0x7: {  	_ = 	snop  }
__scs_overlays_trampoline_lowered:
0x8: {  	[smem:$0x3FA6] =	sst s0  }
0x9: {  	[smem:$0x3FA7] =	sst s1  }
0xa: {  	[smem:$0x3FA8] =	sst s2  }
0xb: {  	[smem:$0x3FA9] =	sst s3  }
0xc: {  	[smem:$0x3FAA] =	sst s4  }
0xd: {  	[smem:$0x3FAB] =	sst s5  }
0xe: {  	[smem:$0x3FAC] =	sst s6  }
0xf: {  	[smem:$0x3FAD] =	sst s7  }
0x10: {  	[smem:$0x3FAE] =	sst s8  }
0x11: {  	[smem:$0x3FAF] =	sst s9;
	s0 =	simm.s32 @!p0 $0x0  }
0x12: {  	s1 =	sld [smem:$0x3F95];
	s0 =	simm.s32 @p0 $0x1  }
0x13: {  	[smem:$0x3FB0] =	sst s0;
	s0 =	simm.s32 @!p1 $0x0  }
0x14: {  	s2 =	sld [smem:$0x3F94];
	s0 =	simm.s32 @p1 $0x1  }
0x15: {  	[smem:$0x3FB1] =	sst s0;
	s0 =	simm.s32 @!p2 $0x0  }
0x16: {  	s3 =	sld [smem:$0x3FDB];
	s0 =	simm.s32 @p2 $0x1  }
0x17: {  	s4 =	simm.s32 $0x1BF5;
	[smem:$0x3FB3] =	sst s0  }
0x18: {  	s0 =	sld [smem:$0x3F96];
	_ =	swait.ge [sflag:s4], $0x0  }
0x19: {  	s7 =	sld [smem:$0x3F97]  }
0x1a: {  	s8 =	sadd.s32 $0xFFFFE003, lr  }
0x1b: {  	s9 =	sadd.s32 $0xFFFFFEF7, lr;
	s5 =	simm.s32 $0xFFFFFFFF;
	p2 =	slt.u32 s8, $0xFFFFF086  }
0x1c: {  	p1 =	slt.u32 s9, $0xF7A;
	s5 =	simm.s32 @!p2 $0x0  }
0x1d: {  	s5 =	simm.s32 @p1 $0x1;
	p0 =	seq.s32 s7, s2  }
0x1e: {  	s7 =	smul.u32 @!p0 $0xF7A, s2;
	p2 =	seq.s32 @!p0 s5, $0x0  }
0x1f: {  	s9 =	smul.u32 $0xF7A, s1;
	s8 =	simm.s32 @!p0 $0x1BF5;
	p2 =	por !p2, p0  }
0x20: {  	[sflag:s8] =	ssyncset.s32 @!p0 $0xFFFFF086;
	s6 =	sadd.s32 @!p0 s3, s7;
	s7 =	simm.s32 @!p0 $0x108  }
0x21: {  	s3 =	sadd.s32 s3, s9;
	s6 =	sadd.s32 @!p0 $0x88, s6;
	s7 =	simm.s32 @p2 $0x1082  }
0x22: {  	[simem:s7], [sflag:s8] =	dma.local @!p0 [hbm:s6], $0xF7A  }
0x23: {  	s9 =	sor.u32 $0xD0000000, s2;
	s6 =	simm.s32 $0x108;
	_ =	swait.ge @!p0 [sflag:s8], $0x0  }
0x24: {  	s3 =	sadd.s32 $0x88, s3;
	s6 =	simm.s32 @!p1 $0x1082;
	[sflag:s4] =	ssyncset.s32 $0xFFFFF086  }
0x25: {  	[simem:s6], [sflag:s4] =	dma.local [hbm:s3], $0xF7A  }
0x26: {  	[smem:$0x3F97] =	sst s1;
	(tag) =	ssettag s2;
	_ =	strace s9  }
0x27: {  	s1 =	sld [smem:$0x3FA7]  }
0x28: {  	s2 =	sld [smem:$0x3FA8]  }
0x29: {  	s4 =	sld [smem:$0x3FAA]  }
0x2a: {  	p0 =	seq.s32 s5, $0x0;
	s5 =	sld [smem:$0x3FAB]  }
0x2b: {  	s6 =	sld [smem:$0x3FAC]  }
0x2c: {  	s7 =	sld [smem:$0x3FAD]  }
0x2d: {  	s3 =	simm.s32 $0x108;
	s8 =	sld [smem:$0x3FAE]  }
0x2e: {  	s3 =	simm.s32 @!p0 $0x1082;
	s9 =	sld [smem:$0x3FAF]  }
0x2f: {  	lr =	sadd.s32 s0, s3;
	s0 =	sld [smem:$0x3FA6]  }
0x30: {  	s3 =	sld [smem:$0x3FA9]  }
0x31: {  	[smem:$0x3FB2] =	sst s10  }
0x32: {  	s10 =	sld [smem:$0x3FB0];
	_ =	sdelay $0x3  }
0x33: {  	p0 =	seq.s32 s10, $0x1;
	s10 =	sld [smem:$0x3FB2];
	_ =	sdelay $0x3  }
0x34: {  	[smem:$0x3FB2] =	sst s10  }
0x35: {  	s10 =	sld [smem:$0x3FB1];
	_ =	sdelay $0x3  }
0x36: {  	p1 =	seq.s32 s10, $0x1;
	s10 =	sld [smem:$0x3FB2];
	_ =	sdelay $0x3  }
0x37: {  	[smem:$0x3FB2] =	sst s10  }
0x38: {  	s10 =	sld [smem:$0x3FB3]  }
0x39: {  	_ = 	snop;
	(pc) =	sbr.ind lr, $3  }
0x3a: {  	_ = 	snop  }
0x3b: {  	_ = 	snop  }
0x3c: {  	p2 =	seq.s32 s10, $0x1;
	s10 =	sld [smem:$0x3FB2]  }
0x3d: {  	_ =	shalt  }
0x3e: {  	_ =	shalt  }
0x3f: {  	_ =	shalt  }
0x40: {  	_ =	shalt  }
0x41: {  	_ =	shalt  }
0x42: {  	_ =	shalt  }
0x43: {  	_ =	shalt  }
0x44: {  	_ =	shalt  }
0x45: {  	_ =	shalt  }
0x46: {  	_ =	shalt  }
0x47: {  	_ =	shalt  }
0x48: {  	_ =	shalt  }
0x49: {  	_ =	shalt  }
0x4a: {  	_ =	shalt  }
0x4b: {  	_ =	shalt  }
0x4c: {  	_ =	shalt  }
0x4d: {  	_ =	shalt  }
0x4e: {  	_ =	shalt  }
0x4f: {  	_ =	shalt  }
0x50: {  	_ =	shalt  }
0x51: {  	_ =	shalt  }
0x52: {  	_ =	shalt  }
0x53: {  	_ =	shalt  }
0x54: {  	_ =	shalt  }
0x55: {  	_ =	shalt  }
0x56: {  	_ =	shalt  }
0x57: {  	_ =	shalt  }
0x58: {  	_ =	shalt  }
0x59: {  	_ =	shalt  }
0x5a: {  	_ =	shalt  }
0x5b: {  	_ =	shalt  }
0x5c: {  	_ =	shalt  }
0x5d: {  	_ =	shalt  }
0x5e: {  	_ =	shalt  }
0x5f: {  	_ =	shalt  }
0x60: {  	_ =	shalt  }
0x61: {  	_ =	shalt  }
0x62: {  	_ =	shalt  }
0x63: {  	_ =	shalt  }
0x64: {  	_ =	shalt  }
0x65: {  	_ =	shalt  }
0x66: {  	_ =	shalt  }
0x67: {  	_ =	shalt  }
0x68: {  	_ =	shalt  }
0x69: {  	_ =	shalt  }
0x6a: {  	_ =	shalt  }
0x6b: {  	_ =	shalt  }
0x6c: {  	_ =	shalt  }
0x6d: {  	_ =	shalt  }
0x6e: {  	_ =	shalt  }
0x6f: {  	_ =	shalt  }
0x70: {  	_ =	shalt  }
0x71: {  	_ =	shalt  }
0x72: {  	_ =	shalt  }
0x73: {  	_ =	shalt  }
0x74: {  	_ =	shalt  }
0x75: {  	_ =	shalt  }
0x76: {  	_ =	shalt  }
0x77: {  	_ =	shalt  }
0x78: {  	_ =	shalt  }
0x79: {  	_ =	shalt  }
0x7a: {  	_ =	shalt  }
0x7b: {  	_ =	shalt  }
0x7c: {  	_ =	shalt  }
0x7d: {  	_ =	shalt  }
0x7e: {  	_ =	shalt  }
0x7f: {  	_ =	shalt  }
0x80: {  	_ =	shalt  }
0x81: {  	_ =	shalt  }
0x82: {  	_ =	shalt  }
0x83: {  	_ =	shalt  }
0x84: {  	_ =	shalt  }
0x85: {  	_ =	shalt  }
0x86: {  	_ =	shalt  }
0x87: {  	_ =	shalt  }
.Lfunc_end0:
.L_simem_size_0:
called_computation_lowered:
.L_overlay_start_0:
0x88: {  	s2 =	sld [smem:$0x3FD9]  }
0x89: {  	s3 =	sld [smem:$0x3FFE];
	_ =	sdelay $0x1  }
0x8a: {  	s1 =	srdreg.scid  }
0x8b: {  	s0 =	sand.u32 $0x1, s1  }
0x8c: {  	s17 =	sshll.u32 s0, $0xA;
	s2 =	sadd.s32 s3, s2  }
0x8d: {  	s2 =	sadd.s32 s2, s17  }
0x8e: {  	[smem:$0x3FBE] =	sst s2  }
0x8f: {  	_ = 	snop  }
0x90: {  	s2 =	sld [smem:$0x3FD0];
	(tm) =	ssettm $0x1  }
0x91: {  	s18 =	sld [smem:$0x3FFB];
	_ =	sdelay $0x3  }
0x92: {  	_ =	strace s18  }
0x93: {  	s3 =	sld [smem:$0x3FFC];
	_ =	sdelay $0x3  }
0x94: {  	_ =	strace s3  }
0x95: {  	s3 =	sld [smem:$0x3FFD];
	_ =	sdelay $0x3  }
0x96: {  	_ =	strace s3  }
0x97: {  	_ =	strace $0x8FFFFFFF  }
0x98: {  	s19 =	sld [smem:$0x3FDB];
	_ =	sdelay $0x1  }
0x99: {  	s4 =	simm.s32 $_scs_section_size  }
0x9a: {  	s5 =	simm.s32 $_size__tile_overlayer_lowered;
	s6 =	simm.s32 $_tile_overlayer_lowered  }
0x9b: {  	s22 =	simm.s32 $0x1BFF;
	s21 =	sshll.u32 s6, $0x1;
	s3 =	sadd.s32 s4, s19  }
0x9c: {  	s7 =	simm.s32 $0x0;
	s20 =	sshll.u32 s5, $0x1;
	s5 =	sadd.s32 s21, s3  }
0x9d: {  	[timem:s7], [sflag:s22] =	dma.local [hbm:s5], s20  }
0x9e: {  	_ =	swait.ge [sflag:s22], s20  }
0x9f: {  	s4 =	ssub.s32 $0x0, s20;
	[sflag:s22] =	ssyncset.done $0x0  }
0xa0: {  	[sflag:s22] =	ssyncadd.s32 s4;
	_ =	sdelay $0x1  }
0xa1: {  	s23 =	simm.s32 $0x1B8B  }
0xa2: {  	_ =	swait.ge [sflag:s23], $0x1  }
0xa3: {  	[sflag:s23] =	ssyncset.done $0x0  }
0xa4: {  	s25 =	simm.s32 $0x1B8E;
	s24 =	sld [smem:$0x3FFE];
	[sflag:s23] =	ssyncadd.s32 $0xFFFFFFFF  }
0xa5: {  	s26 =	simm.s32 $execute0_lowered;
	[smem:$0x3FD2] =	sst s25  }
0xa6: {  	s5 =	sshll.u32 s26, $0x1;
	_ =	strace $0x80000046;
	[dreg:$0x1] =	wrdreg $0xFFFFFFFF  }
0xa7: {  	s28 =	simm.s32 $_size_execute0_lowered;
	s3 =	sadd.s32 s3, s5;
	[dreg:$0x0] =	wrdreg $0x0  }
0xa8: {  	s5 =	sshll.u32 s28, $0x1;
	[dreg:$0x2] =	wrdreg s3  }
0xa9: {  	[dreg:$0x3] =	wrdreg s5  }
0xaa: {  	[dreg:$0x4] =	wrdreg $0xC0  }
0xab: {  	_ =	task [dreg:s7], $0x5FFFF  }
0xac: {  	[dreg:$0x1] =	wrdreg $0xFFFFFFFF  }
0xad: {  	[dreg:$0x0] =	wrdreg $0x60  }
0xae: {  	[dreg:$0x2] =	wrdreg s24  }
0xaf: {  	[dreg:$0x3] =	wrdreg s2  }
0xb0: {  	[dreg:$0x4] =	wrdreg $0x9  }
0xb1: {  	_ =	task.clear_ibuf [dreg:s7], $0x5FFFF;
	_ =	strace $0x90000046  }
0xb2: {  	s29 =	simm.s32 $0x9;
	_ =	strace $0x80000048  }
0xb3: {  	_ =	swait.ge [sflag:s29], $0x1  }
0xb4: {  	[sflag:s29] =	ssyncadd.s32 $0xFFFFFFFF  }
0xb5: {  	_ =	strace $0x90000048  }
0xb6: {  	_ =	sfence  }
0xb7: {  	s30 =	sld [smem:$0x0];
	_ =	sdelay $0x2  }
0xb8: {  	s31 =	sshll.u32 s1, $0xD;
	s1 =	sshrl.u32 s1, $0x2  }
0xb9: {  	s3 =	sand.u32 $0x4000, s31;
	s1 =	sadd.s32 s1, s30  }
0xba: {  	s0 =	sor.u32 s3, s0;
	s1 =	sshll.u32 s1, $0x11  }
0xbb: {  	s0 =	sor.u32 s1, s0  }
0xbc: {  	s0 =	sadd.s32 $0x8F2B, s0  }
0xbd: {  	[sflag:s0] =	ssyncadd.remote.s32 $0x1  }
0xbe: {  	_ =	sfence.sel $0xFFFF  }
0xbf: {  	[dreg:$0x0] =	wrdreg $0xFFFFFFFF;
	(pc) =	sbr.abs _section_cstart, $3  }
0xc0: {  	[dreg:$0x1] =	wrdreg $0xFFFFFFFF  }
0xc1: {  	_ =	task.clear_ibuf [dreg:s7], $0x2FFFF;
	_ =	strace $0x9FFFFFFF  }
0xc2: {  	(tm) =	ssettm $0x7FFFFFFF  }
0xc3: {  	_ =	shalt  }
tec
execute0_lowered:
.L_overlay_start_1:
0x0: {  	(tag) =	ssettag $0x1  }
0x1: {  	s1 =	srdreg.scid;
	s3 =	rddreg [dreg:$0x0]  }
0x2: {  	s0 =	stileid.u32;
	s7 =	rddreg [dreg:$0x1]  }
0x3: {  	s2 =	simm.s32 $0x0;
	s12 =	simm.s32 $0x1;
	s13 =	simm.s32 $0x180  }
0x4: {  	s14 =	simm.s32 $0x2;
	s15 =	simm.s32 $0x100;
	s16 =	simm.s32 $0x3  }
0x5: {  	s17 =	simm.s32 $0x0;
	s4 =	sand.u32 $0x1, s1;
	s1 =	rddreg [dreg:$0x2]  }
0x6: {  	s28 =	sshll.u32 s0, $0x1;
	[smem:$0x7FF] =	sst s2;
	s9 =	smul.u32 $0x4E20, s0  }
0x7: {  	s3 =	sadd.s32 $0x2400, s3;
	s5 =	sor.u32 s4, s28;
	s11 =	smul.u32 $0x2710, s4  }
0x8: {  	s8 =	ssub.s32 $0x2, s4;
	_ =	strace $0x80000047;
	s6 =	smul.u32 $0x2710, s5  }
0x9: {  	s10 =	sshrl.u32 s8, $0x1;
	s30 =	smul.u32 $0x500, s5;
	s9 =	sadd.s32 s11, s9  }
0xa: {  	s8 =	ssub.s32 s8, s10;
	s29 =	sshrl.u32 s6, $0x3;
	s11 =	sadd.s32 $0x80, s9  }
0xb: {  	s7 =	sadd.s32 s7, s30;
	s8 =	smax.u32 s8, $0x1;
	s9 =	sadd.s32 $0x100, s9  }
0xc: {  	s4 =	sadd.s32 s3, s29;
	s31 =	sshrl.u32 s11, $0x3;
	s11 =	simm.s32 $0x80  }
0xd: {  	v0 =	vimm.f32 $0.0e+00;
	v1 =	vimm.f32 $1.000000000e+00;
	s5 =	sadd.s32 $0x4D0, s4;
	s6 =	sadd.s32 $0x4E0, s4;
	s10 =	sadd.s32 s31, s3  }
.LBB2_1:
0xe: {  	[tilespmem:s2], [sflag:$0x1] =	stream.linear.gather [hbm4b:s4+s2], $0x80, $0x38;
	[tilespmem:$0x2980] =	vst v63  }
0xf: {  	s18 =	simm.s32 $0x0  }
.LBB2_2:
0x10: {  	p0 =	sne.s32 s18, $0x9FC0  }
.Ltmp0:
0x11: {  	_ = 	snop;
	(pc) =	sbr.rel @p0 .LBB2_2-.Ltmp0, $3  }
0x12: {  	_ =	sdelay $0x1  }
0x13: {  	s19 =	sshra.s32 s18, $0x2  }
0x14: {  	s18 =	sadd.s32 $0x40, s18;
	[tilespmem:s19+$0x180] =	vst v0  }
0x15: {  	s18 =	simm.s32 $0x0;
	s19 =	smov.u32 s9  }
.LBB2_4:
0x16: {  	s20 =	sadd.s32 s18, s10  }
0x17: {  	[tilespmem:s11], [sflag:$0x2] =	stream.linear.gather [hbm4b:s20+s2], $0x80, $0x38;
	[tilespmem:$0x2980] =	vst v63  }
0x18: {  	_ =	swait.ge [sflag:s12], $0x80  }
0x19: {  	[sflag:s12] =	ssyncset.done $0x0  }
0x1a: {  	[sflag:s12] =	ssyncadd.s32 $0xFFFFFF80  }
0x1b: {  	v2 =	vld [tilespmem:$0x0];
	_ =	sdelay $0x7  }
0x1c: {  	[tilespmem:v2+s13+$0x0] =	vst.idx.add.f32.msk $0xffff, v1  }
0x1d: {  	v2 =	vld [tilespmem:$0x10];
	_ =	sdelay $0x7  }
0x1e: {  	[tilespmem:v2+s13+$0x0] =	vst.idx.add.f32.msk $0xffff, v1  }
0x1f: {  	v2 =	vld [tilespmem:$0x20];
	_ =	sdelay $0x7  }
0x20: {  	[tilespmem:v2+s13+$0x0] =	vst.idx.add.f32.msk $0xffff, v1  }
0x21: {  	v2 =	vld [tilespmem:$0x30];
	_ =	sdelay $0x7  }
0x22: {  	[tilespmem:v2+s13+$0x0] =	vst.idx.add.f32.msk $0xffff, v1  }
0x23: {  	v2 =	vld [tilespmem:$0x40];
	_ =	sdelay $0x7  }
0x24: {  	[tilespmem:v2+s13+$0x0] =	vst.idx.add.f32.msk $0xffff, v1  }
0x25: {  	v2 =	vld [tilespmem:$0x50];
	_ =	sdelay $0x7  }
0x26: {  	[tilespmem:v2+s13+$0x0] =	vst.idx.add.f32.msk $0xffff, v1  }
0x27: {  	v2 =	vld [tilespmem:$0x60];
	_ =	sdelay $0x7  }
0x28: {  	[tilespmem:v2+s13+$0x0] =	vst.idx.add.f32.msk $0xffff, v1  }
0x29: {  	v2 =	vld [tilespmem:$0x70];
	_ =	sdelay $0x6  }
0x2a: {  	s31 =	sshrl.u32 s19, $0x3  }
0x2b: {  	s20 =	sadd.s32 s3, s31;
	[tilespmem:v2+s13+$0x0] =	vst.idx.add.f32.msk $0xffff, v1  }
0x2c: {  	[tilespmem:s2], [sflag:$0x1] =	stream.linear.gather [hbm4b:s20+s2], $0x80, $0x38;
	[tilespmem:$0x2980] =	vst v63  }
0x2d: {  	_ =	swait.ge [sflag:s14], $0x80  }
0x2e: {  	[sflag:s14] =	ssyncset.done $0x0  }
0x2f: {  	[sflag:s14] =	ssyncadd.s32 $0xFFFFFF80  }
0x30: {  	v2 =	vld [tilespmem:$0x80];
	_ =	sdelay $0x7  }
0x31: {  	[tilespmem:v2+s13+$0x0] =	vst.idx.add.f32.msk $0xffff, v1  }
0x32: {  	v2 =	vld [tilespmem:$0x90];
	_ =	sdelay $0x7  }
0x33: {  	[tilespmem:v2+s13+$0x0] =	vst.idx.add.f32.msk $0xffff, v1  }
0x34: {  	v2 =	vld [tilespmem:$0xA0];
	_ =	sdelay $0x7  }
0x35: {  	[tilespmem:v2+s13+$0x0] =	vst.idx.add.f32.msk $0xffff, v1  }
0x36: {  	v2 =	vld [tilespmem:$0xB0];
	_ =	sdelay $0x7  }
0x37: {  	[tilespmem:v2+s13+$0x0] =	vst.idx.add.f32.msk $0xffff, v1  }
0x38: {  	v2 =	vld [tilespmem:$0xC0];
	_ =	sdelay $0x7  }
0x39: {  	[tilespmem:v2+s13+$0x0] =	vst.idx.add.f32.msk $0xffff, v1  }
0x3a: {  	v2 =	vld [tilespmem:$0xD0];
	_ =	sdelay $0x7  }
0x3b: {  	[tilespmem:v2+s13+$0x0] =	vst.idx.add.f32.msk $0xffff, v1  }
0x3c: {  	v2 =	vld [tilespmem:$0xE0];
	_ =	sdelay $0x7  }
0x3d: {  	[tilespmem:v2+s13+$0x0] =	vst.idx.add.f32.msk $0xffff, v1  }
0x3e: {  	v2 =	vld [tilespmem:$0xF0];
	_ =	sdelay $0x2  }
0x3f: {  	p0 =	sne.s32 s18, $0x4A0  }
.Ltmp1:
0x40: {  	_ = 	snop;
	(pc) =	sbr.rel @p0 .LBB2_4-.Ltmp1, $2  }
0x41: {  	_ =	sdelay $0x2  }
0x42: {  	s19 =	sadd.s32 $0x100, s19;
	s18 =	sadd.s32 $0x20, s18;
	[tilespmem:v2+s13+$0x0] =	vst.idx.add.f32.msk $0xffff, v1  }
0x43: {  	[tilespmem:s11], [sflag:$0x2] =	stream.linear.gather [hbm4b:s5+s2], $0x80, $0x38;
	[tilespmem:$0x2980] =	vst v63  }
0x44: {  	_ =	swait.ge [sflag:s12], $0x80  }
0x45: {  	[sflag:s12] =	ssyncset.done $0x0  }
0x46: {  	[sflag:s12] =	ssyncadd.s32 $0xFFFFFF80  }
0x47: {  	v2 =	vld [tilespmem:$0x0];
	_ =	sdelay $0x7  }
0x48: {  	[tilespmem:v2+s13+$0x0] =	vst.idx.add.f32.msk $0xffff, v1  }
0x49: {  	v2 =	vld [tilespmem:$0x10];
	_ =	sdelay $0x7  }
0x4a: {  	[tilespmem:v2+s13+$0x0] =	vst.idx.add.f32.msk $0xffff, v1  }
0x4b: {  	v2 =	vld [tilespmem:$0x20];
	_ =	sdelay $0x7  }
0x4c: {  	[tilespmem:v2+s13+$0x0] =	vst.idx.add.f32.msk $0xffff, v1  }
0x4d: {  	v2 =	vld [tilespmem:$0x30];
	_ =	sdelay $0x7  }
0x4e: {  	[tilespmem:v2+s13+$0x0] =	vst.idx.add.f32.msk $0xffff, v1  }
0x4f: {  	v2 =	vld [tilespmem:$0x40];
	_ =	sdelay $0x7  }
0x50: {  	[tilespmem:v2+s13+$0x0] =	vst.idx.add.f32.msk $0xffff, v1  }
0x51: {  	v2 =	vld [tilespmem:$0x50];
	_ =	sdelay $0x7  }
0x52: {  	[tilespmem:v2+s13+$0x0] =	vst.idx.add.f32.msk $0xffff, v1  }
0x53: {  	v2 =	vld [tilespmem:$0x60];
	_ =	sdelay $0x7  }
0x54: {  	[tilespmem:v2+s13+$0x0] =	vst.idx.add.f32.msk $0xffff, v1  }
0x55: {  	v2 =	vld [tilespmem:$0x70];
	_ =	sdelay $0x7  }
0x56: {  	[tilespmem:v2+s13+$0x0] =	vst.idx.add.f32.msk $0xffff, v1  }
0x57: {  	_ =	swait.ge [sflag:s14], $0x80  }
0x58: {  	[sflag:s14] =	ssyncset.done $0x0  }
0x59: {  	[sflag:s14] =	ssyncadd.s32 $0xFFFFFF80  }
0x5a: {  	v2 =	vld [tilespmem:$0x80];
	_ =	sdelay $0x7  }
0x5b: {  	[tilespmem:v2+s13+$0x0] =	vst.idx.add.f32.msk $0xffff, v1  }
0x5c: {  	v2 =	vld [tilespmem:$0x90];
	_ =	sdelay $0x7  }
0x5d: {  	[tilespmem:v2+s13+$0x0] =	vst.idx.add.f32.msk $0xffff, v1  }
0x5e: {  	v2 =	vld [tilespmem:$0xA0];
	_ =	sdelay $0x7  }
0x5f: {  	[tilespmem:v2+s13+$0x0] =	vst.idx.add.f32.msk $0xffff, v1  }
0x60: {  	v2 =	vld [tilespmem:$0xB0];
	_ =	sdelay $0x7  }
0x61: {  	[tilespmem:v2+s13+$0x0] =	vst.idx.add.f32.msk $0xffff, v1  }
0x62: {  	v2 =	vld [tilespmem:$0xC0];
	_ =	sdelay $0x7  }
0x63: {  	[tilespmem:v2+s13+$0x0] =	vst.idx.add.f32.msk $0xffff, v1  }
0x64: {  	v2 =	vld [tilespmem:$0xD0];
	_ =	sdelay $0x7  }
0x65: {  	[tilespmem:v2+s13+$0x0] =	vst.idx.add.f32.msk $0xffff, v1  }
0x66: {  	v2 =	vld [tilespmem:$0xE0];
	_ =	sdelay $0x7  }
0x67: {  	[tilespmem:v2+s13+$0x0] =	vst.idx.add.f32.msk $0xffff, v1  }
0x68: {  	v2 =	vld [tilespmem:$0xF0];
	_ =	sdelay $0x7  }
0x69: {  	[tilespmem:v2+s13+$0x0] =	vst.idx.add.f32.msk $0xffff, v1  }
0x6a: {  	[tilespmem:s15], [sflag:$0x3] =	stream.linear.gather [hbm4b:s6+s2], $0x10, $0x38;
	[tilespmem:$0x2980] =	vst v63  }
0x6b: {  	_ =	swait.ge [sflag:s16], $0x10  }
0x6c: {  	[sflag:s16] =	ssyncset.done $0x0  }
0x6d: {  	[sflag:s16] =	ssyncadd.s32 $0xFFFFFFF0  }
0x6e: {  	v2 =	vld [tilespmem:$0x100];
	_ =	sdelay $0x5  }
0x6f: {  	s17 =	sadd.s32 $0x1, s17  }
0x70: {  	p0 =	sne.s32 s17, s8  }
.Ltmp2:
0x71: {  	[tilespmem:v2+s13+$0x0] =	vst.idx.add.f32.msk $0xffff, v1;
	(pc) =	sbr.rel @p0 .LBB2_1-.Ltmp2, $4  }
0x72: {  	[hbm4b:s7+s2] =	stream.linear.scatter [tilespmem:s13], [sflag:$0x3], $0x2800, $0x38;
	[tilespmem:$0x2980] =	vst v63  }
0x73: {  	_ =	swait.ge [sflag:s16], $0x2800  }
0x74: {  	[sflag:s16] =	ssyncset.done $0x0  }
0x75: {  	[sflag:s16] =	ssyncadd.s32 $0xFFFFD800  }
0x76: {  	_ =	sfence.sel $0x180000  }
0x77: {  	[bflag:$0x0] =	sbarrier.arrive $0xFFFF  }
0x78: {  	p0 =	sne.s32 s0, $0x0;
	_ =	strace $0x90000047  }
0x79: {  	s0 =	sadd.s32 @!p0 $0x100000, s1;
	[bflag:$0x2] =	sbarrier.arrive $0xFFFF  }
0x7a: {  	[sflag:s0] =	ssyncadd.tile.s32 @!p0 $0x1;
	_ =	shalt  }
.Lfunc_end2:
_tile_overlayer_lowered:
.L_overlay_start_2:
0x7b: {  	(tag) =	ssettag $0x2  }
0x7c: {  	s0 =	rddreg [dreg:$0x0];
	s2 =	stileid.u32  }
0x7d: {  	s1 =	rddreg [dreg:$0x1];
	p0 =	sne.s32 s2, $0x0  }
0x7e: {  	s3 =	rddreg [dreg:$0x2];
	[bflag:$0x3] =	sbarrier.arrive $0xFFFF;
	s2 =	simm.s32 @!p0 $0x1C03  }
0x7f: {  	[timem:s3], [sflag:s2] =	dma.local @!p0 [hbm:s0], s1  }
0x80: {  	s0 =	simm.s32 @!p0 $0x3  }
0x81: {  	_ =	swait.ge @!p0 [sflag:s0], s1  }
0x82: {  	s1 =	ssub.s32 @!p0 $0x0, s1;
	[sflag:s0] =	ssyncset.done @!p0 $0x0  }
0x83: {  	[sflag:s0] =	ssyncadd.s32 @!p0 s1  }
0x84: {  	[bflag:$0x3] =	sbarrier.arrive $0xFFFF  }
0x85: {  	_ =	shalt  }

</sc_bundles>
